<compile_context>
chip_gen: v7x
topology: tpu7x:2x2x1
jax: 0.10.2.dev20260603
libtpu: 0.0.44.dev20260713+nightly
codegen_flags: <defaults>
</compile_context>

<pallas_src>
import functools

import jax
import jax.numpy as jnp
from jax import lax
from jax.experimental import pallas as pl
from jax.experimental.pallas import tpu as pltpu
from jax.experimental.pallas import tpu_sc as plsc

N = 10000
NP = 10240
E = 160000
D = 256
H = 128
NC = 2
NS = 16
L = 16
NW = NC * NS

ET = E // NS
CE = 80
NCHUNK = ET // CE

STRIPE = NP // NS

_mesh = plsc.VectorSubcoreMesh(core_axis_name="c", subcore_axis_name="s",
                               num_cores=NC, num_subcores=NS)


def _zero_rows(buf, nrows):
    def _body(i, _):
        for j in range(H // L):
            buf[i, pl.ds(j * L, L)] = jnp.zeros((L,), jnp.float32)
        return _
    lax.fori_loop(0, nrows, _body, None)


_DEG_C = 40
_DEG_PER_TILE = (E // NC) // NS
_DEG_NCHUNK = _DEG_PER_TILE // _DEG_C
_DEG_G = 5


@functools.partial(
    pl.kernel,
    out_type=jax.ShapeDtypeStruct((NC * NP, H), jnp.float32),
    mesh=_mesh,
    scratch_types=[
        pltpu.VMEM((CE, H), jnp.float32),
        pltpu.VMEM((_DEG_NCHUNK, _DEG_C), jnp.int32),
        pltpu.VMEM_SHARED((NP, H), jnp.float32),
        pltpu.SemaphoreType.DMA,
    ],
)
def _deg_kernel(dstd_hbm, deg_out, zob, didx, hist_sh, sem):
    c = lax.axis_index("c")
    s = lax.axis_index("s")
    w = c * NS + s

    _zero_rows(zob, CE)
    row0 = s * STRIPE
    for j in range(STRIPE // CE):
        pltpu.sync_copy(zob, hist_sh.at[pl.ds(row0 + j * CE, CE)])

    pltpu.sync_copy(dstd_hbm.at[w], didx)

    def _ones_body(i, _):
        for j in range(H // L):
            zob[i, pl.ds(j * L, L)] = jnp.ones((L,), jnp.float32)
        return _
    lax.fori_loop(0, _DEG_C, _ones_body, None)
    plsc.subcore_barrier()

    ones_rows = zob.at[pl.ds(0, _DEG_C)]

    def _grp_body(g, _):
        for j in range(_DEG_G):
            k = g * _DEG_G + j
            pltpu.async_copy(ones_rows, hist_sh.at[didx.at[k]], sem,
                             add=True)
        for j in range(_DEG_G):
            pltpu.make_async_copy(ones_rows, hist_sh.at[didx.at[0]],
                                  sem).wait()
        return _
    lax.fori_loop(0, _DEG_NCHUNK // _DEG_G, _grp_body, None)

    plsc.subcore_barrier()
    pltpu.sync_copy(hist_sh.at[pl.ds(row0, STRIPE)],
                    deg_out.at[pl.ds(c * NP + row0, STRIPE)])


@functools.partial(
    pl.kernel,
    out_type=jax.ShapeDtypeStruct((NC * NP, H), jnp.float32),
    mesh=_mesh,
    scratch_types=[
        pltpu.VMEM((ET,), jnp.int32),
        pltpu.VMEM((NCHUNK, CE), jnp.int32),
        pltpu.VMEM((CE, H), jnp.float32),
        pltpu.VMEM((CE, H), jnp.float32),
        pltpu.VMEM_SHARED((NP, H), jnp.float32),
        pltpu.SemaphoreType.DMA,
        pltpu.SemaphoreType.DMA,
        pltpu.SemaphoreType.DMA,
        pltpu.SemaphoreType.DMA,
    ],
)
def _agg_kernel(y_hbm, srca_hbm, dstu_hbm, z_out, idx_s, idx_d,
                rows_a, rows_b, z_sh, sem_a, sem_b, ssem_a, ssem_b):
    c = lax.axis_index("c")
    s = lax.axis_index("s")
    w = c * NS + s

    _zero_rows(rows_a, CE)
    row0 = s * STRIPE
    for j in range(STRIPE // CE):
        pltpu.sync_copy(rows_a, z_sh.at[pl.ds(row0 + j * CE, CE)])

    pltpu.sync_copy(srca_hbm.at[w], idx_s)
    pltpu.sync_copy(dstu_hbm.at[s], idx_d)
    plsc.subcore_barrier()

    def _gather(k, buf, sem):
        pltpu.async_copy(y_hbm.at[idx_s.at[pl.ds(k * CE, CE)]], buf, sem)

    def _wait(buf, sem):
        pltpu.make_async_copy(y_hbm.at[pl.ds(0, CE)], buf, sem).wait()

    def _wait_scat(buf, ssem):
        pltpu.make_async_copy(buf, z_sh.at[idx_d.at[0]], ssem).wait()

    def _path(k, buf, gsem, ssem, obuf, ogsem, ossem):
        @pl.when(k >= 2)
        def _():
            _wait_scat(buf, ssem)
        _gather(k, buf, gsem)

        @pl.when(k >= 1)
        def _():
            _wait(obuf, ogsem)
            pltpu.async_copy(obuf, z_sh.at[idx_d.at[k - 1]], ossem,
                             add=True)

    def _chunk_body(k, _):
        @pl.when(k % 2 == 0)
        def _():
            _path(k, rows_a, sem_a, ssem_a, rows_b, sem_b, ssem_b)

        @pl.when(k % 2 == 1)
        def _():
            _path(k, rows_b, sem_b, ssem_b, rows_a, sem_a, ssem_a)
        return _
    lax.fori_loop(0, NCHUNK, _chunk_body, None)

    _wait(rows_a, sem_a)
    pltpu.sync_copy(rows_a, z_sh.at[idx_d.at[NCHUNK - 1]], add=True)
    _wait_scat(rows_b, ssem_b)

    plsc.subcore_barrier()
    pltpu.sync_copy(z_sh.at[pl.ds(row0, STRIPE)],
                    z_out.at[pl.ds(c * NP + row0, STRIPE)])


@functools.partial(
    pl.kernel,
    out_type=jax.ShapeDtypeStruct((E, D), jnp.float32),
    mesh=_mesh,
    scratch_types=[
        pltpu.VMEM((NCHUNK, CE), jnp.int32),
        pltpu.VMEM((NCHUNK, CE), jnp.int32),
        pltpu.VMEM((CE, H), jnp.float32),
        pltpu.VMEM((CE, H), jnp.float32),
        pltpu.SemaphoreType.DMA,
        pltpu.SemaphoreType.DMA,
        pltpu.SemaphoreType.DMA,
        pltpu.SemaphoreType.DMA,
    ],
)
def _edge_kernel(h_hbm, srca_hbm, dsta_hbm, out_hbm, idx_s, idx_d,
                 buf_a, buf_b, gsem_a, gsem_b, wsem_a, wsem_b):
    c = lax.axis_index("c")
    s = lax.axis_index("s")
    w = c * NS + s
    base = s * ET
    col0 = c * H

    pltpu.sync_copy(srca_hbm.at[w], idx_s)
    pltpu.sync_copy(dsta_hbm.at[w], idx_d)

    def _wait_write(buf, wsem):
        pltpu.make_async_copy(
            buf, out_hbm.at[pl.ds(base, CE), pl.ds(col0, H)], wsem).wait()

    def _wait_gather(buf, gsem):
        pltpu.make_async_copy(h_hbm.at[pl.ds(0, CE)], buf, gsem).wait()

    def _gsrc(k, buf, gsem):
        pltpu.async_copy(h_hbm.at[idx_s.at[k]], buf, gsem)

    _gsrc(0, buf_a, gsem_a)

    def _path(k, buf, gsem, wsem, obuf, ogsem, owsem):
        _wait_gather(buf, gsem)
        pltpu.async_copy(h_hbm.at[idx_d.at[k]], buf, gsem, add=True)

        @pl.when(k < NCHUNK - 1)
        def _():
            @pl.when(k >= 1)
            def _():
                _wait_write(obuf, owsem)
            _gsrc(k + 1, obuf, ogsem)

        _wait_gather(buf, gsem)
        off = pl.multiple_of(base + k * CE, 8)
        pltpu.async_copy(buf, out_hbm.at[pl.ds(off, CE), pl.ds(col0, H)],
                         wsem)

    def _chunk_body(k, _):
        @pl.when(k % 2 == 0)
        def _():
            _path(k, buf_a, gsem_a, wsem_a, buf_b, gsem_b, wsem_b)

        @pl.when(k % 2 == 1)
        def _():
            _path(k, buf_b, gsem_b, wsem_b, buf_a, gsem_a, wsem_a)
        return _
    lax.fori_loop(0, NCHUNK, _chunk_body, None)

    _wait_write(buf_a, wsem_a)
    _wait_write(buf_b, wsem_b)


_BR = 640


def _dinv_block(deg_a, deg_b):
    return lax.rsqrt(deg_a[:, 0:1] + deg_b[:, 0:1] + 1.0)


def _tc_mm_body(x_ref, w_ref, xw_ref):
    xw_ref[...] = jnp.dot(x_ref[...], w_ref[...],
                          preferred_element_type=jnp.float32)


def _tc_a_body(xw_ref, dega_ref, degb_ref, y_ref):
    dinv = _dinv_block(dega_ref[...], degb_ref[...])
    y = xw_ref[...] * dinv
    y_ref[0] = y[:, :H]
    y_ref[1] = y[:, H:]


def _tc_b_body(zlo_ref, zhi_ref, ylo_ref, yhi_ref, dega_ref, degb_ref,
               b1_ref, w2_ref, y2_ref):
    dinv = _dinv_block(dega_ref[...], degb_ref[...])
    h_lo = jnp.maximum((zlo_ref[...] + ylo_ref[...]) * dinv
                       + b1_ref[0:1, :H], 0.0)
    h_hi = jnp.maximum((zhi_ref[...] + yhi_ref[...]) * dinv
                       + b1_ref[0:1, H:], 0.0)
    xw2 = (jnp.dot(h_lo, w2_ref[:H, :], preferred_element_type=jnp.float32)
           + jnp.dot(h_hi, w2_ref[H:, :], preferred_element_type=jnp.float32))
    y2 = xw2 * dinv
    y2_ref[0] = y2[:, :H]
    y2_ref[1] = y2[:, H:]


def _tc_c_body(zlo_ref, zhi_ref, ylo_ref, yhi_ref, dega_ref, degb_ref,
               b2_ref, h_ref):
    dinv = _dinv_block(dega_ref[...], degb_ref[...])
    h_ref[0] = ((zlo_ref[...] + ylo_ref[...]) * dinv + b2_ref[0:1, :H]) * 0.5
    h_ref[1] = ((zhi_ref[...] + yhi_ref[...]) * dinv + b2_ref[0:1, H:]) * 0.5


_row_spec = pl.BlockSpec((_BR, D), lambda i: (i, 0))
_half_lo_spec = pl.BlockSpec((_BR, H), lambda i: (i, 0))
_half_hi_spec = pl.BlockSpec((_BR, H), lambda i: (NP // _BR + i, 0))
_w_spec = pl.BlockSpec((D, D), lambda i: (0, 0))
_b_spec = pl.BlockSpec((1, D), lambda i: (0, 0))
_split_out_spec = pl.BlockSpec((NC, _BR, H), lambda i: (0, i, 0))
_split_out_shape = jax.ShapeDtypeStruct((NC, NP, H), jnp.float32)

_tc_mm = pl.pallas_call(
    _tc_mm_body,
    grid=(NP // _BR,),
    in_specs=[_row_spec, _w_spec],
    out_specs=_row_spec,
    out_shape=jax.ShapeDtypeStruct((NP, D), jnp.float32),
)

_tc_a = pl.pallas_call(
    _tc_a_body,
    grid=(NP // _BR,),
    in_specs=[_row_spec, _half_lo_spec, _half_hi_spec],
    out_specs=_split_out_spec,
    out_shape=_split_out_shape,
)

_tc_b = pl.pallas_call(
    _tc_b_body,
    grid=(NP // _BR,),
    in_specs=[_half_lo_spec, _half_hi_spec, _half_lo_spec, _half_hi_spec,
              _half_lo_spec, _half_hi_spec, _b_spec, _w_spec],
    out_specs=_split_out_spec,
    out_shape=_split_out_shape,
)

_tc_c = pl.pallas_call(
    _tc_c_body,
    grid=(NP // _BR,),
    in_specs=[_half_lo_spec, _half_hi_spec, _half_lo_spec, _half_hi_spec,
              _half_lo_spec, _half_hi_spec, _b_spec],
    out_specs=_split_out_spec,
    out_shape=_split_out_shape,
)


def kernel(x, edge_index, W1, b1, W2, b2):
    ei = edge_index.astype(jnp.int32)
    src = ei[0]
    dst = ei[1]
    b1r = b1.reshape(1, D)
    b2r = b2.reshape(1, D)
    x_pad = jnp.concatenate(
        [x, jnp.zeros((NP - N, D), jnp.float32)], axis=0)

    src_t = src.reshape(NS, NCHUNK, CE)
    dst_t = dst.reshape(NS, NCHUNK, CE)
    src_a = jnp.concatenate([src_t, src_t + NP]).reshape(NW, NCHUNK, CE)
    dst_a = jnp.concatenate([dst_t, dst_t + NP]).reshape(NW, NCHUNK, CE)
    dst_d = dst.reshape(NW, _DEG_NCHUNK, _DEG_C)
    src_r = src.reshape(NS, ET)
    src_aa = jnp.concatenate([src_r, src_r + NP]).reshape(NW, ET)

    xw1 = _tc_mm(x_pad, W1)
    deg = _deg_kernel(dst_d)

    y1 = _tc_a(xw1, deg, deg).reshape(NC * NP, H)
    z1 = _agg_kernel(y1, src_aa, dst_t)
    y2 = _tc_b(z1, z1, y1, y1, deg, deg, b1r, W2).reshape(NC * NP, H)
    z2 = _agg_kernel(y2, src_aa, dst_t)
    h = _tc_c(z2, z2, y2, y2, deg, deg, b2r).reshape(NC * NP, H)
    return _edge_kernel(h, src_a, dst_a)

# --- scband reference (transcript-rebuilt; emitter-appended) ---
"""Pipeline reference for scband-simple-gnn-74191265071849 (READ-ONLY COPY).

The authoritative reference and input builder live on the scoring server;
editing this copy changes nothing except your own understanding.
"""

import jax, jax.numpy as jnp
import numpy as np

NUM_NODES = 10000
NUM_EDGES = 160000
D_IN = 256
D_HID = 256
D_OUT = 256


def gcn_conv(x, edge_index, W, b):
    n = x.shape[0]
    src = edge_index[0]
    dst = edge_index[1]
    # add self-loops (PyG GCNConv default add_self_loops=True)
    loop = jnp.arange(n, dtype=edge_index.dtype)
    src = jnp.concatenate([src, loop])
    dst = jnp.concatenate([dst, loop])
    ew = jnp.ones(src.shape[0], dtype=x.dtype)
    # symmetric normalization: deg from dst (col), norm = d^{-1/2}[src] * d^{-1/2}[dst]
    deg = jnp.zeros(n, dtype=x.dtype).at[dst].add(ew)
    deg_inv_sqrt = jnp.where(deg > 0, 1.0 / jnp.sqrt(deg), 0.0)
    norm = deg_inv_sqrt[src] * deg_inv_sqrt[dst]
    # linear transform then propagate
    xw = x @ W
    msg = xw[src] * norm[:, None]
    out = jnp.zeros((n, xw.shape[1]), dtype=x.dtype).at[dst].add(msg)
    return out + b


def setup_inputs(seed: int = 0) -> dict:
    key = jax.random.key(seed)
    k1, k2, k3, k4, k5, k6 = jax.random.split(key, 6)
    x = jax.random.normal(k1, (NUM_NODES, D_IN), dtype=jnp.float32)
    edge_index = jax.random.randint(k2, (2, NUM_EDGES), 0, NUM_NODES, dtype=jnp.int64)
    # glorot-style init for GCN weights, zero bias (PyG default)
    s1 = float(np.sqrt(6.0 / (D_IN + D_HID)))
    s2 = float(np.sqrt(6.0 / (D_HID + D_OUT)))
    W1 = jax.random.uniform(k3, (D_IN, D_HID), dtype=jnp.float32, minval=-s1, maxval=s1)
    b1 = jnp.zeros((D_HID,), dtype=jnp.float32)
    W2 = jax.random.uniform(k4, (D_HID, D_OUT), dtype=jnp.float32, minval=-s2, maxval=s2)
    b2 = jnp.zeros((D_OUT,), dtype=jnp.float32)
    return {"x": x, "edge_index": edge_index, "W1": W1, "b1": b1, "W2": W2, "b2": b2}


def reference(x, edge_index, W1, b1, W2, b2):
    h = gcn_conv(x, edge_index, W1, b1)
    h = jax.nn.relu(h)
    h = gcn_conv(h, edge_index, W2, b2)
    edge_features = (h[edge_index[0]] + h[edge_index[1]]) / 2.0
    return jnp.squeeze(edge_features)

if __name__ == "__main__":
    import jax
    _d = setup_inputs()
    print(jax.jit(kernel)(*tuple(_d.values())))

</pallas_src>

<mosaic_0001>
#map = affine_map<(d0, d1) -> (0, 0, 0)>
#map1 = affine_map<(d0, d1) -> (0, 0)>
module attributes {stable_mosaic.version = 14 : i64} {
  func.func @_deg_kernel(%arg0: i32, %arg1: i32, %arg2: memref<32x125x40xi32, #tpu.memory_space<hbm>>, %arg3: memref<20480x128xf32, #tpu.memory_space<hbm>>, %arg4: memref<80x128xf32, #tpu.memory_space<vmem>>, %arg5: memref<125x40xi32, #tpu.memory_space<vmem>>, %arg6: memref<10240x128xf32, #tpu.memory_space<vmem_shared>>, %arg7: memref<!tpu.dma_semaphore, #tpu.memory_space<semaphore_mem>>) attributes {dimension_semantics = [#tpu.dimension_semantics<core_parallel>, #tpu.dimension_semantics<subcore_parallel>], iteration_bounds = array<i64: 2, 16>, scalar_prefetch = 0 : i64, scratch_operands = 4 : i64, tpu.core_type = #tpu.core_type<sc_vector_subcore>, window_params = [{transform_indices = #map}, {transform_indices = #map1}]} {
    %mul3A = arith.constant 16 : i32
    %mul3A_0 = arith.muli %arg0, %mul3A : i32
    %add3A = arith.addi %mul3A_0, %arg1 : i32
    %scan3A = arith.constant 0 : i32
    %scan3A_1 = arith.constant 80 : i32
    %scan3A_2 = arith.addi %scan3A, %scan3A_1 : i32
    %scan3A_3 = arith.constant 1 : i32
    scf.for %scan3A_37 = %scan3A to %scan3A_2 step %scan3A_3  : i32 {
      %broadcast_in_dim3A = arith.constant 0.000000e+00 : f32
      %broadcast_in_dim3A_38 = vector.broadcast %broadcast_in_dim3A : f32 to vector<16xf32>
      %swap3A = arith.index_cast %scan3A_37 : i32 to index
      %swap3A_39 = arith.constant 0 : index
      %swap3A_40 = tpu.vector_load %arg4[%swap3A, %swap3A_39] {strides = array<i32>} : memref<80x128xf32, #tpu.memory_space<vmem>>, vector<1x16xf32>,
      %swap3A_41 = vector.shape_cast %swap3A_40 : vector<1x16xf32> to vector<16xf32>
      %swap3A_42 = vector.shape_cast %broadcast_in_dim3A_38 : vector<16xf32> to vector<1x16xf32>
      tpu.vector_store %arg4[%swap3A, %swap3A_39], %swap3A_42 {strides = array<i32>} : memref<80x128xf32, #tpu.memory_space<vmem>>, vector<1x16xf32>,
      %broadcast_in_dim3A_43 = arith.constant 0.000000e+00 : f32
      %broadcast_in_dim3A_44 = vector.broadcast %broadcast_in_dim3A_43 : f32 to vector<16xf32>
      %swap3A_45 = arith.index_cast %scan3A_37 : i32 to index
      %swap3A_46 = arith.constant 16 : index
      %swap3A_47 = tpu.vector_load %arg4[%swap3A_45, %swap3A_46] {strides = array<i32>} : memref<80x128xf32, #tpu.memory_space<vmem>>, vector<1x16xf32>,
      %swap3A_48 = vector.shape_cast %swap3A_47 : vector<1x16xf32> to vector<16xf32>
      %swap3A_49 = vector.shape_cast %broadcast_in_dim3A_44 : vector<16xf32> to vector<1x16xf32>
      tpu.vector_store %arg4[%swap3A_45, %swap3A_46], %swap3A_49 {strides = array<i32>} : memref<80x128xf32, #tpu.memory_space<vmem>>, vector<1x16xf32>,
      %broadcast_in_dim3A_50 = arith.constant 0.000000e+00 : f32
      %broadcast_in_dim3A_51 = vector.broadcast %broadcast_in_dim3A_50 : f32 to vector<16xf32>
      %swap3A_52 = arith.index_cast %scan3A_37 : i32 to index
      %swap3A_53 = arith.constant 32 : index
      %swap3A_54 = tpu.vector_load %arg4[%swap3A_52, %swap3A_53] {strides = array<i32>} : memref<80x128xf32, #tpu.memory_space<vmem>>, vector<1x16xf32>,
      %swap3A_55 = vector.shape_cast %swap3A_54 : vector<1x16xf32> to vector<16xf32>
      %swap3A_56 = vector.shape_cast %broadcast_in_dim3A_51 : vector<16xf32> to vector<1x16xf32>
      tpu.vector_store %arg4[%swap3A_52, %swap3A_53], %swap3A_56 {strides = array<i32>} : memref<80x128xf32, #tpu.memory_space<vmem>>, vector<1x16xf32>,
      %broadcast_in_dim3A_57 = arith.constant 0.000000e+00 : f32
      %broadcast_in_dim3A_58 = vector.broadcast %broadcast_in_dim3A_57 : f32 to vector<16xf32>
      %swap3A_59 = arith.index_cast %scan3A_37 : i32 to index
      %swap3A_60 = arith.constant 48 : index
      %swap3A_61 = tpu.vector_load %arg4[%swap3A_59, %swap3A_60] {strides = array<i32>} : memref<80x128xf32, #tpu.memory_space<vmem>>, vector<1x16xf32>,
      %swap3A_62 = vector.shape_cast %swap3A_61 : vector<1x16xf32> to vector<16xf32>
      %swap3A_63 = vector.shape_cast %broadcast_in_dim3A_58 : vector<16xf32> to vector<1x16xf32>
      tpu.vector_store %arg4[%swap3A_59, %swap3A_60], %swap3A_63 {strides = array<i32>} : memref<80x128xf32, #tpu.memory_space<vmem>>, vector<1x16xf32>,
      %broadcast_in_dim3A_64 = arith.constant 0.000000e+00 : f32
      %broadcast_in_dim3A_65 = vector.broadcast %broadcast_in_dim3A_64 : f32 to vector<16xf32>
      %swap3A_66 = arith.index_cast %scan3A_37 : i32 to index
      %swap3A_67 = arith.constant 64 : index
      %swap3A_68 = tpu.vector_load %arg4[%swap3A_66, %swap3A_67] {strides = array<i32>} : memref<80x128xf32, #tpu.memory_space<vmem>>, vector<1x16xf32>,
      %swap3A_69 = vector.shape_cast %swap3A_68 : vector<1x16xf32> to vector<16xf32>
      %swap3A_70 = vector.shape_cast %broadcast_in_dim3A_65 : vector<16xf32> to vector<1x16xf32>
      tpu.vector_store %arg4[%swap3A_66, %swap3A_67], %swap3A_70 {strides = array<i32>} : memref<80x128xf32, #tpu.memory_space<vmem>>, vector<1x16xf32>,
      %broadcast_in_dim3A_71 = arith.constant 0.000000e+00 : f32
      %broadcast_in_dim3A_72 = vector.broadcast %broadcast_in_dim3A_71 : f32 to vector<16xf32>
      %swap3A_73 = arith.index_cast %scan3A_37 : i32 to index
      %swap3A_74 = arith.constant 80 : index
      %swap3A_75 = tpu.vector_load %arg4[%swap3A_73, %swap3A_74] {strides = array<i32>} : memref<80x128xf32, #tpu.memory_space<vmem>>, vector<1x16xf32>,
      %swap3A_76 = vector.shape_cast %swap3A_75 : vector<1x16xf32> to vector<16xf32>
      %swap3A_77 = vector.shape_cast %broadcast_in_dim3A_72 : vector<16xf32> to vector<1x16xf32>
      tpu.vector_store %arg4[%swap3A_73, %swap3A_74], %swap3A_77 {strides = array<i32>} : memref<80x128xf32, #tpu.memory_space<vmem>>, vector<1x16xf32>,
      %broadcast_in_dim3A_78 = arith.constant 0.000000e+00 : f32
      %broadcast_in_dim3A_79 = vector.broadcast %broadcast_in_dim3A_78 : f32 to vector<16xf32>
      %swap3A_80 = arith.index_cast %scan3A_37 : i32 to index
      %swap3A_81 = arith.constant 96 : index
      %swap3A_82 = tpu.vector_load %arg4[%swap3A_80, %swap3A_81] {strides = array<i32>} : memref<80x128xf32, #tpu.memory_space<vmem>>, vector<1x16xf32>,
      %swap3A_83 = vector.shape_cast %swap3A_82 : vector<1x16xf32> to vector<16xf32>
      %swap3A_84 = vector.shape_cast %broadcast_in_dim3A_79 : vector<16xf32> to vector<1x16xf32>
      tpu.vector_store %arg4[%swap3A_80, %swap3A_81], %swap3A_84 {strides = array<i32>} : memref<80x128xf32, #tpu.memory_space<vmem>>, vector<1x16xf32>,
      %broadcast_in_dim3A_85 = arith.constant 0.000000e+00 : f32
      %broadcast_in_dim3A_86 = vector.broadcast %broadcast_in_dim3A_85 : f32 to vector<16xf32>
      %swap3A_87 = arith.index_cast %scan3A_37 : i32 to index
      %swap3A_88 = arith.constant 112 : index
      %swap3A_89 = tpu.vector_load %arg4[%swap3A_87, %swap3A_88] {strides = array<i32>} : memref<80x128xf32, #tpu.memory_space<vmem>>, vector<1x16xf32>,
      %swap3A_90 = vector.shape_cast %swap3A_89 : vector<1x16xf32> to vector<16xf32>
      %swap3A_91 = vector.shape_cast %broadcast_in_dim3A_86 : vector<16xf32> to vector<1x16xf32>
      tpu.vector_store %arg4[%swap3A_87, %swap3A_88], %swap3A_91 {strides = array<i32>} : memref<80x128xf32, #tpu.memory_space<vmem>>, vector<1x16xf32>,
    }
    %scan3A_4 = arith.constant 80 : i32
    %mul3A_5 = arith.constant 640 : i32
    %mul3A_6 = arith.muli %arg1, %mul3A_5 : i32
    %add3A_7 = arith.constant 0 : i32
    %add3A_8 = arith.addi %mul3A_6, %add3A_7 : i32
    "tpu.region"() ({
      %run_scoped3A = tpu.sem_alloc : memref<!tpu.dma_semaphore, #tpu.memory_space<semaphore_mem>>
      %dma_start3A = arith.constant 0 : i32
      %dma_start3A_37 = tpu.memref_slice %arg6[%add3A_8, %dma_start3A] : memref<10240x128xf32, #tpu.memory_space<vmem_shared>> -> memref<80x128xf32, #tpu.memory_space<vmem_shared>>
      %dma_start3A_38 = arith.constant 0 : i32
      %dma_start3A_39 = tpu.memref_slice %arg6[%add3A_8, %dma_start3A_38] : memref<10240x128xf32, #tpu.memory_space<vmem_shared>> -> memref<80x128xf32, #tpu.memory_space<vmem_shared>>
      tpu.enqueue_dma source(%arg4 : memref<80x128xf32, #tpu.memory_space<vmem>>) target(%dma_start3A_39 : memref<80x128xf32, #tpu.memory_space<vmem_shared>>) target_semaphore(%run_scoped3A : memref<!tpu.dma_semaphore, #tpu.memory_space<semaphore_mem>>)
      %dma_wait3A = arith.constant 0 : i32
      %dma_wait3A_40 = tpu.memref_slice %arg6[%add3A_8, %dma_wait3A] : memref<10240x128xf32, #tpu.memory_space<vmem_shared>> -> memref<80x128xf32, #tpu.memory_space<vmem_shared>>
      %dma_wait3A_41 = arith.constant 0 : i32
      %dma_wait3A_42 = tpu.memref_slice %arg6[%add3A_8, %dma_wait3A_41] : memref<10240x128xf32, #tpu.memory_space<vmem_shared>> -> memref<80x128xf32, #tpu.memory_space<vmem_shared>>
      tpu.wait_dma2 semaphore(%run_scoped3A : memref<!tpu.dma_semaphore, #tpu.memory_space<semaphore_mem>>) src(%arg4 : memref<80x128xf32, #tpu.memory_space<vmem>>) dst(%dma_wait3A_42 : memref<80x128xf32, #tpu.memory_space<vmem_shared>>)
      tpu.yield
    }) : () -> ()
    %add3A_9 = arith.constant 80 : i32
    %add3A_10 = arith.addi %mul3A_6, %add3A_9 : i32
    "tpu.region"() ({
      %run_scoped3A = tpu.sem_alloc : memref<!tpu.dma_semaphore, #tpu.memory_space<semaphore_mem>>
      %dma_start3A = arith.constant 0 : i32
      %dma_start3A_37 = tpu.memref_slice %arg6[%add3A_10, %dma_start3A] : memref<10240x128xf32, #tpu.memory_space<vmem_shared>> -> memref<80x128xf32, #tpu.memory_space<vmem_shared>>
      %dma_start3A_38 = arith.constant 0 : i32
      %dma_start3A_39 = tpu.memref_slice %arg6[%add3A_10, %dma_start3A_38] : memref<10240x128xf32, #tpu.memory_space<vmem_shared>> -> memref<80x128xf32, #tpu.memory_space<vmem_shared>>
      tpu.enqueue_dma source(%arg4 : memref<80x128xf32, #tpu.memory_space<vmem>>) target(%dma_start3A_39 : memref<80x128xf32, #tpu.memory_space<vmem_shared>>) target_semaphore(%run_scoped3A : memref<!tpu.dma_semaphore, #tpu.memory_space<semaphore_mem>>)
      %dma_wait3A = arith.constant 0 : i32
      %dma_wait3A_40 = tpu.memref_slice %arg6[%add3A_10, %dma_wait3A] : memref<10240x128xf32, #tpu.memory_space<vmem_shared>> -> memref<80x128xf32, #tpu.memory_space<vmem_shared>>
      %dma_wait3A_41 = arith.constant 0 : i32
      %dma_wait3A_42 = tpu.memref_slice %arg6[%add3A_10, %dma_wait3A_41] : memref<10240x128xf32, #tpu.memory_space<vmem_shared>> -> memref<80x128xf32, #tpu.memory_space<vmem_shared>>
      tpu.wait_dma2 semaphore(%run_scoped3A : memref<!tpu.dma_semaphore, #tpu.memory_space<semaphore_mem>>) src(%arg4 : memref<80x128xf32, #tpu.memory_space<vmem>>) dst(%dma_wait3A_42 : memref<80x128xf32, #tpu.memory_space<vmem_shared>>)
      tpu.yield
    }) : () -> ()
    %add3A_11 = arith.constant 160 : i32
    %add3A_12 = arith.addi %mul3A_6, %add3A_11 : i32
    "tpu.region"() ({
      %run_scoped3A = tpu.sem_alloc : memref<!tpu.dma_semaphore, #tpu.memory_space<semaphore_mem>>
      %dma_start3A = arith.constant 0 : i32
      %dma_start3A_37 = tpu.memref_slice %arg6[%add3A_12, %dma_start3A] : memref<10240x128xf32, #tpu.memory_space<vmem_shared>> -> memref<80x128xf32, #tpu.memory_space<vmem_shared>>
      %dma_start3A_38 = arith.constant 0 : i32
      %dma_start3A_39 = tpu.memref_slice %arg6[%add3A_12, %dma_start3A_38] : memref<10240x128xf32, #tpu.memory_space<vmem_shared>> -> memref<80x128xf32, #tpu.memory_space<vmem_shared>>
      tpu.enqueue_dma source(%arg4 : memref<80x128xf32, #tpu.memory_space<vmem>>) target(%dma_start3A_39 : memref<80x128xf32, #tpu.memory_space<vmem_shared>>) target_semaphore(%run_scoped3A : memref<!tpu.dma_semaphore, #tpu.memory_space<semaphore_mem>>)
      %dma_wait3A = arith.constant 0 : i32
      %dma_wait3A_40 = tpu.memref_slice %arg6[%add3A_12, %dma_wait3A] : memref<10240x128xf32, #tpu.memory_space<vmem_shared>> -> memref<80x128xf32, #tpu.memory_space<vmem_shared>>
      %dma_wait3A_41 = arith.constant 0 : i32
      %dma_wait3A_42 = tpu.memref_slice %arg6[%add3A_12, %dma_wait3A_41] : memref<10240x128xf32, #tpu.memory_space<vmem_shared>> -> memref<80x128xf32, #tpu.memory_space<vmem_shared>>
      tpu.wait_dma2 semaphore(%run_scoped3A : memref<!tpu.dma_semaphore, #tpu.memory_space<semaphore_mem>>) src(%arg4 : memref<80x128xf32, #tpu.memory_space<vmem>>) dst(%dma_wait3A_42 : memref<80x128xf32, #tpu.memory_space<vmem_shared>>)
      tpu.yield
    }) : () -> ()
    %add3A_13 = arith.constant 240 : i32
    %add3A_14 = arith.addi %mul3A_6, %add3A_13 : i32
    "tpu.region"() ({
      %run_scoped3A = tpu.sem_alloc : memref<!tpu.dma_semaphore, #tpu.memory_space<semaphore_mem>>
      %dma_start3A = arith.constant 0 : i32
      %dma_start3A_37 = tpu.memref_slice %arg6[%add3A_14, %dma_start3A] : memref<10240x128xf32, #tpu.memory_space<vmem_shared>> -> memref<80x128xf32, #tpu.memory_space<vmem_shared>>
      %dma_start3A_38 = arith.constant 0 : i32
      %dma_start3A_39 = tpu.memref_slice %arg6[%add3A_14, %dma_start3A_38] : memref<10240x128xf32, #tpu.memory_space<vmem_shared>> -> memref<80x128xf32, #tpu.memory_space<vmem_shared>>
      tpu.enqueue_dma source(%arg4 : memref<80x128xf32, #tpu.memory_space<vmem>>) target(%dma_start3A_39 : memref<80x128xf32, #tpu.memory_space<vmem_shared>>) target_semaphore(%run_scoped3A : memref<!tpu.dma_semaphore, #tpu.memory_space<semaphore_mem>>)
      %dma_wait3A = arith.constant 0 : i32
      %dma_wait3A_40 = tpu.memref_slice %arg6[%add3A_14, %dma_wait3A] : memref<10240x128xf32, #tpu.memory_space<vmem_shared>> -> memref<80x128xf32, #tpu.memory_space<vmem_shared>>
      %dma_wait3A_41 = arith.constant 0 : i32
      %dma_wait3A_42 = tpu.memref_slice %arg6[%add3A_14, %dma_wait3A_41] : memref<10240x128xf32, #tpu.memory_space<vmem_shared>> -> memref<80x128xf32, #tpu.memory_space<vmem_shared>>
      tpu.wait_dma2 semaphore(%run_scoped3A : memref<!tpu.dma_semaphore, #tpu.memory_space<semaphore_mem>>) src(%arg4 : memref<80x128xf32, #tpu.memory_space<vmem>>) dst(%dma_wait3A_42 : memref<80x128xf32, #tpu.memory_space<vmem_shared>>)
      tpu.yield
    }) : () -> ()
    %add3A_15 = arith.constant 320 : i32
    %add3A_16 = arith.addi %mul3A_6, %add3A_15 : i32
    "tpu.region"() ({
      %run_scoped3A = tpu.sem_alloc : memref<!tpu.dma_semaphore, #tpu.memory_space<semaphore_mem>>
      %dma_start3A = arith.constant 0 : i32
      %dma_start3A_37 = tpu.memref_slice %arg6[%add3A_16, %dma_start3A] : memref<10240x128xf32, #tpu.memory_space<vmem_shared>> -> memref<80x128xf32, #tpu.memory_space<vmem_shared>>
      %dma_start3A_38 = arith.constant 0 : i32
      %dma_start3A_39 = tpu.memref_slice %arg6[%add3A_16, %dma_start3A_38] : memref<10240x128xf32, #tpu.memory_space<vmem_shared>> -> memref<80x128xf32, #tpu.memory_space<vmem_shared>>
      tpu.enqueue_dma source(%arg4 : memref<80x128xf32, #tpu.memory_space<vmem>>) target(%dma_start3A_39 : memref<80x128xf32, #tpu.memory_space<vmem_shared>>) target_semaphore(%run_scoped3A : memref<!tpu.dma_semaphore, #tpu.memory_space<semaphore_mem>>)
      %dma_wait3A = arith.constant 0 : i32
      %dma_wait3A_40 = tpu.memref_slice %arg6[%add3A_16, %dma_wait3A] : memref<10240x128xf32, #tpu.memory_space<vmem_shared>> -> memref<80x128xf32, #tpu.memory_space<vmem_shared>>
      %dma_wait3A_41 = arith.constant 0 : i32
      %dma_wait3A_42 = tpu.memref_slice %arg6[%add3A_16, %dma_wait3A_41] : memref<10240x128xf32, #tpu.memory_space<vmem_shared>> -> memref<80x128xf32, #tpu.memory_space<vmem_shared>>
      tpu.wait_dma2 semaphore(%run_scoped3A : memref<!tpu.dma_semaphore, #tpu.memory_space<semaphore_mem>>) src(%arg4 : memref<80x128xf32, #tpu.memory_space<vmem>>) dst(%dma_wait3A_42 : memref<80x128xf32, #tpu.memory_space<vmem_shared>>)
      tpu.yield
    }) : () -> ()
    %add3A_17 = arith.constant 400 : i32
    %add3A_18 = arith.addi %mul3A_6, %add3A_17 : i32
    "tpu.region"() ({
      %run_scoped3A = tpu.sem_alloc : memref<!tpu.dma_semaphore, #tpu.memory_space<semaphore_mem>>
      %dma_start3A = arith.constant 0 : i32
      %dma_start3A_37 = tpu.memref_slice %arg6[%add3A_18, %dma_start3A] : memref<10240x128xf32, #tpu.memory_space<vmem_shared>> -> memref<80x128xf32, #tpu.memory_space<vmem_shared>>
      %dma_start3A_38 = arith.constant 0 : i32
      %dma_start3A_39 = tpu.memref_slice %arg6[%add3A_18, %dma_start3A_38] : memref<10240x128xf32, #tpu.memory_space<vmem_shared>> -> memref<80x128xf32, #tpu.memory_space<vmem_shared>>
      tpu.enqueue_dma source(%arg4 : memref<80x128xf32, #tpu.memory_space<vmem>>) target(%dma_start3A_39 : memref<80x128xf32, #tpu.memory_space<vmem_shared>>) target_semaphore(%run_scoped3A : memref<!tpu.dma_semaphore, #tpu.memory_space<semaphore_mem>>)
      %dma_wait3A = arith.constant 0 : i32
      %dma_wait3A_40 = tpu.memref_slice %arg6[%add3A_18, %dma_wait3A] : memref<10240x128xf32, #tpu.memory_space<vmem_shared>> -> memref<80x128xf32, #tpu.memory_space<vmem_shared>>
      %dma_wait3A_41 = arith.constant 0 : i32
      %dma_wait3A_42 = tpu.memref_slice %arg6[%add3A_18, %dma_wait3A_41] : memref<10240x128xf32, #tpu.memory_space<vmem_shared>> -> memref<80x128xf32, #tpu.memory_space<vmem_shared>>
      tpu.wait_dma2 semaphore(%run_scoped3A : memref<!tpu.dma_semaphore, #tpu.memory_space<semaphore_mem>>) src(%arg4 : memref<80x128xf32, #tpu.memory_space<vmem>>) dst(%dma_wait3A_42 : memref<80x128xf32, #tpu.memory_space<vmem_shared>>)
      tpu.yield
    }) : () -> ()
    %add3A_19 = arith.constant 480 : i32
    %add3A_20 = arith.addi %mul3A_6, %add3A_19 : i32
    "tpu.region"() ({
      %run_scoped3A = tpu.sem_alloc : memref<!tpu.dma_semaphore, #tpu.memory_space<semaphore_mem>>
      %dma_start3A = arith.constant 0 : i32
      %dma_start3A_37 = tpu.memref_slice %arg6[%add3A_20, %dma_start3A] : memref<10240x128xf32, #tpu.memory_space<vmem_shared>> -> memref<80x128xf32, #tpu.memory_space<vmem_shared>>
      %dma_start3A_38 = arith.constant 0 : i32
      %dma_start3A_39 = tpu.memref_slice %arg6[%add3A_20, %dma_start3A_38] : memref<10240x128xf32, #tpu.memory_space<vmem_shared>> -> memref<80x128xf32, #tpu.memory_space<vmem_shared>>
      tpu.enqueue_dma source(%arg4 : memref<80x128xf32, #tpu.memory_space<vmem>>) target(%dma_start3A_39 : memref<80x128xf32, #tpu.memory_space<vmem_shared>>) target_semaphore(%run_scoped3A : memref<!tpu.dma_semaphore, #tpu.memory_space<semaphore_mem>>)
      %dma_wait3A = arith.constant 0 : i32
      %dma_wait3A_40 = tpu.memref_slice %arg6[%add3A_20, %dma_wait3A] : memref<10240x128xf32, #tpu.memory_space<vmem_shared>> -> memref<80x128xf32, #tpu.memory_space<vmem_shared>>
      %dma_wait3A_41 = arith.constant 0 : i32
      %dma_wait3A_42 = tpu.memref_slice %arg6[%add3A_20, %dma_wait3A_41] : memref<10240x128xf32, #tpu.memory_space<vmem_shared>> -> memref<80x128xf32, #tpu.memory_space<vmem_shared>>
      tpu.wait_dma2 semaphore(%run_scoped3A : memref<!tpu.dma_semaphore, #tpu.memory_space<semaphore_mem>>) src(%arg4 : memref<80x128xf32, #tpu.memory_space<vmem>>) dst(%dma_wait3A_42 : memref<80x128xf32, #tpu.memory_space<vmem_shared>>)
      tpu.yield
    }) : () -> ()
    %add3A_21 = arith.constant 560 : i32
    %add3A_22 = arith.addi %mul3A_6, %add3A_21 : i32
    "tpu.region"() ({
      %run_scoped3A = tpu.sem_alloc : memref<!tpu.dma_semaphore, #tpu.memory_space<semaphore_mem>>
      %dma_start3A = arith.constant 0 : i32
      %dma_start3A_37 = tpu.memref_slice %arg6[%add3A_22, %dma_start3A] : memref<10240x128xf32, #tpu.memory_space<vmem_shared>> -> memref<80x128xf32, #tpu.memory_space<vmem_shared>>
      %dma_start3A_38 = arith.constant 0 : i32
      %dma_start3A_39 = tpu.memref_slice %arg6[%add3A_22, %dma_start3A_38] : memref<10240x128xf32, #tpu.memory_space<vmem_shared>> -> memref<80x128xf32, #tpu.memory_space<vmem_shared>>
      tpu.enqueue_dma source(%arg4 : memref<80x128xf32, #tpu.memory_space<vmem>>) target(%dma_start3A_39 : memref<80x128xf32, #tpu.memory_space<vmem_shared>>) target_semaphore(%run_scoped3A : memref<!tpu.dma_semaphore, #tpu.memory_space<semaphore_mem>>)
      %dma_wait3A = arith.constant 0 : i32
      %dma_wait3A_40 = tpu.memref_slice %arg6[%add3A_22, %dma_wait3A] : memref<10240x128xf32, #tpu.memory_space<vmem_shared>> -> memref<80x128xf32, #tpu.memory_space<vmem_shared>>
      %dma_wait3A_41 = arith.constant 0 : i32
      %dma_wait3A_42 = tpu.memref_slice %arg6[%add3A_22, %dma_wait3A_41] : memref<10240x128xf32, #tpu.memory_space<vmem_shared>> -> memref<80x128xf32, #tpu.memory_space<vmem_shared>>
      tpu.wait_dma2 semaphore(%run_scoped3A : memref<!tpu.dma_semaphore, #tpu.memory_space<semaphore_mem>>) src(%arg4 : memref<80x128xf32, #tpu.memory_space<vmem>>) dst(%dma_wait3A_42 : memref<80x128xf32, #tpu.memory_space<vmem_shared>>)
      tpu.yield
    }) : () -> ()
    "tpu.region"() ({
      %run_scoped3A = tpu.sem_alloc : memref<!tpu.dma_semaphore, #tpu.memory_space<semaphore_mem>>
      %dma_start3A = arith.constant 0 : i32
      %dma_start3A_37 = arith.constant 0 : i32
      %dma_start3A_38 = tpu.memref_slice %arg2[%add3A, %dma_start3A, %dma_start3A_37] : memref<32x125x40xi32, #tpu.memory_space<hbm>> -> memref<1x125x40xi32, #tpu.memory_space<hbm>>
      %dma_start3A_39 = tpu.memref_squeeze %dma_start3A_38 : memref<1x125x40xi32, #tpu.memory_space<hbm>> -> memref<125x40xi32, #tpu.memory_space<hbm>>
      %dma_start3A_40 = arith.constant 0 : i32
      %dma_start3A_41 = arith.constant 0 : i32
      %dma_start3A_42 = tpu.memref_slice %arg2[%add3A, %dma_start3A_40, %dma_start3A_41] : memref<32x125x40xi32, #tpu.memory_space<hbm>> -> memref<1x125x40xi32, #tpu.memory_space<hbm>>
      %dma_start3A_43 = tpu.memref_squeeze %dma_start3A_42 : memref<1x125x40xi32, #tpu.memory_space<hbm>> -> memref<125x40xi32, #tpu.memory_space<hbm>>
      tpu.enqueue_dma source(%dma_start3A_43 : memref<125x40xi32, #tpu.memory_space<hbm>>) target(%arg5 : memref<125x40xi32, #tpu.memory_space<vmem>>) target_semaphore(%run_scoped3A : memref<!tpu.dma_semaphore, #tpu.memory_space<semaphore_mem>>)
      %dma_wait3A = arith.constant 0 : i32
      %dma_wait3A_44 = arith.constant 0 : i32
      %dma_wait3A_45 = tpu.memref_slice %arg2[%add3A, %dma_wait3A, %dma_wait3A_44] : memref<32x125x40xi32, #tpu.memory_space<hbm>> -> memref<1x125x40xi32, #tpu.memory_space<hbm>>
      %dma_wait3A_46 = tpu.memref_squeeze %dma_wait3A_45 : memref<1x125x40xi32, #tpu.memory_space<hbm>> -> memref<125x40xi32, #tpu.memory_space<hbm>>
      %dma_wait3A_47 = arith.constant 0 : i32
      %dma_wait3A_48 = arith.constant 0 : i32
      %dma_wait3A_49 = tpu.memref_slice %arg2[%add3A, %dma_wait3A_47, %dma_wait3A_48] : memref<32x125x40xi32, #tpu.memory_space<hbm>> -> memref<1x125x40xi32, #tpu.memory_space<hbm>>
      %dma_wait3A_50 = tpu.memref_squeeze %dma_wait3A_49 : memref<1x125x40xi32, #tpu.memory_space<hbm>> -> memref<125x40xi32, #tpu.memory_space<hbm>>
      tpu.wait_dma2 semaphore(%run_scoped3A : memref<!tpu.dma_semaphore, #tpu.memory_space<semaphore_mem>>) src(%dma_wait3A_50 : memref<125x40xi32, #tpu.memory_space<hbm>>) dst(%arg5 : memref<125x40xi32, #tpu.memory_space<vmem>>)
      tpu.yield
    }) : () -> ()
    %scan3A_23 = arith.constant 0 : i32
    %scan3A_24 = arith.constant 40 : i32
    %scan3A_25 = arith.addi %scan3A_23, %scan3A_24 : i32
    %scan3A_26 = arith.constant 1 : i32
    scf.for %scan3A_37 = %scan3A_23 to %scan3A_25 step %scan3A_26  : i32 {
      %broadcast_in_dim3A = arith.constant 1.000000e+00 : f32
      %broadcast_in_dim3A_38 = vector.broadcast %broadcast_in_dim3A : f32 to vector<16xf32>
      %swap3A = arith.index_cast %scan3A_37 : i32 to index
      %swap3A_39 = arith.constant 0 : index
      %swap3A_40 = tpu.vector_load %arg4[%swap3A, %swap3A_39] {strides = array<i32>} : memref<80x128xf32, #tpu.memory_space<vmem>>, vector<1x16xf32>,
      %swap3A_41 = vector.shape_cast %swap3A_40 : vector<1x16xf32> to vector<16xf32>
      %swap3A_42 = vector.shape_cast %broadcast_in_dim3A_38 : vector<16xf32> to vector<1x16xf32>
      tpu.vector_store %arg4[%swap3A, %swap3A_39], %swap3A_42 {strides = array<i32>} : memref<80x128xf32, #tpu.memory_space<vmem>>, vector<1x16xf32>,
      %broadcast_in_dim3A_43 = arith.constant 1.000000e+00 : f32
      %broadcast_in_dim3A_44 = vector.broadcast %broadcast_in_dim3A_43 : f32 to vector<16xf32>
      %swap3A_45 = arith.index_cast %scan3A_37 : i32 to index
      %swap3A_46 = arith.constant 16 : index
      %swap3A_47 = tpu.vector_load %arg4[%swap3A_45, %swap3A_46] {strides = array<i32>} : memref<80x128xf32, #tpu.memory_space<vmem>>, vector<1x16xf32>,
      %swap3A_48 = vector.shape_cast %swap3A_47 : vector<1x16xf32> to vector<16xf32>
      %swap3A_49 = vector.shape_cast %broadcast_in_dim3A_44 : vector<16xf32> to vector<1x16xf32>
      tpu.vector_store %arg4[%swap3A_45, %swap3A_46], %swap3A_49 {strides = array<i32>} : memref<80x128xf32, #tpu.memory_space<vmem>>, vector<1x16xf32>,
      %broadcast_in_dim3A_50 = arith.constant 1.000000e+00 : f32
      %broadcast_in_dim3A_51 = vector.broadcast %broadcast_in_dim3A_50 : f32 to vector<16xf32>
      %swap3A_52 = arith.index_cast %scan3A_37 : i32 to index
      %swap3A_53 = arith.constant 32 : index
      %swap3A_54 = tpu.vector_load %arg4[%swap3A_52, %swap3A_53] {strides = array<i32>} : memref<80x128xf32, #tpu.memory_space<vmem>>, vector<1x16xf32>,
      %swap3A_55 = vector.shape_cast %swap3A_54 : vector<1x16xf32> to vector<16xf32>
      %swap3A_56 = vector.shape_cast %broadcast_in_dim3A_51 : vector<16xf32> to vector<1x16xf32>
      tpu.vector_store %arg4[%swap3A_52, %swap3A_53], %swap3A_56 {strides = array<i32>} : memref<80x128xf32, #tpu.memory_space<vmem>>, vector<1x16xf32>,
      %broadcast_in_dim3A_57 = arith.constant 1.000000e+00 : f32
      %broadcast_in_dim3A_58 = vector.broadcast %broadcast_in_dim3A_57 : f32 to vector<16xf32>
      %swap3A_59 = arith.index_cast %scan3A_37 : i32 to index
      %swap3A_60 = arith.constant 48 : index
      %swap3A_61 = tpu.vector_load %arg4[%swap3A_59, %swap3A_60] {strides = array<i32>} : memref<80x128xf32, #tpu.memory_space<vmem>>, vector<1x16xf32>,
      %swap3A_62 = vector.shape_cast %swap3A_61 : vector<1x16xf32> to vector<16xf32>
      %swap3A_63 = vector.shape_cast %broadcast_in_dim3A_58 : vector<16xf32> to vector<1x16xf32>
      tpu.vector_store %arg4[%swap3A_59, %swap3A_60], %swap3A_63 {strides = array<i32>} : memref<80x128xf32, #tpu.memory_space<vmem>>, vector<1x16xf32>,
      %broadcast_in_dim3A_64 = arith.constant 1.000000e+00 : f32
      %broadcast_in_dim3A_65 = vector.broadcast %broadcast_in_dim3A_64 : f32 to vector<16xf32>
      %swap3A_66 = arith.index_cast %scan3A_37 : i32 to index
      %swap3A_67 = arith.constant 64 : index
      %swap3A_68 = tpu.vector_load %arg4[%swap3A_66, %swap3A_67] {strides = array<i32>} : memref<80x128xf32, #tpu.memory_space<vmem>>, vector<1x16xf32>,
      %swap3A_69 = vector.shape_cast %swap3A_68 : vector<1x16xf32> to vector<16xf32>
      %swap3A_70 = vector.shape_cast %broadcast_in_dim3A_65 : vector<16xf32> to vector<1x16xf32>
      tpu.vector_store %arg4[%swap3A_66, %swap3A_67], %swap3A_70 {strides = array<i32>} : memref<80x128xf32, #tpu.memory_space<vmem>>, vector<1x16xf32>,
      %broadcast_in_dim3A_71 = arith.constant 1.000000e+00 : f32
      %broadcast_in_dim3A_72 = vector.broadcast %broadcast_in_dim3A_71 : f32 to vector<16xf32>
      %swap3A_73 = arith.index_cast %scan3A_37 : i32 to index
      %swap3A_74 = arith.constant 80 : index
      %swap3A_75 = tpu.vector_load %arg4[%swap3A_73, %swap3A_74] {strides = array<i32>} : memref<80x128xf32, #tpu.memory_space<vmem>>, vector<1x16xf32>,
      %swap3A_76 = vector.shape_cast %swap3A_75 : vector<1x16xf32> to vector<16xf32>
      %swap3A_77 = vector.shape_cast %broadcast_in_dim3A_72 : vector<16xf32> to vector<1x16xf32>
      tpu.vector_store %arg4[%swap3A_73, %swap3A_74], %swap3A_77 {strides = array<i32>} : memref<80x128xf32, #tpu.memory_space<vmem>>, vector<1x16xf32>,
      %broadcast_in_dim3A_78 = arith.constant 1.000000e+00 : f32
      %broadcast_in_dim3A_79 = vector.broadcast %broadcast_in_dim3A_78 : f32 to vector<16xf32>
      %swap3A_80 = arith.index_cast %scan3A_37 : i32 to index
      %swap3A_81 = arith.constant 96 : index
      %swap3A_82 = tpu.vector_load %arg4[%swap3A_80, %swap3A_81] {strides = array<i32>} : memref<80x128xf32, #tpu.memory_space<vmem>>, vector<1x16xf32>,
      %swap3A_83 = vector.shape_cast %swap3A_82 : vector<1x16xf32> to vector<16xf32>
      %swap3A_84 = vector.shape_cast %broadcast_in_dim3A_79 : vector<16xf32> to vector<1x16xf32>
      tpu.vector_store %arg4[%swap3A_80, %swap3A_81], %swap3A_84 {strides = array<i32>} : memref<80x128xf32, #tpu.memory_space<vmem>>, vector<1x16xf32>,
      %broadcast_in_dim3A_85 = arith.constant 1.000000e+00 : f32
      %broadcast_in_dim3A_86 = vector.broadcast %broadcast_in_dim3A_85 : f32 to vector<16xf32>
      %swap3A_87 = arith.index_cast %scan3A_37 : i32 to index
      %swap3A_88 = arith.constant 112 : index
      %swap3A_89 = tpu.vector_load %arg4[%swap3A_87, %swap3A_88] {strides = array<i32>} : memref<80x128xf32, #tpu.memory_space<vmem>>, vector<1x16xf32>,
      %swap3A_90 = vector.shape_cast %swap3A_89 : vector<1x16xf32> to vector<16xf32>
      %swap3A_91 = vector.shape_cast %broadcast_in_dim3A_86 : vector<16xf32> to vector<1x16xf32>
      tpu.vector_store %arg4[%swap3A_87, %swap3A_88], %swap3A_91 {strides = array<i32>} : memref<80x128xf32, #tpu.memory_space<vmem>>, vector<1x16xf32>,
    }
    %scan3A_27 = arith.constant 40 : i32
    %barrier3A = arith.constant 0 : index
    tpu.barrier barrier_id(%barrier3A)
    %scan3A_28 = arith.constant 0 : i32
    %scan3A_29 = arith.constant 25 : i32
    %scan3A_30 = arith.addi %scan3A_28, %scan3A_29 : i32
    %scan3A_31 = arith.constant 1 : i32
    scf.for %scan3A_37 = %scan3A_28 to %scan3A_30 step %scan3A_31  : i32 {
      %mul3A_38 = arith.constant 5 : i32
      %mul3A_39 = arith.muli %scan3A_37, %mul3A_38 : i32
      %add3A_40 = arith.constant 0 : i32
      %add3A_41 = arith.addi %mul3A_39, %add3A_40 : i32
      %dma_start3A = arith.constant 0 : i32
      %dma_start3A_42 = arith.constant 0 : i32
      %dma_start3A_43 = tpu.memref_slice %arg4[%dma_start3A, %dma_start3A_42] : memref<80x128xf32, #tpu.memory_space<vmem>> -> memref<40x128xf32, #tpu.memory_space<vmem>>
      %dma_start3A_44 = arith.constant 0 : i32
      %dma_start3A_45 = tpu.memref_slice %arg5[%add3A_41, %dma_start3A_44] : memref<125x40xi32, #tpu.memory_space<vmem>> -> memref<1x40xi32, #tpu.memory_space<vmem>>
      %dma_start3A_46 = tpu.memref_squeeze %dma_start3A_45 : memref<1x40xi32, #tpu.memory_space<vmem>> -> memref<40xi32, #tpu.memory_space<vmem>>
      %dma_start3A_47 = arith.constant 0 : i32
      %dma_start3A_48 = arith.constant 0 : i32
      %dma_start3A_49 = tpu.memref_slice %arg6[%dma_start3A_47, %dma_start3A_48] : memref<10240x128xf32, #tpu.memory_space<vmem_shared>> -> memref<10240x128xf32, #tpu.memory_space<vmem_shared>>
      tpu.enqueue_indirect_dma source(%dma_start3A_43 : memref<40x128xf32, #tpu.memory_space<vmem>>) target(%dma_start3A_49 : memref<10240x128xf32, #tpu.memory_space<vmem_shared>>) offsets(%dma_start3A_46 : memref<40xi32, #tpu.memory_space<vmem>>) semaphore(%arg7 : memref<!tpu.dma_semaphore, #tpu.memory_space<semaphore_mem>>) {add = true}
      %mul3A_50 = arith.constant 5 : i32
      %mul3A_51 = arith.muli %scan3A_37, %mul3A_50 : i32
      %add3A_52 = arith.constant 1 : i32
      %add3A_53 = arith.addi %mul3A_51, %add3A_52 : i32
      %dma_start3A_54 = arith.constant 0 : i32
      %dma_start3A_55 = arith.constant 0 : i32
      %dma_start3A_56 = tpu.memref_slice %arg4[%dma_start3A_54, %dma_start3A_55] : memref<80x128xf32, #tpu.memory_space<vmem>> -> memref<40x128xf32, #tpu.memory_space<vmem>>
      %dma_start3A_57 = arith.constant 0 : i32
      %dma_start3A_58 = tpu.memref_slice %arg5[%add3A_53, %dma_start3A_57] : memref<125x40xi32, #tpu.memory_space<vmem>> -> memref<1x40xi32, #tpu.memory_space<vmem>>
      %dma_start3A_59 = tpu.memref_squeeze %dma_start3A_58 : memref<1x40xi32, #tpu.memory_space<vmem>> -> memref<40xi32, #tpu.memory_space<vmem>>
      %dma_start3A_60 = arith.constant 0 : i32
      %dma_start3A_61 = arith.constant 0 : i32
      %dma_start3A_62 = tpu.memref_slice %arg6[%dma_start3A_60, %dma_start3A_61] : memref<10240x128xf32, #tpu.memory_space<vmem_shared>> -> memref<10240x128xf32, #tpu.memory_space<vmem_shared>>
      tpu.enqueue_indirect_dma source(%dma_start3A_56 : memref<40x128xf32, #tpu.memory_space<vmem>>) target(%dma_start3A_62 : memref<10240x128xf32, #tpu.memory_space<vmem_shared>>) offsets(%dma_start3A_59 : memref<40xi32, #tpu.memory_space<vmem>>) semaphore(%arg7 : memref<!tpu.dma_semaphore, #tpu.memory_space<semaphore_mem>>) {add = true}
      %mul3A_63 = arith.constant 5 : i32
      %mul3A_64 = arith.muli %scan3A_37, %mul3A_63 : i32
      %add3A_65 = arith.constant 2 : i32
      %add3A_66 = arith.addi %mul3A_64, %add3A_65 : i32
      %dma_start3A_67 = arith.constant 0 : i32
      %dma_start3A_68 = arith.constant 0 : i32
      %dma_start3A_69 = tpu.memref_slice %arg4[%dma_start3A_67, %dma_start3A_68] : memref<80x128xf32, #tpu.memory_space<vmem>> -> memref<40x128xf32, #tpu.memory_space<vmem>>
      %dma_start3A_70 = arith.constant 0 : i32
      %dma_start3A_71 = tpu.memref_slice %arg5[%add3A_66, %dma_start3A_70] : memref<125x40xi32, #tpu.memory_space<vmem>> -> memref<1x40xi32, #tpu.memory_space<vmem>>
      %dma_start3A_72 = tpu.memref_squeeze %dma_start3A_71 : memref<1x40xi32, #tpu.memory_space<vmem>> -> memref<40xi32, #tpu.memory_space<vmem>>
      %dma_start3A_73 = arith.constant 0 : i32
      %dma_start3A_74 = arith.constant 0 : i32
      %dma_start3A_75 = tpu.memref_slice %arg6[%dma_start3A_73, %dma_start3A_74] : memref<10240x128xf32, #tpu.memory_space<vmem_shared>> -> memref<10240x128xf32, #tpu.memory_space<vmem_shared>>
      tpu.enqueue_indirect_dma source(%dma_start3A_69 : memref<40x128xf32, #tpu.memory_space<vmem>>) target(%dma_start3A_75 : memref<10240x128xf32, #tpu.memory_space<vmem_shared>>) offsets(%dma_start3A_72 : memref<40xi32, #tpu.memory_space<vmem>>) semaphore(%arg7 : memref<!tpu.dma_semaphore, #tpu.memory_space<semaphore_mem>>) {add = true}
      %mul3A_76 = arith.constant 5 : i32
      %mul3A_77 = arith.muli %scan3A_37, %mul3A_76 : i32
      %add3A_78 = arith.constant 3 : i32
      %add3A_79 = arith.addi %mul3A_77, %add3A_78 : i32
      %dma_start3A_80 = arith.constant 0 : i32
      %dma_start3A_81 = arith.constant 0 : i32
      %dma_start3A_82 = tpu.memref_slice %arg4[%dma_start3A_80, %dma_start3A_81] : memref<80x128xf32, #tpu.memory_space<vmem>> -> memref<40x128xf32, #tpu.memory_space<vmem>>
      %dma_start3A_83 = arith.constant 0 : i32
      %dma_start3A_84 = tpu.memref_slice %arg5[%add3A_79, %dma_start3A_83] : memref<125x40xi32, #tpu.memory_space<vmem>> -> memref<1x40xi32, #tpu.memory_space<vmem>>
      %dma_start3A_85 = tpu.memref_squeeze %dma_start3A_84 : memref<1x40xi32, #tpu.memory_space<vmem>> -> memref<40xi32, #tpu.memory_space<vmem>>
      %dma_start3A_86 = arith.constant 0 : i32
      %dma_start3A_87 = arith.constant 0 : i32
      %dma_start3A_88 = tpu.memref_slice %arg6[%dma_start3A_86, %dma_start3A_87] : memref<10240x128xf32, #tpu.memory_space<vmem_shared>> -> memref<10240x128xf32, #tpu.memory_space<vmem_shared>>
      tpu.enqueue_indirect_dma source(%dma_start3A_82 : memref<40x128xf32, #tpu.memory_space<vmem>>) target(%dma_start3A_88 : memref<10240x128xf32, #tpu.memory_space<vmem_shared>>) offsets(%dma_start3A_85 : memref<40xi32, #tpu.memory_space<vmem>>) semaphore(%arg7 : memref<!tpu.dma_semaphore, #tpu.memory_space<semaphore_mem>>) {add = true}
      %mul3A_89 = arith.constant 5 : i32
      %mul3A_90 = arith.muli %scan3A_37, %mul3A_89 : i32
      %add3A_91 = arith.constant 4 : i32
      %add3A_92 = arith.addi %mul3A_90, %add3A_91 : i32
      %dma_start3A_93 = arith.constant 0 : i32
      %dma_start3A_94 = arith.constant 0 : i32
      %dma_start3A_95 = tpu.memref_slice %arg4[%dma_start3A_93, %dma_start3A_94] : memref<80x128xf32, #tpu.memory_space<vmem>> -> memref<40x128xf32, #tpu.memory_space<vmem>>
      %dma_start3A_96 = arith.constant 0 : i32
      %dma_start3A_97 = tpu.memref_slice %arg5[%add3A_92, %dma_start3A_96] : memref<125x40xi32, #tpu.memory_space<vmem>> -> memref<1x40xi32, #tpu.memory_space<vmem>>
      %dma_start3A_98 = tpu.memref_squeeze %dma_start3A_97 : memref<1x40xi32, #tpu.memory_space<vmem>> -> memref<40xi32, #tpu.memory_space<vmem>>
      %dma_start3A_99 = arith.constant 0 : i32
      %dma_start3A_100 = arith.constant 0 : i32
      %dma_start3A_101 = tpu.memref_slice %arg6[%dma_start3A_99, %dma_start3A_100] : memref<10240x128xf32, #tpu.memory_space<vmem_shared>> -> memref<10240x128xf32, #tpu.memory_space<vmem_shared>>
      tpu.enqueue_indirect_dma source(%dma_start3A_95 : memref<40x128xf32, #tpu.memory_space<vmem>>) target(%dma_start3A_101 : memref<10240x128xf32, #tpu.memory_space<vmem_shared>>) offsets(%dma_start3A_98 : memref<40xi32, #tpu.memory_space<vmem>>) semaphore(%arg7 : memref<!tpu.dma_semaphore, #tpu.memory_space<semaphore_mem>>) {add = true}
      %dma_wait3A = arith.constant 0 : i32
      %dma_wait3A_102 = arith.constant 0 : i32
      %dma_wait3A_103 = arith.constant 0 : i32
      %dma_wait3A_104 = tpu.memref_slice %arg4[%dma_wait3A_102, %dma_wait3A_103] : memref<80x128xf32, #tpu.memory_space<vmem>> -> memref<40x128xf32, #tpu.memory_space<vmem>>
      %dma_wait3A_105 = arith.constant 0 : i32
      %dma_wait3A_106 = tpu.memref_slice %arg5[%dma_wait3A, %dma_wait3A_105] : memref<125x40xi32, #tpu.memory_space<vmem>> -> memref<1x40xi32, #tpu.memory_space<vmem>>
      %dma_wait3A_107 = tpu.memref_squeeze %dma_wait3A_106 : memref<1x40xi32, #tpu.memory_space<vmem>> -> memref<40xi32, #tpu.memory_space<vmem>>
      %dma_wait3A_108 = arith.constant 0 : i32
      %dma_wait3A_109 = arith.constant 0 : i32
      %dma_wait3A_110 = tpu.memref_slice %arg6[%dma_wait3A_108, %dma_wait3A_109] : memref<10240x128xf32, #tpu.memory_space<vmem_shared>> -> memref<10240x128xf32, #tpu.memory_space<vmem_shared>>
      tpu.wait_indirect_dma semaphore(%arg7 : memref<!tpu.dma_semaphore, #tpu.memory_space<semaphore_mem>>) src(%dma_wait3A_104 : memref<40x128xf32, #tpu.memory_space<vmem>>) dst(%dma_wait3A_110 : memref<10240x128xf32, #tpu.memory_space<vmem_shared>>)
      %dma_wait3A_111 = arith.constant 0 : i32
      %dma_wait3A_112 = arith.constant 0 : i32
      %dma_wait3A_113 = arith.constant 0 : i32
      %dma_wait3A_114 = tpu.memref_slice %arg4[%dma_wait3A_112, %dma_wait3A_113] : memref<80x128xf32, #tpu.memory_space<vmem>> -> memref<40x128xf32, #tpu.memory_space<vmem>>
      %dma_wait3A_115 = arith.constant 0 : i32
      %dma_wait3A_116 = tpu.memref_slice %arg5[%dma_wait3A_111, %dma_wait3A_115] : memref<125x40xi32, #tpu.memory_space<vmem>> -> memref<1x40xi32, #tpu.memory_space<vmem>>
      %dma_wait3A_117 = tpu.memref_squeeze %dma_wait3A_116 : memref<1x40xi32, #tpu.memory_space<vmem>> -> memref<40xi32, #tpu.memory_space<vmem>>
      %dma_wait3A_118 = arith.constant 0 : i32
      %dma_wait3A_119 = arith.constant 0 : i32
      %dma_wait3A_120 = tpu.memref_slice %arg6[%dma_wait3A_118, %dma_wait3A_119] : memref<10240x128xf32, #tpu.memory_space<vmem_shared>> -> memref<10240x128xf32, #tpu.memory_space<vmem_shared>>
      tpu.wait_indirect_dma semaphore(%arg7 : memref<!tpu.dma_semaphore, #tpu.memory_space<semaphore_mem>>) src(%dma_wait3A_114 : memref<40x128xf32, #tpu.memory_space<vmem>>) dst(%dma_wait3A_120 : memref<10240x128xf32, #tpu.memory_space<vmem_shared>>)
      %dma_wait3A_121 = arith.constant 0 : i32
      %dma_wait3A_122 = arith.constant 0 : i32
      %dma_wait3A_123 = arith.constant 0 : i32
      %dma_wait3A_124 = tpu.memref_slice %arg4[%dma_wait3A_122, %dma_wait3A_123] : memref<80x128xf32, #tpu.memory_space<vmem>> -> memref<40x128xf32, #tpu.memory_space<vmem>>
      %dma_wait3A_125 = arith.constant 0 : i32
      %dma_wait3A_126 = tpu.memref_slice %arg5[%dma_wait3A_121, %dma_wait3A_125] : memref<125x40xi32, #tpu.memory_space<vmem>> -> memref<1x40xi32, #tpu.memory_space<vmem>>
      %dma_wait3A_127 = tpu.memref_squeeze %dma_wait3A_126 : memref<1x40xi32, #tpu.memory_space<vmem>> -> memref<40xi32, #tpu.memory_space<vmem>>
      %dma_wait3A_128 = arith.constant 0 : i32
      %dma_wait3A_129 = arith.constant 0 : i32
      %dma_wait3A_130 = tpu.memref_slice %arg6[%dma_wait3A_128, %dma_wait3A_129] : memref<10240x128xf32, #tpu.memory_space<vmem_shared>> -> memref<10240x128xf32, #tpu.memory_space<vmem_shared>>
      tpu.wait_indirect_dma semaphore(%arg7 : memref<!tpu.dma_semaphore, #tpu.memory_space<semaphore_mem>>) src(%dma_wait3A_124 : memref<40x128xf32, #tpu.memory_space<vmem>>) dst(%dma_wait3A_130 : memref<10240x128xf32, #tpu.memory_space<vmem_shared>>)
      %dma_wait3A_131 = arith.constant 0 : i32
      %dma_wait3A_132 = arith.constant 0 : i32
      %dma_wait3A_133 = arith.constant 0 : i32
      %dma_wait3A_134 = tpu.memref_slice %arg4[%dma_wait3A_132, %dma_wait3A_133] : memref<80x128xf32, #tpu.memory_space<vmem>> -> memref<40x128xf32, #tpu.memory_space<vmem>>
      %dma_wait3A_135 = arith.constant 0 : i32
      %dma_wait3A_136 = tpu.memref_slice %arg5[%dma_wait3A_131, %dma_wait3A_135] : memref<125x40xi32, #tpu.memory_space<vmem>> -> memref<1x40xi32, #tpu.memory_space<vmem>>
      %dma_wait3A_137 = tpu.memref_squeeze %dma_wait3A_136 : memref<1x40xi32, #tpu.memory_space<vmem>> -> memref<40xi32, #tpu.memory_space<vmem>>
      %dma_wait3A_138 = arith.constant 0 : i32
      %dma_wait3A_139 = arith.constant 0 : i32
      %dma_wait3A_140 = tpu.memref_slice %arg6[%dma_wait3A_138, %dma_wait3A_139] : memref<10240x128xf32, #tpu.memory_space<vmem_shared>> -> memref<10240x128xf32, #tpu.memory_space<vmem_shared>>
      tpu.wait_indirect_dma semaphore(%arg7 : memref<!tpu.dma_semaphore, #tpu.memory_space<semaphore_mem>>) src(%dma_wait3A_134 : memref<40x128xf32, #tpu.memory_space<vmem>>) dst(%dma_wait3A_140 : memref<10240x128xf32, #tpu.memory_space<vmem_shared>>)
      %dma_wait3A_141 = arith.constant 0 : i32
      %dma_wait3A_142 = arith.constant 0 : i32
      %dma_wait3A_143 = arith.constant 0 : i32
      %dma_wait3A_144 = tpu.memref_slice %arg4[%dma_wait3A_142, %dma_wait3A_143] : memref<80x128xf32, #tpu.memory_space<vmem>> -> memref<40x128xf32, #tpu.memory_space<vmem>>
      %dma_wait3A_145 = arith.constant 0 : i32
      %dma_wait3A_146 = tpu.memref_slice %arg5[%dma_wait3A_141, %dma_wait3A_145] : memref<125x40xi32, #tpu.memory_space<vmem>> -> memref<1x40xi32, #tpu.memory_space<vmem>>
      %dma_wait3A_147 = tpu.memref_squeeze %dma_wait3A_146 : memref<1x40xi32, #tpu.memory_space<vmem>> -> memref<40xi32, #tpu.memory_space<vmem>>
      %dma_wait3A_148 = arith.constant 0 : i32
      %dma_wait3A_149 = arith.constant 0 : i32
      %dma_wait3A_150 = tpu.memref_slice %arg6[%dma_wait3A_148, %dma_wait3A_149] : memref<10240x128xf32, #tpu.memory_space<vmem_shared>> -> memref<10240x128xf32, #tpu.memory_space<vmem_shared>>
      tpu.wait_indirect_dma semaphore(%arg7 : memref<!tpu.dma_semaphore, #tpu.memory_space<semaphore_mem>>) src(%dma_wait3A_144 : memref<40x128xf32, #tpu.memory_space<vmem>>) dst(%dma_wait3A_150 : memref<10240x128xf32, #tpu.memory_space<vmem_shared>>)
    }
    %scan3A_32 = arith.constant 25 : i32
    %barrier3A_33 = arith.constant 0 : index
    tpu.barrier barrier_id(%barrier3A_33)
    %mul3A_34 = arith.constant 10240 : i32
    %mul3A_35 = arith.muli %arg0, %mul3A_34 : i32
    %add3A_36 = arith.addi %mul3A_35, %mul3A_6 : i32
    "tpu.region"() ({
      %run_scoped3A = tpu.sem_alloc : memref<!tpu.dma_semaphore, #tpu.memory_space<semaphore_mem>>
      %dma_start3A = arith.constant 0 : i32
      %dma_start3A_37 = tpu.memref_slice %arg3[%add3A_36, %dma_start3A] : memref<20480x128xf32, #tpu.memory_space<hbm>> -> memref<640x128xf32, #tpu.memory_space<hbm>>
      %dma_start3A_38 = arith.constant 0 : i32
      %dma_start3A_39 = tpu.memref_slice %arg6[%mul3A_6, %dma_start3A_38] : memref<10240x128xf32, #tpu.memory_space<vmem_shared>> -> memref<640x128xf32, #tpu.memory_space<vmem_shared>>
      tpu.enqueue_dma source(%dma_start3A_39 : memref<640x128xf32, #tpu.memory_space<vmem_shared>>) target(%dma_start3A_37 : memref<640x128xf32, #tpu.memory_space<hbm>>) target_semaphore(%run_scoped3A : memref<!tpu.dma_semaphore, #tpu.memory_space<semaphore_mem>>)
      %dma_wait3A = arith.constant 0 : i32
      %dma_wait3A_40 = tpu.memref_slice %arg3[%add3A_36, %dma_wait3A] : memref<20480x128xf32, #tpu.memory_space<hbm>> -> memref<640x128xf32, #tpu.memory_space<hbm>>
      %dma_wait3A_41 = arith.constant 0 : i32
      %dma_wait3A_42 = tpu.memref_slice %arg6[%mul3A_6, %dma_wait3A_41] : memref<10240x128xf32, #tpu.memory_space<vmem_shared>> -> memref<640x128xf32, #tpu.memory_space<vmem_shared>>
      tpu.wait_dma2 semaphore(%run_scoped3A : memref<!tpu.dma_semaphore, #tpu.memory_space<semaphore_mem>>) src(%dma_wait3A_42 : memref<640x128xf32, #tpu.memory_space<vmem_shared>>) dst(%dma_wait3A_40 : memref<640x128xf32, #tpu.memory_space<hbm>>)
      tpu.yield
    }) : () -> ()
    return
  }
}

#map = affine_map<(d0, d1) -> (0, 0)>
#map1 = affine_map<(d0, d1) -> (0, 0, 0)>
module attributes {stable_mosaic.version = 14 : i64} {
  func.func @_agg_kernel(%arg0: i32, %arg1: i32, %arg2: memref<20480x128xf32, #tpu.memory_space<hbm>>, %arg3: memref<32x10000xi32, #tpu.memory_space<hbm>>, %arg4: memref<16x125x80xi32, #tpu.memory_space<hbm>>, %arg5: memref<20480x128xf32, #tpu.memory_space<hbm>>, %arg6: memref<10000xi32, #tpu.memory_space<vmem>>, %arg7: memref<125x80xi32, #tpu.memory_space<vmem>>, %arg8: memref<80x128xf32, #tpu.memory_space<vmem>>, %arg9: memref<80x128xf32, #tpu.memory_space<vmem>>, %arg10: memref<10240x128xf32, #tpu.memory_space<vmem_shared>>, %arg11: memref<!tpu.dma_semaphore, #tpu.memory_space<semaphore_mem>>, %arg12: memref<!tpu.dma_semaphore, #tpu.memory_space<semaphore_mem>>, %arg13: memref<!tpu.dma_semaphore, #tpu.memory_space<semaphore_mem>>, %arg14: memref<!tpu.dma_semaphore, #tpu.memory_space<semaphore_mem>>) attributes {dimension_semantics = [#tpu.dimension_semantics<core_parallel>, #tpu.dimension_semantics<subcore_parallel>], iteration_bounds = array<i64: 2, 16>, scalar_prefetch = 0 : i64, scratch_operands = 9 : i64, tpu.core_type = #tpu.core_type<sc_vector_subcore>, window_params = [{transform_indices = #map}, {transform_indices = #map}, {transform_indices = #map1}, {transform_indices = #map}]} {
    %mul3A = arith.constant 16 : i32
    %mul3A_0 = arith.muli %arg0, %mul3A : i32
    %add3A = arith.addi %mul3A_0, %arg1 : i32
    %scan3A = arith.constant 0 : i32
    %scan3A_1 = arith.constant 80 : i32
    %scan3A_2 = arith.addi %scan3A, %scan3A_1 : i32
    %scan3A_3 = arith.constant 1 : i32
    scf.for %scan3A_44 = %scan3A to %scan3A_2 step %scan3A_3  : i32 {
      %broadcast_in_dim3A = arith.constant 0.000000e+00 : f32
      %broadcast_in_dim3A_45 = vector.broadcast %broadcast_in_dim3A : f32 to vector<16xf32>
      %swap3A = arith.index_cast %scan3A_44 : i32 to index
      %swap3A_46 = arith.constant 0 : index
      %swap3A_47 = tpu.vector_load %arg8[%swap3A, %swap3A_46] {strides = array<i32>} : memref<80x128xf32, #tpu.memory_space<vmem>>, vector<1x16xf32>,
      %swap3A_48 = vector.shape_cast %swap3A_47 : vector<1x16xf32> to vector<16xf32>
      %swap3A_49 = vector.shape_cast %broadcast_in_dim3A_45 : vector<16xf32> to vector<1x16xf32>
      tpu.vector_store %arg8[%swap3A, %swap3A_46], %swap3A_49 {strides = array<i32>} : memref<80x128xf32, #tpu.memory_space<vmem>>, vector<1x16xf32>,
      %broadcast_in_dim3A_50 = arith.constant 0.000000e+00 : f32
      %broadcast_in_dim3A_51 = vector.broadcast %broadcast_in_dim3A_50 : f32 to vector<16xf32>
      %swap3A_52 = arith.index_cast %scan3A_44 : i32 to index
      %swap3A_53 = arith.constant 16 : index
      %swap3A_54 = tpu.vector_load %arg8[%swap3A_52, %swap3A_53] {strides = array<i32>} : memref<80x128xf32, #tpu.memory_space<vmem>>, vector<1x16xf32>,
      %swap3A_55 = vector.shape_cast %swap3A_54 : vector<1x16xf32> to vector<16xf32>
      %swap3A_56 = vector.shape_cast %broadcast_in_dim3A_51 : vector<16xf32> to vector<1x16xf32>
      tpu.vector_store %arg8[%swap3A_52, %swap3A_53], %swap3A_56 {strides = array<i32>} : memref<80x128xf32, #tpu.memory_space<vmem>>, vector<1x16xf32>,
      %broadcast_in_dim3A_57 = arith.constant 0.000000e+00 : f32
      %broadcast_in_dim3A_58 = vector.broadcast %broadcast_in_dim3A_57 : f32 to vector<16xf32>
      %swap3A_59 = arith.index_cast %scan3A_44 : i32 to index
      %swap3A_60 = arith.constant 32 : index
      %swap3A_61 = tpu.vector_load %arg8[%swap3A_59, %swap3A_60] {strides = array<i32>} : memref<80x128xf32, #tpu.memory_space<vmem>>, vector<1x16xf32>,
      %swap3A_62 = vector.shape_cast %swap3A_61 : vector<1x16xf32> to vector<16xf32>
      %swap3A_63 = vector.shape_cast %broadcast_in_dim3A_58 : vector<16xf32> to vector<1x16xf32>
      tpu.vector_store %arg8[%swap3A_59, %swap3A_60], %swap3A_63 {strides = array<i32>} : memref<80x128xf32, #tpu.memory_space<vmem>>, vector<1x16xf32>,
      %broadcast_in_dim3A_64 = arith.constant 0.000000e+00 : f32
      %broadcast_in_dim3A_65 = vector.broadcast %broadcast_in_dim3A_64 : f32 to vector<16xf32>
      %swap3A_66 = arith.index_cast %scan3A_44 : i32 to index
      %swap3A_67 = arith.constant 48 : index
      %swap3A_68 = tpu.vector_load %arg8[%swap3A_66, %swap3A_67] {strides = array<i32>} : memref<80x128xf32, #tpu.memory_space<vmem>>, vector<1x16xf32>,
      %swap3A_69 = vector.shape_cast %swap3A_68 : vector<1x16xf32> to vector<16xf32>
      %swap3A_70 = vector.shape_cast %broadcast_in_dim3A_65 : vector<16xf32> to vector<1x16xf32>
      tpu.vector_store %arg8[%swap3A_66, %swap3A_67], %swap3A_70 {strides = array<i32>} : memref<80x128xf32, #tpu.memory_space<vmem>>, vector<1x16xf32>,
      %broadcast_in_dim3A_71 = arith.constant 0.000000e+00 : f32
      %broadcast_in_dim3A_72 = vector.broadcast %broadcast_in_dim3A_71 : f32 to vector<16xf32>
      %swap3A_73 = arith.index_cast %scan3A_44 : i32 to index
      %swap3A_74 = arith.constant 64 : index
      %swap3A_75 = tpu.vector_load %arg8[%swap3A_73, %swap3A_74] {strides = array<i32>} : memref<80x128xf32, #tpu.memory_space<vmem>>, vector<1x16xf32>,
      %swap3A_76 = vector.shape_cast %swap3A_75 : vector<1x16xf32> to vector<16xf32>
      %swap3A_77 = vector.shape_cast %broadcast_in_dim3A_72 : vector<16xf32> to vector<1x16xf32>
      tpu.vector_store %arg8[%swap3A_73, %swap3A_74], %swap3A_77 {strides = array<i32>} : memref<80x128xf32, #tpu.memory_space<vmem>>, vector<1x16xf32>,
      %broadcast_in_dim3A_78 = arith.constant 0.000000e+00 : f32
      %broadcast_in_dim3A_79 = vector.broadcast %broadcast_in_dim3A_78 : f32 to vector<16xf32>
      %swap3A_80 = arith.index_cast %scan3A_44 : i32 to index
      %swap3A_81 = arith.constant 80 : index
      %swap3A_82 = tpu.vector_load %arg8[%swap3A_80, %swap3A_81] {strides = array<i32>} : memref<80x128xf32, #tpu.memory_space<vmem>>, vector<1x16xf32>,
      %swap3A_83 = vector.shape_cast %swap3A_82 : vector<1x16xf32> to vector<16xf32>
      %swap3A_84 = vector.shape_cast %broadcast_in_dim3A_79 : vector<16xf32> to vector<1x16xf32>
      tpu.vector_store %arg8[%swap3A_80, %swap3A_81], %swap3A_84 {strides = array<i32>} : memref<80x128xf32, #tpu.memory_space<vmem>>, vector<1x16xf32>,
      %broadcast_in_dim3A_85 = arith.constant 0.000000e+00 : f32
      %broadcast_in_dim3A_86 = vector.broadcast %broadcast_in_dim3A_85 : f32 to vector<16xf32>
      %swap3A_87 = arith.index_cast %scan3A_44 : i32 to index
      %swap3A_88 = arith.constant 96 : index
      %swap3A_89 = tpu.vector_load %arg8[%swap3A_87, %swap3A_88] {strides = array<i32>} : memref<80x128xf32, #tpu.memory_space<vmem>>, vector<1x16xf32>,
      %swap3A_90 = vector.shape_cast %swap3A_89 : vector<1x16xf32> to vector<16xf32>
      %swap3A_91 = vector.shape_cast %broadcast_in_dim3A_86 : vector<16xf32> to vector<1x16xf32>
      tpu.vector_store %arg8[%swap3A_87, %swap3A_88], %swap3A_91 {strides = array<i32>} : memref<80x128xf32, #tpu.memory_space<vmem>>, vector<1x16xf32>,
      %broadcast_in_dim3A_92 = arith.constant 0.000000e+00 : f32
      %broadcast_in_dim3A_93 = vector.broadcast %broadcast_in_dim3A_92 : f32 to vector<16xf32>
      %swap3A_94 = arith.index_cast %scan3A_44 : i32 to index
      %swap3A_95 = arith.constant 112 : index
      %swap3A_96 = tpu.vector_load %arg8[%swap3A_94, %swap3A_95] {strides = array<i32>} : memref<80x128xf32, #tpu.memory_space<vmem>>, vector<1x16xf32>,
      %swap3A_97 = vector.shape_cast %swap3A_96 : vector<1x16xf32> to vector<16xf32>
      %swap3A_98 = vector.shape_cast %broadcast_in_dim3A_93 : vector<16xf32> to vector<1x16xf32>
      tpu.vector_store %arg8[%swap3A_94, %swap3A_95], %swap3A_98 {strides = array<i32>} : memref<80x128xf32, #tpu.memory_space<vmem>>, vector<1x16xf32>,
    }
    %scan3A_4 = arith.constant 80 : i32
    %mul3A_5 = arith.constant 640 : i32
    %mul3A_6 = arith.muli %arg1, %mul3A_5 : i32
    %add3A_7 = arith.constant 0 : i32
    %add3A_8 = arith.addi %mul3A_6, %add3A_7 : i32
    "tpu.region"() ({
      %run_scoped3A_44 = tpu.sem_alloc : memref<!tpu.dma_semaphore, #tpu.memory_space<semaphore_mem>>
      %dma_start3A = arith.constant 0 : i32
      %dma_start3A_45 = tpu.memref_slice %arg10[%add3A_8, %dma_start3A] : memref<10240x128xf32, #tpu.memory_space<vmem_shared>> -> memref<80x128xf32, #tpu.memory_space<vmem_shared>>
      %dma_start3A_46 = arith.constant 0 : i32
      %dma_start3A_47 = tpu.memref_slice %arg10[%add3A_8, %dma_start3A_46] : memref<10240x128xf32, #tpu.memory_space<vmem_shared>> -> memref<80x128xf32, #tpu.memory_space<vmem_shared>>
      tpu.enqueue_dma source(%arg8 : memref<80x128xf32, #tpu.memory_space<vmem>>) target(%dma_start3A_47 : memref<80x128xf32, #tpu.memory_space<vmem_shared>>) target_semaphore(%run_scoped3A_44 : memref<!tpu.dma_semaphore, #tpu.memory_space<semaphore_mem>>)
      %dma_wait3A_48 = arith.constant 0 : i32
      %dma_wait3A_49 = tpu.memref_slice %arg10[%add3A_8, %dma_wait3A_48] : memref<10240x128xf32, #tpu.memory_space<vmem_shared>> -> memref<80x128xf32, #tpu.memory_space<vmem_shared>>
      %dma_wait3A_50 = arith.constant 0 : i32
      %dma_wait3A_51 = tpu.memref_slice %arg10[%add3A_8, %dma_wait3A_50] : memref<10240x128xf32, #tpu.memory_space<vmem_shared>> -> memref<80x128xf32, #tpu.memory_space<vmem_shared>>
      tpu.wait_dma2 semaphore(%run_scoped3A_44 : memref<!tpu.dma_semaphore, #tpu.memory_space<semaphore_mem>>) src(%arg8 : memref<80x128xf32, #tpu.memory_space<vmem>>) dst(%dma_wait3A_51 : memref<80x128xf32, #tpu.memory_space<vmem_shared>>)
      tpu.yield
    }) : () -> ()
    %add3A_9 = arith.constant 80 : i32
    %add3A_10 = arith.addi %mul3A_6, %add3A_9 : i32
    "tpu.region"() ({
      %run_scoped3A_44 = tpu.sem_alloc : memref<!tpu.dma_semaphore, #tpu.memory_space<semaphore_mem>>
      %dma_start3A = arith.constant 0 : i32
      %dma_start3A_45 = tpu.memref_slice %arg10[%add3A_10, %dma_start3A] : memref<10240x128xf32, #tpu.memory_space<vmem_shared>> -> memref<80x128xf32, #tpu.memory_space<vmem_shared>>
      %dma_start3A_46 = arith.constant 0 : i32
      %dma_start3A_47 = tpu.memref_slice %arg10[%add3A_10, %dma_start3A_46] : memref<10240x128xf32, #tpu.memory_space<vmem_shared>> -> memref<80x128xf32, #tpu.memory_space<vmem_shared>>
      tpu.enqueue_dma source(%arg8 : memref<80x128xf32, #tpu.memory_space<vmem>>) target(%dma_start3A_47 : memref<80x128xf32, #tpu.memory_space<vmem_shared>>) target_semaphore(%run_scoped3A_44 : memref<!tpu.dma_semaphore, #tpu.memory_space<semaphore_mem>>)
      %dma_wait3A_48 = arith.constant 0 : i32
      %dma_wait3A_49 = tpu.memref_slice %arg10[%add3A_10, %dma_wait3A_48] : memref<10240x128xf32, #tpu.memory_space<vmem_shared>> -> memref<80x128xf32, #tpu.memory_space<vmem_shared>>
      %dma_wait3A_50 = arith.constant 0 : i32
      %dma_wait3A_51 = tpu.memref_slice %arg10[%add3A_10, %dma_wait3A_50] : memref<10240x128xf32, #tpu.memory_space<vmem_shared>> -> memref<80x128xf32, #tpu.memory_space<vmem_shared>>
      tpu.wait_dma2 semaphore(%run_scoped3A_44 : memref<!tpu.dma_semaphore, #tpu.memory_space<semaphore_mem>>) src(%arg8 : memref<80x128xf32, #tpu.memory_space<vmem>>) dst(%dma_wait3A_51 : memref<80x128xf32, #tpu.memory_space<vmem_shared>>)
      tpu.yield
    }) : () -> ()
    %add3A_11 = arith.constant 160 : i32
    %add3A_12 = arith.addi %mul3A_6, %add3A_11 : i32
    "tpu.region"() ({
      %run_scoped3A_44 = tpu.sem_alloc : memref<!tpu.dma_semaphore, #tpu.memory_space<semaphore_mem>>
      %dma_start3A = arith.constant 0 : i32
      %dma_start3A_45 = tpu.memref_slice %arg10[%add3A_12, %dma_start3A] : memref<10240x128xf32, #tpu.memory_space<vmem_shared>> -> memref<80x128xf32, #tpu.memory_space<vmem_shared>>
      %dma_start3A_46 = arith.constant 0 : i32
      %dma_start3A_47 = tpu.memref_slice %arg10[%add3A_12, %dma_start3A_46] : memref<10240x128xf32, #tpu.memory_space<vmem_shared>> -> memref<80x128xf32, #tpu.memory_space<vmem_shared>>
      tpu.enqueue_dma source(%arg8 : memref<80x128xf32, #tpu.memory_space<vmem>>) target(%dma_start3A_47 : memref<80x128xf32, #tpu.memory_space<vmem_shared>>) target_semaphore(%run_scoped3A_44 : memref<!tpu.dma_semaphore, #tpu.memory_space<semaphore_mem>>)
      %dma_wait3A_48 = arith.constant 0 : i32
      %dma_wait3A_49 = tpu.memref_slice %arg10[%add3A_12, %dma_wait3A_48] : memref<10240x128xf32, #tpu.memory_space<vmem_shared>> -> memref<80x128xf32, #tpu.memory_space<vmem_shared>>
      %dma_wait3A_50 = arith.constant 0 : i32
      %dma_wait3A_51 = tpu.memref_slice %arg10[%add3A_12, %dma_wait3A_50] : memref<10240x128xf32, #tpu.memory_space<vmem_shared>> -> memref<80x128xf32, #tpu.memory_space<vmem_shared>>
      tpu.wait_dma2 semaphore(%run_scoped3A_44 : memref<!tpu.dma_semaphore, #tpu.memory_space<semaphore_mem>>) src(%arg8 : memref<80x128xf32, #tpu.memory_space<vmem>>) dst(%dma_wait3A_51 : memref<80x128xf32, #tpu.memory_space<vmem_shared>>)
      tpu.yield
    }) : () -> ()
    %add3A_13 = arith.constant 240 : i32
    %add3A_14 = arith.addi %mul3A_6, %add3A_13 : i32
    "tpu.region"() ({
      %run_scoped3A_44 = tpu.sem_alloc : memref<!tpu.dma_semaphore, #tpu.memory_space<semaphore_mem>>
      %dma_start3A = arith.constant 0 : i32
      %dma_start3A_45 = tpu.memref_slice %arg10[%add3A_14, %dma_start3A] : memref<10240x128xf32, #tpu.memory_space<vmem_shared>> -> memref<80x128xf32, #tpu.memory_space<vmem_shared>>
      %dma_start3A_46 = arith.constant 0 : i32
      %dma_start3A_47 = tpu.memref_slice %arg10[%add3A_14, %dma_start3A_46] : memref<10240x128xf32, #tpu.memory_space<vmem_shared>> -> memref<80x128xf32, #tpu.memory_space<vmem_shared>>
      tpu.enqueue_dma source(%arg8 : memref<80x128xf32, #tpu.memory_space<vmem>>) target(%dma_start3A_47 : memref<80x128xf32, #tpu.memory_space<vmem_shared>>) target_semaphore(%run_scoped3A_44 : memref<!tpu.dma_semaphore, #tpu.memory_space<semaphore_mem>>)
      %dma_wait3A_48 = arith.constant 0 : i32
      %dma_wait3A_49 = tpu.memref_slice %arg10[%add3A_14, %dma_wait3A_48] : memref<10240x128xf32, #tpu.memory_space<vmem_shared>> -> memref<80x128xf32, #tpu.memory_space<vmem_shared>>
      %dma_wait3A_50 = arith.constant 0 : i32
      %dma_wait3A_51 = tpu.memref_slice %arg10[%add3A_14, %dma_wait3A_50] : memref<10240x128xf32, #tpu.memory_space<vmem_shared>> -> memref<80x128xf32, #tpu.memory_space<vmem_shared>>
      tpu.wait_dma2 semaphore(%run_scoped3A_44 : memref<!tpu.dma_semaphore, #tpu.memory_space<semaphore_mem>>) src(%arg8 : memref<80x128xf32, #tpu.memory_space<vmem>>) dst(%dma_wait3A_51 : memref<80x128xf32, #tpu.memory_space<vmem_shared>>)
      tpu.yield
    }) : () -> ()
    %add3A_15 = arith.constant 320 : i32
    %add3A_16 = arith.addi %mul3A_6, %add3A_15 : i32
    "tpu.region"() ({
      %run_scoped3A_44 = tpu.sem_alloc : memref<!tpu.dma_semaphore, #tpu.memory_space<semaphore_mem>>
      %dma_start3A = arith.constant 0 : i32
      %dma_start3A_45 = tpu.memref_slice %arg10[%add3A_16, %dma_start3A] : memref<10240x128xf32, #tpu.memory_space<vmem_shared>> -> memref<80x128xf32, #tpu.memory_space<vmem_shared>>
      %dma_start3A_46 = arith.constant 0 : i32
      %dma_start3A_47 = tpu.memref_slice %arg10[%add3A_16, %dma_start3A_46] : memref<10240x128xf32, #tpu.memory_space<vmem_shared>> -> memref<80x128xf32, #tpu.memory_space<vmem_shared>>
      tpu.enqueue_dma source(%arg8 : memref<80x128xf32, #tpu.memory_space<vmem>>) target(%dma_start3A_47 : memref<80x128xf32, #tpu.memory_space<vmem_shared>>) target_semaphore(%run_scoped3A_44 : memref<!tpu.dma_semaphore, #tpu.memory_space<semaphore_mem>>)
      %dma_wait3A_48 = arith.constant 0 : i32
      %dma_wait3A_49 = tpu.memref_slice %arg10[%add3A_16, %dma_wait3A_48] : memref<10240x128xf32, #tpu.memory_space<vmem_shared>> -> memref<80x128xf32, #tpu.memory_space<vmem_shared>>
      %dma_wait3A_50 = arith.constant 0 : i32
      %dma_wait3A_51 = tpu.memref_slice %arg10[%add3A_16, %dma_wait3A_50] : memref<10240x128xf32, #tpu.memory_space<vmem_shared>> -> memref<80x128xf32, #tpu.memory_space<vmem_shared>>
      tpu.wait_dma2 semaphore(%run_scoped3A_44 : memref<!tpu.dma_semaphore, #tpu.memory_space<semaphore_mem>>) src(%arg8 : memref<80x128xf32, #tpu.memory_space<vmem>>) dst(%dma_wait3A_51 : memref<80x128xf32, #tpu.memory_space<vmem_shared>>)
      tpu.yield
    }) : () -> ()
    %add3A_17 = arith.constant 400 : i32
    %add3A_18 = arith.addi %mul3A_6, %add3A_17 : i32
    "tpu.region"() ({
      %run_scoped3A_44 = tpu.sem_alloc : memref<!tpu.dma_semaphore, #tpu.memory_space<semaphore_mem>>
      %dma_start3A = arith.constant 0 : i32
      %dma_start3A_45 = tpu.memref_slice %arg10[%add3A_18, %dma_start3A] : memref<10240x128xf32, #tpu.memory_space<vmem_shared>> -> memref<80x128xf32, #tpu.memory_space<vmem_shared>>
      %dma_start3A_46 = arith.constant 0 : i32
      %dma_start3A_47 = tpu.memref_slice %arg10[%add3A_18, %dma_start3A_46] : memref<10240x128xf32, #tpu.memory_space<vmem_shared>> -> memref<80x128xf32, #tpu.memory_space<vmem_shared>>
      tpu.enqueue_dma source(%arg8 : memref<80x128xf32, #tpu.memory_space<vmem>>) target(%dma_start3A_47 : memref<80x128xf32, #tpu.memory_space<vmem_shared>>) target_semaphore(%run_scoped3A_44 : memref<!tpu.dma_semaphore, #tpu.memory_space<semaphore_mem>>)
      %dma_wait3A_48 = arith.constant 0 : i32
      %dma_wait3A_49 = tpu.memref_slice %arg10[%add3A_18, %dma_wait3A_48] : memref<10240x128xf32, #tpu.memory_space<vmem_shared>> -> memref<80x128xf32, #tpu.memory_space<vmem_shared>>
      %dma_wait3A_50 = arith.constant 0 : i32
      %dma_wait3A_51 = tpu.memref_slice %arg10[%add3A_18, %dma_wait3A_50] : memref<10240x128xf32, #tpu.memory_space<vmem_shared>> -> memref<80x128xf32, #tpu.memory_space<vmem_shared>>
      tpu.wait_dma2 semaphore(%run_scoped3A_44 : memref<!tpu.dma_semaphore, #tpu.memory_space<semaphore_mem>>) src(%arg8 : memref<80x128xf32, #tpu.memory_space<vmem>>) dst(%dma_wait3A_51 : memref<80x128xf32, #tpu.memory_space<vmem_shared>>)
      tpu.yield
    }) : () -> ()
    %add3A_19 = arith.constant 480 : i32
    %add3A_20 = arith.addi %mul3A_6, %add3A_19 : i32
    "tpu.region"() ({
      %run_scoped3A_44 = tpu.sem_alloc : memref<!tpu.dma_semaphore, #tpu.memory_space<semaphore_mem>>
      %dma_start3A = arith.constant 0 : i32
      %dma_start3A_45 = tpu.memref_slice %arg10[%add3A_20, %dma_start3A] : memref<10240x128xf32, #tpu.memory_space<vmem_shared>> -> memref<80x128xf32, #tpu.memory_space<vmem_shared>>
      %dma_start3A_46 = arith.constant 0 : i32
      %dma_start3A_47 = tpu.memref_slice %arg10[%add3A_20, %dma_start3A_46] : memref<10240x128xf32, #tpu.memory_space<vmem_shared>> -> memref<80x128xf32, #tpu.memory_space<vmem_shared>>
      tpu.enqueue_dma source(%arg8 : memref<80x128xf32, #tpu.memory_space<vmem>>) target(%dma_start3A_47 : memref<80x128xf32, #tpu.memory_space<vmem_shared>>) target_semaphore(%run_scoped3A_44 : memref<!tpu.dma_semaphore, #tpu.memory_space<semaphore_mem>>)
      %dma_wait3A_48 = arith.constant 0 : i32
      %dma_wait3A_49 = tpu.memref_slice %arg10[%add3A_20, %dma_wait3A_48] : memref<10240x128xf32, #tpu.memory_space<vmem_shared>> -> memref<80x128xf32, #tpu.memory_space<vmem_shared>>
      %dma_wait3A_50 = arith.constant 0 : i32
      %dma_wait3A_51 = tpu.memref_slice %arg10[%add3A_20, %dma_wait3A_50] : memref<10240x128xf32, #tpu.memory_space<vmem_shared>> -> memref<80x128xf32, #tpu.memory_space<vmem_shared>>
      tpu.wait_dma2 semaphore(%run_scoped3A_44 : memref<!tpu.dma_semaphore, #tpu.memory_space<semaphore_mem>>) src(%arg8 : memref<80x128xf32, #tpu.memory_space<vmem>>) dst(%dma_wait3A_51 : memref<80x128xf32, #tpu.memory_space<vmem_shared>>)
      tpu.yield
    }) : () -> ()
    %add3A_21 = arith.constant 560 : i32
    %add3A_22 = arith.addi %mul3A_6, %add3A_21 : i32
    "tpu.region"() ({
      %run_scoped3A_44 = tpu.sem_alloc : memref<!tpu.dma_semaphore, #tpu.memory_space<semaphore_mem>>
      %dma_start3A = arith.constant 0 : i32
      %dma_start3A_45 = tpu.memref_slice %arg10[%add3A_22, %dma_start3A] : memref<10240x128xf32, #tpu.memory_space<vmem_shared>> -> memref<80x128xf32, #tpu.memory_space<vmem_shared>>
      %dma_start3A_46 = arith.constant 0 : i32
      %dma_start3A_47 = tpu.memref_slice %arg10[%add3A_22, %dma_start3A_46] : memref<10240x128xf32, #tpu.memory_space<vmem_shared>> -> memref<80x128xf32, #tpu.memory_space<vmem_shared>>
      tpu.enqueue_dma source(%arg8 : memref<80x128xf32, #tpu.memory_space<vmem>>) target(%dma_start3A_47 : memref<80x128xf32, #tpu.memory_space<vmem_shared>>) target_semaphore(%run_scoped3A_44 : memref<!tpu.dma_semaphore, #tpu.memory_space<semaphore_mem>>)
      %dma_wait3A_48 = arith.constant 0 : i32
      %dma_wait3A_49 = tpu.memref_slice %arg10[%add3A_22, %dma_wait3A_48] : memref<10240x128xf32, #tpu.memory_space<vmem_shared>> -> memref<80x128xf32, #tpu.memory_space<vmem_shared>>
      %dma_wait3A_50 = arith.constant 0 : i32
      %dma_wait3A_51 = tpu.memref_slice %arg10[%add3A_22, %dma_wait3A_50] : memref<10240x128xf32, #tpu.memory_space<vmem_shared>> -> memref<80x128xf32, #tpu.memory_space<vmem_shared>>
      tpu.wait_dma2 semaphore(%run_scoped3A_44 : memref<!tpu.dma_semaphore, #tpu.memory_space<semaphore_mem>>) src(%arg8 : memref<80x128xf32, #tpu.memory_space<vmem>>) dst(%dma_wait3A_51 : memref<80x128xf32, #tpu.memory_space<vmem_shared>>)
      tpu.yield
    }) : () -> ()
    "tpu.region"() ({
      %run_scoped3A_44 = tpu.sem_alloc : memref<!tpu.dma_semaphore, #tpu.memory_space<semaphore_mem>>
      %dma_start3A = arith.constant 0 : i32
      %dma_start3A_45 = tpu.memref_slice %arg3[%add3A, %dma_start3A] : memref<32x10000xi32, #tpu.memory_space<hbm>> -> memref<1x10000xi32, #tpu.memory_space<hbm>>
      %dma_start3A_46 = tpu.memref_squeeze %dma_start3A_45 : memref<1x10000xi32, #tpu.memory_space<hbm>> -> memref<10000xi32, #tpu.memory_space<hbm>>
      %dma_start3A_47 = arith.constant 0 : i32
      %dma_start3A_48 = tpu.memref_slice %arg3[%add3A, %dma_start3A_47] : memref<32x10000xi32, #tpu.memory_space<hbm>> -> memref<1x10000xi32, #tpu.memory_space<hbm>>
      %dma_start3A_49 = tpu.memref_squeeze %dma_start3A_48 : memref<1x10000xi32, #tpu.memory_space<hbm>> -> memref<10000xi32, #tpu.memory_space<hbm>>
      tpu.enqueue_dma source(%dma_start3A_49 : memref<10000xi32, #tpu.memory_space<hbm>>) target(%arg6 : memref<10000xi32, #tpu.memory_space<vmem>>) target_semaphore(%run_scoped3A_44 : memref<!tpu.dma_semaphore, #tpu.memory_space<semaphore_mem>>)
      %dma_wait3A_50 = arith.constant 0 : i32
      %dma_wait3A_51 = tpu.memref_slice %arg3[%add3A, %dma_wait3A_50] : memref<32x10000xi32, #tpu.memory_space<hbm>> -> memref<1x10000xi32, #tpu.memory_space<hbm>>
      %dma_wait3A_52 = tpu.memref_squeeze %dma_wait3A_51 : memref<1x10000xi32, #tpu.memory_space<hbm>> -> memref<10000xi32, #tpu.memory_space<hbm>>
      %dma_wait3A_53 = arith.constant 0 : i32
      %dma_wait3A_54 = tpu.memref_slice %arg3[%add3A, %dma_wait3A_53] : memref<32x10000xi32, #tpu.memory_space<hbm>> -> memref<1x10000xi32, #tpu.memory_space<hbm>>
      %dma_wait3A_55 = tpu.memref_squeeze %dma_wait3A_54 : memref<1x10000xi32, #tpu.memory_space<hbm>> -> memref<10000xi32, #tpu.memory_space<hbm>>
      tpu.wait_dma2 semaphore(%run_scoped3A_44 : memref<!tpu.dma_semaphore, #tpu.memory_space<semaphore_mem>>) src(%dma_wait3A_55 : memref<10000xi32, #tpu.memory_space<hbm>>) dst(%arg6 : memref<10000xi32, #tpu.memory_space<vmem>>)
      tpu.yield
    }) : () -> ()
    "tpu.region"() ({
      %run_scoped3A_44 = tpu.sem_alloc : memref<!tpu.dma_semaphore, #tpu.memory_space<semaphore_mem>>
      %dma_start3A = arith.constant 0 : i32
      %dma_start3A_45 = arith.constant 0 : i32
      %dma_start3A_46 = tpu.memref_slice %arg4[%arg1, %dma_start3A, %dma_start3A_45] : memref<16x125x80xi32, #tpu.memory_space<hbm>> -> memref<1x125x80xi32, #tpu.memory_space<hbm>>
      %dma_start3A_47 = tpu.memref_squeeze %dma_start3A_46 : memref<1x125x80xi32, #tpu.memory_space<hbm>> -> memref<125x80xi32, #tpu.memory_space<hbm>>
      %dma_start3A_48 = arith.constant 0 : i32
      %dma_start3A_49 = arith.constant 0 : i32
      %dma_start3A_50 = tpu.memref_slice %arg4[%arg1, %dma_start3A_48, %dma_start3A_49] : memref<16x125x80xi32, #tpu.memory_space<hbm>> -> memref<1x125x80xi32, #tpu.memory_space<hbm>>
      %dma_start3A_51 = tpu.memref_squeeze %dma_start3A_50 : memref<1x125x80xi32, #tpu.memory_space<hbm>> -> memref<125x80xi32, #tpu.memory_space<hbm>>
      tpu.enqueue_dma source(%dma_start3A_51 : memref<125x80xi32, #tpu.memory_space<hbm>>) target(%arg7 : memref<125x80xi32, #tpu.memory_space<vmem>>) target_semaphore(%run_scoped3A_44 : memref<!tpu.dma_semaphore, #tpu.memory_space<semaphore_mem>>)
      %dma_wait3A_52 = arith.constant 0 : i32
      %dma_wait3A_53 = arith.constant 0 : i32
      %dma_wait3A_54 = tpu.memref_slice %arg4[%arg1, %dma_wait3A_52, %dma_wait3A_53] : memref<16x125x80xi32, #tpu.memory_space<hbm>> -> memref<1x125x80xi32, #tpu.memory_space<hbm>>
      %dma_wait3A_55 = tpu.memref_squeeze %dma_wait3A_54 : memref<1x125x80xi32, #tpu.memory_space<hbm>> -> memref<125x80xi32, #tpu.memory_space<hbm>>
      %dma_wait3A_56 = arith.constant 0 : i32
      %dma_wait3A_57 = arith.constant 0 : i32
      %dma_wait3A_58 = tpu.memref_slice %arg4[%arg1, %dma_wait3A_56, %dma_wait3A_57] : memref<16x125x80xi32, #tpu.memory_space<hbm>> -> memref<1x125x80xi32, #tpu.memory_space<hbm>>
      %dma_wait3A_59 = tpu.memref_squeeze %dma_wait3A_58 : memref<1x125x80xi32, #tpu.memory_space<hbm>> -> memref<125x80xi32, #tpu.memory_space<hbm>>
      tpu.wait_dma2 semaphore(%run_scoped3A_44 : memref<!tpu.dma_semaphore, #tpu.memory_space<semaphore_mem>>) src(%dma_wait3A_59 : memref<125x80xi32, #tpu.memory_space<hbm>>) dst(%arg7 : memref<125x80xi32, #tpu.memory_space<vmem>>)
      tpu.yield
    }) : () -> ()
    %barrier3A = arith.constant 0 : index
    tpu.barrier barrier_id(%barrier3A)
    %scan3A_23 = arith.constant 0 : i32
    %scan3A_24 = arith.constant 125 : i32
    %scan3A_25 = arith.addi %scan3A_23, %scan3A_24 : i32
    %scan3A_26 = arith.constant 1 : i32
    scf.for %scan3A_44 = %scan3A_23 to %scan3A_25 step %scan3A_26  : i32 {
      %jit3A = arith.constant 2 : i32
      %eq3A = arith.constant 0 : i32
      %eq3A_45 = arith.cmpi eq, %jit3A, %eq3A : i32
      %jit3A_46 = arith.constant 1 : i32
      %select_n3A = arith.select %eq3A_45, %jit3A_46, %jit3A : i32
      %rem3A = arith.remsi %scan3A_44, %select_n3A : i32
      %ne3A = arith.constant 0 : i32
      %ne3A_47 = arith.cmpi ne, %rem3A, %ne3A : i32
      %lt3A = arith.constant 0 : i32
      %lt3A_48 = arith.cmpi slt, %rem3A, %lt3A : i32
      %lt3A_49 = arith.constant 0 : i32
      %lt3A_50 = arith.cmpi slt, %select_n3A, %lt3A_49 : i32
      %ne3A_51 = arith.xori %lt3A_48, %lt3A_50 : i1
      %and3A = arith.andi %ne3A_51, %ne3A_47 : i1
      %add3A_52 = arith.addi %rem3A, %select_n3A : i32
      %select_n3A_53 = arith.select %and3A, %add3A_52, %rem3A : i32
      %eq3A_54 = arith.constant 0 : i32
      %eq3A_55 = arith.cmpi eq, %select_n3A_53, %eq3A_54 : i32
      %convert_element_type3A = arith.extui %eq3A_55 : i1 to i32
      %cond3A = arith.constant 0 : i32
      %cond3A_56 = arith.cmpi ne, %convert_element_type3A, %cond3A : i32
      scf.if %cond3A_56 {
        %ge3A = arith.constant 2 : i32
        %ge3A_78 = arith.cmpi sge, %scan3A_44, %ge3A : i32
        %convert_element_type3A_79 = arith.extui %ge3A_78 : i1 to i32
        %cond3A_80 = arith.constant 0 : i32
        %cond3A_81 = arith.cmpi ne, %convert_element_type3A_79, %cond3A_80 : i32
        scf.if %cond3A_81 {
          %dma_wait3A_92 = arith.constant 0 : i32
          %dma_wait3A_93 = arith.constant 0 : i32
          %dma_wait3A_94 = tpu.memref_slice %arg7[%dma_wait3A_92, %dma_wait3A_93] : memref<125x80xi32, #tpu.memory_space<vmem>> -> memref<1x80xi32, #tpu.memory_space<vmem>>
          %dma_wait3A_95 = tpu.memref_squeeze %dma_wait3A_94 : memref<1x80xi32, #tpu.memory_space<vmem>> -> memref<80xi32, #tpu.memory_space<vmem>>
          %dma_wait3A_96 = arith.constant 0 : i32
          %dma_wait3A_97 = arith.constant 0 : i32
          %dma_wait3A_98 = tpu.memref_slice %arg10[%dma_wait3A_96, %dma_wait3A_97] : memref<10240x128xf32, #tpu.memory_space<vmem_shared>> -> memref<10240x128xf32, #tpu.memory_space<vmem_shared>>
          tpu.wait_indirect_dma semaphore(%arg13 : memref<!tpu.dma_semaphore, #tpu.memory_space<semaphore_mem>>) src(%arg8 : memref<80x128xf32, #tpu.memory_space<vmem>>) dst(%dma_wait3A_98 : memref<10240x128xf32, #tpu.memory_space<vmem_shared>>)
        } else {
        }
        %mul3A_82 = arith.constant 80 : i32
        %mul3A_83 = arith.muli %scan3A_44, %mul3A_82 : i32
        %dma_start3A = tpu.memref_slice %arg6[%mul3A_83] : memref<10000xi32, #tpu.memory_space<vmem>> -> memref<80xi32, #tpu.memory_space<vmem>>
        %dma_start3A_84 = arith.constant 0 : i32
        %dma_start3A_85 = arith.constant 0 : i32
        %dma_start3A_86 = tpu.memref_slice %arg2[%dma_start3A_84, %dma_start3A_85] : memref<20480x128xf32, #tpu.memory_space<hbm>> -> memref<20480x128xf32, #tpu.memory_space<hbm>>
        tpu.enqueue_indirect_dma source(%dma_start3A_86 : memref<20480x128xf32, #tpu.memory_space<hbm>>) target(%arg8 : memref<80x128xf32, #tpu.memory_space<vmem>>) offsets(%dma_start3A : memref<80xi32, #tpu.memory_space<vmem>>) semaphore(%arg11 : memref<!tpu.dma_semaphore, #tpu.memory_space<semaphore_mem>>)
        %ge3A_87 = arith.constant 1 : i32
        %ge3A_88 = arith.cmpi sge, %scan3A_44, %ge3A_87 : i32
        %convert_element_type3A_89 = arith.extui %ge3A_88 : i1 to i32
        %cond3A_90 = arith.constant 0 : i32
        %cond3A_91 = arith.cmpi ne, %convert_element_type3A_89, %cond3A_90 : i32
        scf.if %cond3A_91 {
          %dma_wait3A_92 = arith.constant 0 : i32
          %dma_wait3A_93 = arith.constant 0 : i32
          %dma_wait3A_94 = tpu.memref_slice %arg2[%dma_wait3A_92, %dma_wait3A_93] : memref<20480x128xf32, #tpu.memory_space<hbm>> -> memref<80x128xf32, #tpu.memory_space<hbm>>
          %dma_wait3A_95 = arith.constant 0 : i32
          %dma_wait3A_96 = arith.constant 0 : i32
          %dma_wait3A_97 = tpu.memref_slice %arg2[%dma_wait3A_95, %dma_wait3A_96] : memref<20480x128xf32, #tpu.memory_space<hbm>> -> memref<80x128xf32, #tpu.memory_space<hbm>>
          tpu.wait_dma2 semaphore(%arg12 : memref<!tpu.dma_semaphore, #tpu.memory_space<semaphore_mem>>) src(%dma_wait3A_97 : memref<80x128xf32, #tpu.memory_space<hbm>>) dst(%arg9 : memref<80x128xf32, #tpu.memory_space<vmem>>)
          %sub3A = arith.constant 1 : i32
          %sub3A_98 = arith.subi %scan3A_44, %sub3A : i32
          %dma_start3A_99 = arith.constant 0 : i32
          %dma_start3A_100 = tpu.memref_slice %arg7[%sub3A_98, %dma_start3A_99] : memref<125x80xi32, #tpu.memory_space<vmem>> -> memref<1x80xi32, #tpu.memory_space<vmem>>
          %dma_start3A_101 = tpu.memref_squeeze %dma_start3A_100 : memref<1x80xi32, #tpu.memory_space<vmem>> -> memref<80xi32, #tpu.memory_space<vmem>>
          %dma_start3A_102 = arith.constant 0 : i32
          %dma_start3A_103 = arith.constant 0 : i32
          %dma_start3A_104 = tpu.memref_slice %arg10[%dma_start3A_102, %dma_start3A_103] : memref<10240x128xf32, #tpu.memory_space<vmem_shared>> -> memref<10240x128xf32, #tpu.memory_space<vmem_shared>>
          tpu.enqueue_indirect_dma source(%arg9 : memref<80x128xf32, #tpu.memory_space<vmem>>) target(%dma_start3A_104 : memref<10240x128xf32, #tpu.memory_space<vmem_shared>>) offsets(%dma_start3A_101 : memref<80xi32, #tpu.memory_space<vmem>>) semaphore(%arg14 : memref<!tpu.dma_semaphore, #tpu.memory_space<semaphore_mem>>) {add = true}
        } else {
        }
      } else {
      }
      %jit3A_57 = arith.constant 2 : i32
      %eq3A_58 = arith.constant 0 : i32
      %eq3A_59 = arith.cmpi eq, %jit3A_57, %eq3A_58 : i32
      %jit3A_60 = arith.constant 1 : i32
      %select_n3A_61 = arith.select %eq3A_59, %jit3A_60, %jit3A_57 : i32
      %rem3A_62 = arith.remsi %scan3A_44, %select_n3A_61 : i32
      %ne3A_63 = arith.constant 0 : i32
      %ne3A_64 = arith.cmpi ne, %rem3A_62, %ne3A_63 : i32
      %lt3A_65 = arith.constant 0 : i32
      %lt3A_66 = arith.cmpi slt, %rem3A_62, %lt3A_65 : i32
      %lt3A_67 = arith.constant 0 : i32
      %lt3A_68 = arith.cmpi slt, %select_n3A_61, %lt3A_67 : i32
      %ne3A_69 = arith.xori %lt3A_66, %lt3A_68 : i1
      %and3A_70 = arith.andi %ne3A_69, %ne3A_64 : i1
      %add3A_71 = arith.addi %rem3A_62, %select_n3A_61 : i32
      %select_n3A_72 = arith.select %and3A_70, %add3A_71, %rem3A_62 : i32
      %eq3A_73 = arith.constant 1 : i32
      %eq3A_74 = arith.cmpi eq, %select_n3A_72, %eq3A_73 : i32
      %convert_element_type3A_75 = arith.extui %eq3A_74 : i1 to i32
      %cond3A_76 = arith.constant 0 : i32
      %cond3A_77 = arith.cmpi ne, %convert_element_type3A_75, %cond3A_76 : i32
      scf.if %cond3A_77 {
        %ge3A = arith.constant 2 : i32
        %ge3A_78 = arith.cmpi sge, %scan3A_44, %ge3A : i32
        %convert_element_type3A_79 = arith.extui %ge3A_78 : i1 to i32
        %cond3A_80 = arith.constant 0 : i32
        %cond3A_81 = arith.cmpi ne, %convert_element_type3A_79, %cond3A_80 : i32
        scf.if %cond3A_81 {
          %dma_wait3A_92 = arith.constant 0 : i32
          %dma_wait3A_93 = arith.constant 0 : i32
          %dma_wait3A_94 = tpu.memref_slice %arg7[%dma_wait3A_92, %dma_wait3A_93] : memref<125x80xi32, #tpu.memory_space<vmem>> -> memref<1x80xi32, #tpu.memory_space<vmem>>
          %dma_wait3A_95 = tpu.memref_squeeze %dma_wait3A_94 : memref<1x80xi32, #tpu.memory_space<vmem>> -> memref<80xi32, #tpu.memory_space<vmem>>
          %dma_wait3A_96 = arith.constant 0 : i32
          %dma_wait3A_97 = arith.constant 0 : i32
          %dma_wait3A_98 = tpu.memref_slice %arg10[%dma_wait3A_96, %dma_wait3A_97] : memref<10240x128xf32, #tpu.memory_space<vmem_shared>> -> memref<10240x128xf32, #tpu.memory_space<vmem_shared>>
          tpu.wait_indirect_dma semaphore(%arg14 : memref<!tpu.dma_semaphore, #tpu.memory_space<semaphore_mem>>) src(%arg9 : memref<80x128xf32, #tpu.memory_space<vmem>>) dst(%dma_wait3A_98 : memref<10240x128xf32, #tpu.memory_space<vmem_shared>>)
        } else {
        }
        %mul3A_82 = arith.constant 80 : i32
        %mul3A_83 = arith.muli %scan3A_44, %mul3A_82 : i32
        %dma_start3A = tpu.memref_slice %arg6[%mul3A_83] : memref<10000xi32, #tpu.memory_space<vmem>> -> memref<80xi32, #tpu.memory_space<vmem>>
        %dma_start3A_84 = arith.constant 0 : i32
        %dma_start3A_85 = arith.constant 0 : i32
        %dma_start3A_86 = tpu.memref_slice %arg2[%dma_start3A_84, %dma_start3A_85] : memref<20480x128xf32, #tpu.memory_space<hbm>> -> memref<20480x128xf32, #tpu.memory_space<hbm>>
        tpu.enqueue_indirect_dma source(%dma_start3A_86 : memref<20480x128xf32, #tpu.memory_space<hbm>>) target(%arg9 : memref<80x128xf32, #tpu.memory_space<vmem>>) offsets(%dma_start3A : memref<80xi32, #tpu.memory_space<vmem>>) semaphore(%arg12 : memref<!tpu.dma_semaphore, #tpu.memory_space<semaphore_mem>>)
        %ge3A_87 = arith.constant 1 : i32
        %ge3A_88 = arith.cmpi sge, %scan3A_44, %ge3A_87 : i32
        %convert_element_type3A_89 = arith.extui %ge3A_88 : i1 to i32
        %cond3A_90 = arith.constant 0 : i32
        %cond3A_91 = arith.cmpi ne, %convert_element_type3A_89, %cond3A_90 : i32
        scf.if %cond3A_91 {
          %dma_wait3A_92 = arith.constant 0 : i32
          %dma_wait3A_93 = arith.constant 0 : i32
          %dma_wait3A_94 = tpu.memref_slice %arg2[%dma_wait3A_92, %dma_wait3A_93] : memref<20480x128xf32, #tpu.memory_space<hbm>> -> memref<80x128xf32, #tpu.memory_space<hbm>>
          %dma_wait3A_95 = arith.constant 0 : i32
          %dma_wait3A_96 = arith.constant 0 : i32
          %dma_wait3A_97 = tpu.memref_slice %arg2[%dma_wait3A_95, %dma_wait3A_96] : memref<20480x128xf32, #tpu.memory_space<hbm>> -> memref<80x128xf32, #tpu.memory_space<hbm>>
          tpu.wait_dma2 semaphore(%arg11 : memref<!tpu.dma_semaphore, #tpu.memory_space<semaphore_mem>>) src(%dma_wait3A_97 : memref<80x128xf32, #tpu.memory_space<hbm>>) dst(%arg8 : memref<80x128xf32, #tpu.memory_space<vmem>>)
          %sub3A = arith.constant 1 : i32
          %sub3A_98 = arith.subi %scan3A_44, %sub3A : i32
          %dma_start3A_99 = arith.constant 0 : i32
          %dma_start3A_100 = tpu.memref_slice %arg7[%sub3A_98, %dma_start3A_99] : memref<125x80xi32, #tpu.memory_space<vmem>> -> memref<1x80xi32, #tpu.memory_space<vmem>>
          %dma_start3A_101 = tpu.memref_squeeze %dma_start3A_100 : memref<1x80xi32, #tpu.memory_space<vmem>> -> memref<80xi32, #tpu.memory_space<vmem>>
          %dma_start3A_102 = arith.constant 0 : i32
          %dma_start3A_103 = arith.constant 0 : i32
          %dma_start3A_104 = tpu.memref_slice %arg10[%dma_start3A_102, %dma_start3A_103] : memref<10240x128xf32, #tpu.memory_space<vmem_shared>> -> memref<10240x128xf32, #tpu.memory_space<vmem_shared>>
          tpu.enqueue_indirect_dma source(%arg8 : memref<80x128xf32, #tpu.memory_space<vmem>>) target(%dma_start3A_104 : memref<10240x128xf32, #tpu.memory_space<vmem_shared>>) offsets(%dma_start3A_101 : memref<80xi32, #tpu.memory_space<vmem>>) semaphore(%arg13 : memref<!tpu.dma_semaphore, #tpu.memory_space<semaphore_mem>>) {add = true}
        } else {
        }
      } else {
      }
    }
    %scan3A_27 = arith.constant 125 : i32
    %dma_wait3A = arith.constant 0 : i32
    %dma_wait3A_28 = arith.constant 0 : i32
    %dma_wait3A_29 = tpu.memref_slice %arg2[%dma_wait3A, %dma_wait3A_28] : memref<20480x128xf32, #tpu.memory_space<hbm>> -> memref<80x128xf32, #tpu.memory_space<hbm>>
    %dma_wait3A_30 = arith.constant 0 : i32
    %dma_wait3A_31 = arith.constant 0 : i32
    %dma_wait3A_32 = tpu.memref_slice %arg2[%dma_wait3A_30, %dma_wait3A_31] : memref<20480x128xf32, #tpu.memory_space<hbm>> -> memref<80x128xf32, #tpu.memory_space<hbm>>
    tpu.wait_dma2 semaphore(%arg11 : memref<!tpu.dma_semaphore, #tpu.memory_space<semaphore_mem>>) src(%dma_wait3A_32 : memref<80x128xf32, #tpu.memory_space<hbm>>) dst(%arg8 : memref<80x128xf32, #tpu.memory_space<vmem>>)
    %run_scoped3A = arith.constant 124 : i32
    "tpu.region"() ({
      %run_scoped3A_44 = tpu.sem_alloc : memref<!tpu.dma_semaphore, #tpu.memory_space<semaphore_mem>>
      %dma_start3A = arith.constant 0 : i32
      %dma_start3A_45 = tpu.memref_slice %arg7[%run_scoped3A, %dma_start3A] : memref<125x80xi32, #tpu.memory_space<vmem>> -> memref<1x80xi32, #tpu.memory_space<vmem>>
      %dma_start3A_46 = tpu.memref_squeeze %dma_start3A_45 : memref<1x80xi32, #tpu.memory_space<vmem>> -> memref<80xi32, #tpu.memory_space<vmem>>
      %dma_start3A_47 = arith.constant 0 : i32
      %dma_start3A_48 = arith.constant 0 : i32
      %dma_start3A_49 = tpu.memref_slice %arg10[%dma_start3A_47, %dma_start3A_48] : memref<10240x128xf32, #tpu.memory_space<vmem_shared>> -> memref<10240x128xf32, #tpu.memory_space<vmem_shared>>
      tpu.enqueue_indirect_dma source(%arg8 : memref<80x128xf32, #tpu.memory_space<vmem>>) target(%dma_start3A_49 : memref<10240x128xf32, #tpu.memory_space<vmem_shared>>) offsets(%dma_start3A_46 : memref<80xi32, #tpu.memory_space<vmem>>) semaphore(%run_scoped3A_44 : memref<!tpu.dma_semaphore, #tpu.memory_space<semaphore_mem>>) {add = true}
      %dma_wait3A_50 = arith.constant 0 : i32
      %dma_wait3A_51 = tpu.memref_slice %arg7[%run_scoped3A, %dma_wait3A_50] : memref<125x80xi32, #tpu.memory_space<vmem>> -> memref<1x80xi32, #tpu.memory_space<vmem>>
      %dma_wait3A_52 = tpu.memref_squeeze %dma_wait3A_51 : memref<1x80xi32, #tpu.memory_space<vmem>> -> memref<80xi32, #tpu.memory_space<vmem>>
      %dma_wait3A_53 = arith.constant 0 : i32
      %dma_wait3A_54 = arith.constant 0 : i32
      %dma_wait3A_55 = tpu.memref_slice %arg10[%dma_wait3A_53, %dma_wait3A_54] : memref<10240x128xf32, #tpu.memory_space<vmem_shared>> -> memref<10240x128xf32, #tpu.memory_space<vmem_shared>>
      tpu.wait_indirect_dma semaphore(%run_scoped3A_44 : memref<!tpu.dma_semaphore, #tpu.memory_space<semaphore_mem>>) src(%arg8 : memref<80x128xf32, #tpu.memory_space<vmem>>) dst(%dma_wait3A_55 : memref<10240x128xf32, #tpu.memory_space<vmem_shared>>)
      tpu.yield
    }) : () -> ()
    %dma_wait3A_33 = arith.constant 0 : i32
    %dma_wait3A_34 = arith.constant 0 : i32
    %dma_wait3A_35 = tpu.memref_slice %arg7[%dma_wait3A_33, %dma_wait3A_34] : memref<125x80xi32, #tpu.memory_space<vmem>> -> memref<1x80xi32, #tpu.memory_space<vmem>>
    %dma_wait3A_36 = tpu.memref_squeeze %dma_wait3A_35 : memref<1x80xi32, #tpu.memory_space<vmem>> -> memref<80xi32, #tpu.memory_space<vmem>>
    %dma_wait3A_37 = arith.constant 0 : i32
    %dma_wait3A_38 = arith.constant 0 : i32
    %dma_wait3A_39 = tpu.memref_slice %arg10[%dma_wait3A_37, %dma_wait3A_38] : memref<10240x128xf32, #tpu.memory_space<vmem_shared>> -> memref<10240x128xf32, #tpu.memory_space<vmem_shared>>
    tpu.wait_indirect_dma semaphore(%arg14 : memref<!tpu.dma_semaphore, #tpu.memory_space<semaphore_mem>>) src(%arg9 : memref<80x128xf32, #tpu.memory_space<vmem>>) dst(%dma_wait3A_39 : memref<10240x128xf32, #tpu.memory_space<vmem_shared>>)
    %barrier3A_40 = arith.constant 0 : index
    tpu.barrier barrier_id(%barrier3A_40)
    %mul3A_41 = arith.constant 10240 : i32
    %mul3A_42 = arith.muli %arg0, %mul3A_41 : i32
    %add3A_43 = arith.addi %mul3A_42, %mul3A_6 : i32
    "tpu.region"() ({
      %run_scoped3A_44 = tpu.sem_alloc : memref<!tpu.dma_semaphore, #tpu.memory_space<semaphore_mem>>
      %dma_start3A = arith.constant 0 : i32
      %dma_start3A_45 = tpu.memref_slice %arg5[%add3A_43, %dma_start3A] : memref<20480x128xf32, #tpu.memory_space<hbm>> -> memref<640x128xf32, #tpu.memory_space<hbm>>
      %dma_start3A_46 = arith.constant 0 : i32
      %dma_start3A_47 = tpu.memref_slice %arg10[%mul3A_6, %dma_start3A_46] : memref<10240x128xf32, #tpu.memory_space<vmem_shared>> -> memref<640x128xf32, #tpu.memory_space<vmem_shared>>
      tpu.enqueue_dma source(%dma_start3A_47 : memref<640x128xf32, #tpu.memory_space<vmem_shared>>) target(%dma_start3A_45 : memref<640x128xf32, #tpu.memory_space<hbm>>) target_semaphore(%run_scoped3A_44 : memref<!tpu.dma_semaphore, #tpu.memory_space<semaphore_mem>>)
      %dma_wait3A_48 = arith.constant 0 : i32
      %dma_wait3A_49 = tpu.memref_slice %arg5[%add3A_43, %dma_wait3A_48] : memref<20480x128xf32, #tpu.memory_space<hbm>> -> memref<640x128xf32, #tpu.memory_space<hbm>>
      %dma_wait3A_50 = arith.constant 0 : i32
      %dma_wait3A_51 = tpu.memref_slice %arg10[%mul3A_6, %dma_wait3A_50] : memref<10240x128xf32, #tpu.memory_space<vmem_shared>> -> memref<640x128xf32, #tpu.memory_space<vmem_shared>>
      tpu.wait_dma2 semaphore(%run_scoped3A_44 : memref<!tpu.dma_semaphore, #tpu.memory_space<semaphore_mem>>) src(%dma_wait3A_51 : memref<640x128xf32, #tpu.memory_space<vmem_shared>>) dst(%dma_wait3A_49 : memref<640x128xf32, #tpu.memory_space<hbm>>)
      tpu.yield
    }) : () -> ()
    return
  }
}

#map = affine_map<(d0, d1) -> (0, 0)>
#map1 = affine_map<(d0, d1) -> (0, 0, 0)>
module attributes {stable_mosaic.version = 14 : i64} {
  func.func @_edge_kernel(%arg0: i32, %arg1: i32, %arg2: memref<20480x128xf32, #tpu.memory_space<hbm>>, %arg3: memref<32x125x80xi32, #tpu.memory_space<hbm>>, %arg4: memref<32x125x80xi32, #tpu.memory_space<hbm>>, %arg5: memref<160000x256xf32, #tpu.memory_space<hbm>>, %arg6: memref<125x80xi32, #tpu.memory_space<vmem>>, %arg7: memref<125x80xi32, #tpu.memory_space<vmem>>, %arg8: memref<80x128xf32, #tpu.memory_space<vmem>>, %arg9: memref<80x128xf32, #tpu.memory_space<vmem>>, %arg10: memref<!tpu.dma_semaphore, #tpu.memory_space<semaphore_mem>>, %arg11: memref<!tpu.dma_semaphore, #tpu.memory_space<semaphore_mem>>, %arg12: memref<!tpu.dma_semaphore, #tpu.memory_space<semaphore_mem>>, %arg13: memref<!tpu.dma_semaphore, #tpu.memory_space<semaphore_mem>>) attributes {dimension_semantics = [#tpu.dimension_semantics<core_parallel>, #tpu.dimension_semantics<subcore_parallel>], iteration_bounds = array<i64: 2, 16>, scalar_prefetch = 0 : i64, scratch_operands = 8 : i64, tpu.core_type = #tpu.core_type<sc_vector_subcore>, window_params = [{transform_indices = #map}, {transform_indices = #map1}, {transform_indices = #map1}, {transform_indices = #map}]} {
    %mul3A = arith.constant 16 : i32
    %mul3A_0 = arith.muli %arg0, %mul3A : i32
    %add3A = arith.addi %mul3A_0, %arg1 : i32
    %mul3A_1 = arith.constant 10000 : i32
    %mul3A_2 = arith.muli %arg1, %mul3A_1 : i32
    %mul3A_3 = arith.constant 128 : i32
    %mul3A_4 = arith.muli %arg0, %mul3A_3 : i32
    "tpu.region"() ({
      %run_scoped3A = tpu.sem_alloc : memref<!tpu.dma_semaphore, #tpu.memory_space<semaphore_mem>>
      %dma_start3A_18 = arith.constant 0 : i32
      %dma_start3A_19 = arith.constant 0 : i32
      %dma_start3A_20 = tpu.memref_slice %arg3[%add3A, %dma_start3A_18, %dma_start3A_19] : memref<32x125x80xi32, #tpu.memory_space<hbm>> -> memref<1x125x80xi32, #tpu.memory_space<hbm>>
      %dma_start3A_21 = tpu.memref_squeeze %dma_start3A_20 : memref<1x125x80xi32, #tpu.memory_space<hbm>> -> memref<125x80xi32, #tpu.memory_space<hbm>>
      %dma_start3A_22 = arith.constant 0 : i32
      %dma_start3A_23 = arith.constant 0 : i32
      %dma_start3A_24 = tpu.memref_slice %arg3[%add3A, %dma_start3A_22, %dma_start3A_23] : memref<32x125x80xi32, #tpu.memory_space<hbm>> -> memref<1x125x80xi32, #tpu.memory_space<hbm>>
      %dma_start3A_25 = tpu.memref_squeeze %dma_start3A_24 : memref<1x125x80xi32, #tpu.memory_space<hbm>> -> memref<125x80xi32, #tpu.memory_space<hbm>>
      tpu.enqueue_dma source(%dma_start3A_25 : memref<125x80xi32, #tpu.memory_space<hbm>>) target(%arg6 : memref<125x80xi32, #tpu.memory_space<vmem>>) target_semaphore(%run_scoped3A : memref<!tpu.dma_semaphore, #tpu.memory_space<semaphore_mem>>)
      %dma_wait3A_26 = arith.constant 0 : i32
      %dma_wait3A_27 = arith.constant 0 : i32
      %dma_wait3A_28 = tpu.memref_slice %arg3[%add3A, %dma_wait3A_26, %dma_wait3A_27] : memref<32x125x80xi32, #tpu.memory_space<hbm>> -> memref<1x125x80xi32, #tpu.memory_space<hbm>>
      %dma_wait3A_29 = tpu.memref_squeeze %dma_wait3A_28 : memref<1x125x80xi32, #tpu.memory_space<hbm>> -> memref<125x80xi32, #tpu.memory_space<hbm>>
      %dma_wait3A_30 = arith.constant 0 : i32
      %dma_wait3A_31 = arith.constant 0 : i32
      %dma_wait3A_32 = tpu.memref_slice %arg3[%add3A, %dma_wait3A_30, %dma_wait3A_31] : memref<32x125x80xi32, #tpu.memory_space<hbm>> -> memref<1x125x80xi32, #tpu.memory_space<hbm>>
      %dma_wait3A_33 = tpu.memref_squeeze %dma_wait3A_32 : memref<1x125x80xi32, #tpu.memory_space<hbm>> -> memref<125x80xi32, #tpu.memory_space<hbm>>
      tpu.wait_dma2 semaphore(%run_scoped3A : memref<!tpu.dma_semaphore, #tpu.memory_space<semaphore_mem>>) src(%dma_wait3A_33 : memref<125x80xi32, #tpu.memory_space<hbm>>) dst(%arg6 : memref<125x80xi32, #tpu.memory_space<vmem>>)
      tpu.yield
    }) : () -> ()
    "tpu.region"() ({
      %run_scoped3A = tpu.sem_alloc : memref<!tpu.dma_semaphore, #tpu.memory_space<semaphore_mem>>
      %dma_start3A_18 = arith.constant 0 : i32
      %dma_start3A_19 = arith.constant 0 : i32
      %dma_start3A_20 = tpu.memref_slice %arg4[%add3A, %dma_start3A_18, %dma_start3A_19] : memref<32x125x80xi32, #tpu.memory_space<hbm>> -> memref<1x125x80xi32, #tpu.memory_space<hbm>>
      %dma_start3A_21 = tpu.memref_squeeze %dma_start3A_20 : memref<1x125x80xi32, #tpu.memory_space<hbm>> -> memref<125x80xi32, #tpu.memory_space<hbm>>
      %dma_start3A_22 = arith.constant 0 : i32
      %dma_start3A_23 = arith.constant 0 : i32
      %dma_start3A_24 = tpu.memref_slice %arg4[%add3A, %dma_start3A_22, %dma_start3A_23] : memref<32x125x80xi32, #tpu.memory_space<hbm>> -> memref<1x125x80xi32, #tpu.memory_space<hbm>>
      %dma_start3A_25 = tpu.memref_squeeze %dma_start3A_24 : memref<1x125x80xi32, #tpu.memory_space<hbm>> -> memref<125x80xi32, #tpu.memory_space<hbm>>
      tpu.enqueue_dma source(%dma_start3A_25 : memref<125x80xi32, #tpu.memory_space<hbm>>) target(%arg7 : memref<125x80xi32, #tpu.memory_space<vmem>>) target_semaphore(%run_scoped3A : memref<!tpu.dma_semaphore, #tpu.memory_space<semaphore_mem>>)
      %dma_wait3A_26 = arith.constant 0 : i32
      %dma_wait3A_27 = arith.constant 0 : i32
      %dma_wait3A_28 = tpu.memref_slice %arg4[%add3A, %dma_wait3A_26, %dma_wait3A_27] : memref<32x125x80xi32, #tpu.memory_space<hbm>> -> memref<1x125x80xi32, #tpu.memory_space<hbm>>
      %dma_wait3A_29 = tpu.memref_squeeze %dma_wait3A_28 : memref<1x125x80xi32, #tpu.memory_space<hbm>> -> memref<125x80xi32, #tpu.memory_space<hbm>>
      %dma_wait3A_30 = arith.constant 0 : i32
      %dma_wait3A_31 = arith.constant 0 : i32
      %dma_wait3A_32 = tpu.memref_slice %arg4[%add3A, %dma_wait3A_30, %dma_wait3A_31] : memref<32x125x80xi32, #tpu.memory_space<hbm>> -> memref<1x125x80xi32, #tpu.memory_space<hbm>>
      %dma_wait3A_33 = tpu.memref_squeeze %dma_wait3A_32 : memref<1x125x80xi32, #tpu.memory_space<hbm>> -> memref<125x80xi32, #tpu.memory_space<hbm>>
      tpu.wait_dma2 semaphore(%run_scoped3A : memref<!tpu.dma_semaphore, #tpu.memory_space<semaphore_mem>>) src(%dma_wait3A_33 : memref<125x80xi32, #tpu.memory_space<hbm>>) dst(%arg7 : memref<125x80xi32, #tpu.memory_space<vmem>>)
      tpu.yield
    }) : () -> ()
    %dma_start3A = arith.constant 0 : i32
    %dma_start3A_5 = arith.constant 0 : i32
    %dma_start3A_6 = tpu.memref_slice %arg6[%dma_start3A, %dma_start3A_5] : memref<125x80xi32, #tpu.memory_space<vmem>> -> memref<1x80xi32, #tpu.memory_space<vmem>>
    %dma_start3A_7 = tpu.memref_squeeze %dma_start3A_6 : memref<1x80xi32, #tpu.memory_space<vmem>> -> memref<80xi32, #tpu.memory_space<vmem>>
    %dma_start3A_8 = arith.constant 0 : i32
    %dma_start3A_9 = arith.constant 0 : i32
    %dma_start3A_10 = tpu.memref_slice %arg2[%dma_start3A_8, %dma_start3A_9] : memref<20480x128xf32, #tpu.memory_space<hbm>> -> memref<20480x128xf32, #tpu.memory_space<hbm>>
    tpu.enqueue_indirect_dma source(%dma_start3A_10 : memref<20480x128xf32, #tpu.memory_space<hbm>>) target(%arg8 : memref<80x128xf32, #tpu.memory_space<vmem>>) offsets(%dma_start3A_7 : memref<80xi32, #tpu.memory_space<vmem>>) semaphore(%arg10 : memref<!tpu.dma_semaphore, #tpu.memory_space<semaphore_mem>>)
    %scan3A = arith.constant 0 : i32
    %scan3A_11 = arith.constant 125 : i32
    %scan3A_12 = arith.addi %scan3A, %scan3A_11 : i32
    %scan3A_13 = arith.constant 1 : i32
    scf.for %scan3A_18 = %scan3A to %scan3A_12 step %scan3A_13  : i32 {
      %jit3A = arith.constant 2 : i32
      %eq3A = arith.constant 0 : i32
      %eq3A_19 = arith.cmpi eq, %jit3A, %eq3A : i32
      %jit3A_20 = arith.constant 1 : i32
      %select_n3A = arith.select %eq3A_19, %jit3A_20, %jit3A : i32
      %rem3A = arith.remsi %scan3A_18, %select_n3A : i32
      %ne3A = arith.constant 0 : i32
      %ne3A_21 = arith.cmpi ne, %rem3A, %ne3A : i32
      %lt3A = arith.constant 0 : i32
      %lt3A_22 = arith.cmpi slt, %rem3A, %lt3A : i32
      %lt3A_23 = arith.constant 0 : i32
      %lt3A_24 = arith.cmpi slt, %select_n3A, %lt3A_23 : i32
      %ne3A_25 = arith.xori %lt3A_22, %lt3A_24 : i1
      %and3A = arith.andi %ne3A_25, %ne3A_21 : i1
      %add3A_26 = arith.addi %rem3A, %select_n3A : i32
      %select_n3A_27 = arith.select %and3A, %add3A_26, %rem3A : i32
      %eq3A_28 = arith.constant 0 : i32
      %eq3A_29 = arith.cmpi eq, %select_n3A_27, %eq3A_28 : i32
      %convert_element_type3A = arith.extui %eq3A_29 : i1 to i32
      %cond3A = arith.constant 0 : i32
      %cond3A_30 = arith.cmpi ne, %convert_element_type3A, %cond3A : i32
      scf.if %cond3A_30 {
        %dma_wait3A_52 = arith.constant 0 : i32
        %dma_wait3A_53 = arith.constant 0 : i32
        %dma_wait3A_54 = tpu.memref_slice %arg2[%dma_wait3A_52, %dma_wait3A_53] : memref<20480x128xf32, #tpu.memory_space<hbm>> -> memref<80x128xf32, #tpu.memory_space<hbm>>
        %dma_wait3A_55 = arith.constant 0 : i32
        %dma_wait3A_56 = arith.constant 0 : i32
        %dma_wait3A_57 = tpu.memref_slice %arg2[%dma_wait3A_55, %dma_wait3A_56] : memref<20480x128xf32, #tpu.memory_space<hbm>> -> memref<80x128xf32, #tpu.memory_space<hbm>>
        tpu.wait_dma2 semaphore(%arg10 : memref<!tpu.dma_semaphore, #tpu.memory_space<semaphore_mem>>) src(%dma_wait3A_57 : memref<80x128xf32, #tpu.memory_space<hbm>>) dst(%arg8 : memref<80x128xf32, #tpu.memory_space<vmem>>)
        %dma_start3A_58 = arith.constant 0 : i32
        %dma_start3A_59 = tpu.memref_slice %arg7[%scan3A_18, %dma_start3A_58] : memref<125x80xi32, #tpu.memory_space<vmem>> -> memref<1x80xi32, #tpu.memory_space<vmem>>
        %dma_start3A_60 = tpu.memref_squeeze %dma_start3A_59 : memref<1x80xi32, #tpu.memory_space<vmem>> -> memref<80xi32, #tpu.memory_space<vmem>>
        %dma_start3A_61 = arith.constant 0 : i32
        %dma_start3A_62 = arith.constant 0 : i32
        %dma_start3A_63 = tpu.memref_slice %arg2[%dma_start3A_61, %dma_start3A_62] : memref<20480x128xf32, #tpu.memory_space<hbm>> -> memref<20480x128xf32, #tpu.memory_space<hbm>>
        tpu.enqueue_indirect_dma source(%dma_start3A_63 : memref<20480x128xf32, #tpu.memory_space<hbm>>) target(%arg8 : memref<80x128xf32, #tpu.memory_space<vmem>>) offsets(%dma_start3A_60 : memref<80xi32, #tpu.memory_space<vmem>>) semaphore(%arg10 : memref<!tpu.dma_semaphore, #tpu.memory_space<semaphore_mem>>) {add = true}
        %lt3A_64 = arith.constant 124 : i32
        %lt3A_65 = arith.cmpi slt, %scan3A_18, %lt3A_64 : i32
        %convert_element_type3A_66 = arith.extui %lt3A_65 : i1 to i32
        %cond3A_67 = arith.constant 0 : i32
        %cond3A_68 = arith.cmpi ne, %convert_element_type3A_66, %cond3A_67 : i32
        scf.if %cond3A_68 {
          %ge3A = arith.constant 1 : i32
          %ge3A_80 = arith.cmpi sge, %scan3A_18, %ge3A : i32
          %convert_element_type3A_81 = arith.extui %ge3A_80 : i1 to i32
          %cond3A_82 = arith.constant 0 : i32
          %cond3A_83 = arith.cmpi ne, %convert_element_type3A_81, %cond3A_82 : i32
          scf.if %cond3A_83 {
            %dma_wait3A_92 = tpu.memref_slice %arg5[%mul3A_2, %mul3A_4] : memref<160000x256xf32, #tpu.memory_space<hbm>> -> memref<80x128xf32, #tpu.memory_space<hbm>>
            %dma_wait3A_93 = tpu.memref_slice %arg5[%mul3A_2, %mul3A_4] : memref<160000x256xf32, #tpu.memory_space<hbm>> -> memref<80x128xf32, #tpu.memory_space<hbm>>
            tpu.wait_dma2 semaphore(%arg13 : memref<!tpu.dma_semaphore, #tpu.memory_space<semaphore_mem>>) src(%arg9 : memref<80x128xf32, #tpu.memory_space<vmem>>) dst(%dma_wait3A_93 : memref<80x128xf32, #tpu.memory_space<hbm>>)
          } else {
          }
          %add3A_84 = arith.constant 1 : i32
          %add3A_85 = arith.addi %scan3A_18, %add3A_84 : i32
          %dma_start3A_86 = arith.constant 0 : i32
          %dma_start3A_87 = tpu.memref_slice %arg6[%add3A_85, %dma_start3A_86] : memref<125x80xi32, #tpu.memory_space<vmem>> -> memref<1x80xi32, #tpu.memory_space<vmem>>
          %dma_start3A_88 = tpu.memref_squeeze %dma_start3A_87 : memref<1x80xi32, #tpu.memory_space<vmem>> -> memref<80xi32, #tpu.memory_space<vmem>>
          %dma_start3A_89 = arith.constant 0 : i32
          %dma_start3A_90 = arith.constant 0 : i32
          %dma_start3A_91 = tpu.memref_slice %arg2[%dma_start3A_89, %dma_start3A_90] : memref<20480x128xf32, #tpu.memory_space<hbm>> -> memref<20480x128xf32, #tpu.memory_space<hbm>>
          tpu.enqueue_indirect_dma source(%dma_start3A_91 : memref<20480x128xf32, #tpu.memory_space<hbm>>) target(%arg9 : memref<80x128xf32, #tpu.memory_space<vmem>>) offsets(%dma_start3A_88 : memref<80xi32, #tpu.memory_space<vmem>>) semaphore(%arg11 : memref<!tpu.dma_semaphore, #tpu.memory_space<semaphore_mem>>)
        } else {
        }
        %dma_wait3A_69 = arith.constant 0 : i32
        %dma_wait3A_70 = arith.constant 0 : i32
        %dma_wait3A_71 = tpu.memref_slice %arg2[%dma_wait3A_69, %dma_wait3A_70] : memref<20480x128xf32, #tpu.memory_space<hbm>> -> memref<80x128xf32, #tpu.memory_space<hbm>>
        %dma_wait3A_72 = arith.constant 0 : i32
        %dma_wait3A_73 = arith.constant 0 : i32
        %dma_wait3A_74 = tpu.memref_slice %arg2[%dma_wait3A_72, %dma_wait3A_73] : memref<20480x128xf32, #tpu.memory_space<hbm>> -> memref<80x128xf32, #tpu.memory_space<hbm>>
        tpu.wait_dma2 semaphore(%arg10 : memref<!tpu.dma_semaphore, #tpu.memory_space<semaphore_mem>>) src(%dma_wait3A_74 : memref<80x128xf32, #tpu.memory_space<hbm>>) dst(%arg8 : memref<80x128xf32, #tpu.memory_space<vmem>>)
        %mul3A_75 = arith.constant 80 : i32
        %mul3A_76 = arith.muli %scan3A_18, %mul3A_75 : i32
        %add3A_77 = arith.addi %mul3A_2, %mul3A_76 : i32
        %multiple_of3A = tpu.assume_multiple %add3A_77, 8 : i32
        %dma_start3A_78 = tpu.memref_slice %arg5[%multiple_of3A, %mul3A_4] : memref<160000x256xf32, #tpu.memory_space<hbm>> -> memref<80x128xf32, #tpu.memory_space<hbm>>
        %dma_start3A_79 = tpu.memref_slice %arg5[%multiple_of3A, %mul3A_4] : memref<160000x256xf32, #tpu.memory_space<hbm>> -> memref<80x128xf32, #tpu.memory_space<hbm>>
        tpu.enqueue_dma source(%arg8 : memref<80x128xf32, #tpu.memory_space<vmem>>) target(%dma_start3A_79 : memref<80x128xf32, #tpu.memory_space<hbm>>) target_semaphore(%arg12 : memref<!tpu.dma_semaphore, #tpu.memory_space<semaphore_mem>>)
      } else {
      }
      %jit3A_31 = arith.constant 2 : i32
      %eq3A_32 = arith.constant 0 : i32
      %eq3A_33 = arith.cmpi eq, %jit3A_31, %eq3A_32 : i32
      %jit3A_34 = arith.constant 1 : i32
      %select_n3A_35 = arith.select %eq3A_33, %jit3A_34, %jit3A_31 : i32
      %rem3A_36 = arith.remsi %scan3A_18, %select_n3A_35 : i32
      %ne3A_37 = arith.constant 0 : i32
      %ne3A_38 = arith.cmpi ne, %rem3A_36, %ne3A_37 : i32
      %lt3A_39 = arith.constant 0 : i32
      %lt3A_40 = arith.cmpi slt, %rem3A_36, %lt3A_39 : i32
      %lt3A_41 = arith.constant 0 : i32
      %lt3A_42 = arith.cmpi slt, %select_n3A_35, %lt3A_41 : i32
      %ne3A_43 = arith.xori %lt3A_40, %lt3A_42 : i1
      %and3A_44 = arith.andi %ne3A_43, %ne3A_38 : i1
      %add3A_45 = arith.addi %rem3A_36, %select_n3A_35 : i32
      %select_n3A_46 = arith.select %and3A_44, %add3A_45, %rem3A_36 : i32
      %eq3A_47 = arith.constant 1 : i32
      %eq3A_48 = arith.cmpi eq, %select_n3A_46, %eq3A_47 : i32
      %convert_element_type3A_49 = arith.extui %eq3A_48 : i1 to i32
      %cond3A_50 = arith.constant 0 : i32
      %cond3A_51 = arith.cmpi ne, %convert_element_type3A_49, %cond3A_50 : i32
      scf.if %cond3A_51 {
        %dma_wait3A_52 = arith.constant 0 : i32
        %dma_wait3A_53 = arith.constant 0 : i32
        %dma_wait3A_54 = tpu.memref_slice %arg2[%dma_wait3A_52, %dma_wait3A_53] : memref<20480x128xf32, #tpu.memory_space<hbm>> -> memref<80x128xf32, #tpu.memory_space<hbm>>
        %dma_wait3A_55 = arith.constant 0 : i32
        %dma_wait3A_56 = arith.constant 0 : i32
        %dma_wait3A_57 = tpu.memref_slice %arg2[%dma_wait3A_55, %dma_wait3A_56] : memref<20480x128xf32, #tpu.memory_space<hbm>> -> memref<80x128xf32, #tpu.memory_space<hbm>>
        tpu.wait_dma2 semaphore(%arg11 : memref<!tpu.dma_semaphore, #tpu.memory_space<semaphore_mem>>) src(%dma_wait3A_57 : memref<80x128xf32, #tpu.memory_space<hbm>>) dst(%arg9 : memref<80x128xf32, #tpu.memory_space<vmem>>)
        %dma_start3A_58 = arith.constant 0 : i32
        %dma_start3A_59 = tpu.memref_slice %arg7[%scan3A_18, %dma_start3A_58] : memref<125x80xi32, #tpu.memory_space<vmem>> -> memref<1x80xi32, #tpu.memory_space<vmem>>
        %dma_start3A_60 = tpu.memref_squeeze %dma_start3A_59 : memref<1x80xi32, #tpu.memory_space<vmem>> -> memref<80xi32, #tpu.memory_space<vmem>>
        %dma_start3A_61 = arith.constant 0 : i32
        %dma_start3A_62 = arith.constant 0 : i32
        %dma_start3A_63 = tpu.memref_slice %arg2[%dma_start3A_61, %dma_start3A_62] : memref<20480x128xf32, #tpu.memory_space<hbm>> -> memref<20480x128xf32, #tpu.memory_space<hbm>>
        tpu.enqueue_indirect_dma source(%dma_start3A_63 : memref<20480x128xf32, #tpu.memory_space<hbm>>) target(%arg9 : memref<80x128xf32, #tpu.memory_space<vmem>>) offsets(%dma_start3A_60 : memref<80xi32, #tpu.memory_space<vmem>>) semaphore(%arg11 : memref<!tpu.dma_semaphore, #tpu.memory_space<semaphore_mem>>) {add = true}
        %lt3A_64 = arith.constant 124 : i32
        %lt3A_65 = arith.cmpi slt, %scan3A_18, %lt3A_64 : i32
        %convert_element_type3A_66 = arith.extui %lt3A_65 : i1 to i32
        %cond3A_67 = arith.constant 0 : i32
        %cond3A_68 = arith.cmpi ne, %convert_element_type3A_66, %cond3A_67 : i32
        scf.if %cond3A_68 {
          %ge3A = arith.constant 1 : i32
          %ge3A_80 = arith.cmpi sge, %scan3A_18, %ge3A : i32
          %convert_element_type3A_81 = arith.extui %ge3A_80 : i1 to i32
          %cond3A_82 = arith.constant 0 : i32
          %cond3A_83 = arith.cmpi ne, %convert_element_type3A_81, %cond3A_82 : i32
          scf.if %cond3A_83 {
            %dma_wait3A_92 = tpu.memref_slice %arg5[%mul3A_2, %mul3A_4] : memref<160000x256xf32, #tpu.memory_space<hbm>> -> memref<80x128xf32, #tpu.memory_space<hbm>>
            %dma_wait3A_93 = tpu.memref_slice %arg5[%mul3A_2, %mul3A_4] : memref<160000x256xf32, #tpu.memory_space<hbm>> -> memref<80x128xf32, #tpu.memory_space<hbm>>
            tpu.wait_dma2 semaphore(%arg12 : memref<!tpu.dma_semaphore, #tpu.memory_space<semaphore_mem>>) src(%arg8 : memref<80x128xf32, #tpu.memory_space<vmem>>) dst(%dma_wait3A_93 : memref<80x128xf32, #tpu.memory_space<hbm>>)
          } else {
          }
          %add3A_84 = arith.constant 1 : i32
          %add3A_85 = arith.addi %scan3A_18, %add3A_84 : i32
          %dma_start3A_86 = arith.constant 0 : i32
          %dma_start3A_87 = tpu.memref_slice %arg6[%add3A_85, %dma_start3A_86] : memref<125x80xi32, #tpu.memory_space<vmem>> -> memref<1x80xi32, #tpu.memory_space<vmem>>
          %dma_start3A_88 = tpu.memref_squeeze %dma_start3A_87 : memref<1x80xi32, #tpu.memory_space<vmem>> -> memref<80xi32, #tpu.memory_space<vmem>>
          %dma_start3A_89 = arith.constant 0 : i32
          %dma_start3A_90 = arith.constant 0 : i32
          %dma_start3A_91 = tpu.memref_slice %arg2[%dma_start3A_89, %dma_start3A_90] : memref<20480x128xf32, #tpu.memory_space<hbm>> -> memref<20480x128xf32, #tpu.memory_space<hbm>>
          tpu.enqueue_indirect_dma source(%dma_start3A_91 : memref<20480x128xf32, #tpu.memory_space<hbm>>) target(%arg8 : memref<80x128xf32, #tpu.memory_space<vmem>>) offsets(%dma_start3A_88 : memref<80xi32, #tpu.memory_space<vmem>>) semaphore(%arg10 : memref<!tpu.dma_semaphore, #tpu.memory_space<semaphore_mem>>)
        } else {
        }
        %dma_wait3A_69 = arith.constant 0 : i32
        %dma_wait3A_70 = arith.constant 0 : i32
        %dma_wait3A_71 = tpu.memref_slice %arg2[%dma_wait3A_69, %dma_wait3A_70] : memref<20480x128xf32, #tpu.memory_space<hbm>> -> memref<80x128xf32, #tpu.memory_space<hbm>>
        %dma_wait3A_72 = arith.constant 0 : i32
        %dma_wait3A_73 = arith.constant 0 : i32
        %dma_wait3A_74 = tpu.memref_slice %arg2[%dma_wait3A_72, %dma_wait3A_73] : memref<20480x128xf32, #tpu.memory_space<hbm>> -> memref<80x128xf32, #tpu.memory_space<hbm>>
        tpu.wait_dma2 semaphore(%arg11 : memref<!tpu.dma_semaphore, #tpu.memory_space<semaphore_mem>>) src(%dma_wait3A_74 : memref<80x128xf32, #tpu.memory_space<hbm>>) dst(%arg9 : memref<80x128xf32, #tpu.memory_space<vmem>>)
        %mul3A_75 = arith.constant 80 : i32
        %mul3A_76 = arith.muli %scan3A_18, %mul3A_75 : i32
        %add3A_77 = arith.addi %mul3A_2, %mul3A_76 : i32
        %multiple_of3A = tpu.assume_multiple %add3A_77, 8 : i32
        %dma_start3A_78 = tpu.memref_slice %arg5[%multiple_of3A, %mul3A_4] : memref<160000x256xf32, #tpu.memory_space<hbm>> -> memref<80x128xf32, #tpu.memory_space<hbm>>
        %dma_start3A_79 = tpu.memref_slice %arg5[%multiple_of3A, %mul3A_4] : memref<160000x256xf32, #tpu.memory_space<hbm>> -> memref<80x128xf32, #tpu.memory_space<hbm>>
        tpu.enqueue_dma source(%arg9 : memref<80x128xf32, #tpu.memory_space<vmem>>) target(%dma_start3A_79 : memref<80x128xf32, #tpu.memory_space<hbm>>) target_semaphore(%arg13 : memref<!tpu.dma_semaphore, #tpu.memory_space<semaphore_mem>>)
      } else {
      }
    }
    %scan3A_14 = arith.constant 125 : i32
    %dma_wait3A = tpu.memref_slice %arg5[%mul3A_2, %mul3A_4] : memref<160000x256xf32, #tpu.memory_space<hbm>> -> memref<80x128xf32, #tpu.memory_space<hbm>>
    %dma_wait3A_15 = tpu.memref_slice %arg5[%mul3A_2, %mul3A_4] : memref<160000x256xf32, #tpu.memory_space<hbm>> -> memref<80x128xf32, #tpu.memory_space<hbm>>
    tpu.wait_dma2 semaphore(%arg12 : memref<!tpu.dma_semaphore, #tpu.memory_space<semaphore_mem>>) src(%arg8 : memref<80x128xf32, #tpu.memory_space<vmem>>) dst(%dma_wait3A_15 : memref<80x128xf32, #tpu.memory_space<hbm>>)
    %dma_wait3A_16 = tpu.memref_slice %arg5[%mul3A_2, %mul3A_4] : memref<160000x256xf32, #tpu.memory_space<hbm>> -> memref<80x128xf32, #tpu.memory_space<hbm>>
    %dma_wait3A_17 = tpu.memref_slice %arg5[%mul3A_2, %mul3A_4] : memref<160000x256xf32, #tpu.memory_space<hbm>> -> memref<80x128xf32, #tpu.memory_space<hbm>>
    tpu.wait_dma2 semaphore(%arg13 : memref<!tpu.dma_semaphore, #tpu.memory_space<semaphore_mem>>) src(%arg9 : memref<80x128xf32, #tpu.memory_space<vmem>>) dst(%dma_wait3A_17 : memref<80x128xf32, #tpu.memory_space<hbm>>)
    return
  }
}

#map = affine_map<(d0, d1) -> (0, 0)>
#map1 = affine_map<(d0, d1) -> (0, 0, 0)>
module attributes {stable_mosaic.version = 14 : i64} {
  func.func @_agg_kernel(%arg0: i32, %arg1: i32, %arg2: memref<20480x128xf32, #tpu.memory_space<hbm>>, %arg3: memref<32x10000xi32, #tpu.memory_space<hbm>>, %arg4: memref<16x125x80xi32, #tpu.memory_space<hbm>>, %arg5: memref<20480x128xf32, #tpu.memory_space<hbm>>, %arg6: memref<10000xi32, #tpu.memory_space<vmem>>, %arg7: memref<125x80xi32, #tpu.memory_space<vmem>>, %arg8: memref<80x128xf32, #tpu.memory_space<vmem>>, %arg9: memref<80x128xf32, #tpu.memory_space<vmem>>, %arg10: memref<10240x128xf32, #tpu.memory_space<vmem_shared>>, %arg11: memref<!tpu.dma_semaphore, #tpu.memory_space<semaphore_mem>>, %arg12: memref<!tpu.dma_semaphore, #tpu.memory_space<semaphore_mem>>, %arg13: memref<!tpu.dma_semaphore, #tpu.memory_space<semaphore_mem>>, %arg14: memref<!tpu.dma_semaphore, #tpu.memory_space<semaphore_mem>>) attributes {dimension_semantics = [#tpu.dimension_semantics<core_parallel>, #tpu.dimension_semantics<subcore_parallel>], iteration_bounds = array<i64: 2, 16>, scalar_prefetch = 0 : i64, scratch_operands = 9 : i64, tpu.core_type = #tpu.core_type<sc_vector_subcore>, window_params = [{transform_indices = #map}, {transform_indices = #map}, {transform_indices = #map1}, {transform_indices = #map}]} {
    %mul3A = arith.constant 16 : i32
    %mul3A_0 = arith.muli %arg0, %mul3A : i32
    %add3A = arith.addi %mul3A_0, %arg1 : i32
    %scan3A = arith.constant 0 : i32
    %scan3A_1 = arith.constant 80 : i32
    %scan3A_2 = arith.addi %scan3A, %scan3A_1 : i32
    %scan3A_3 = arith.constant 1 : i32
    scf.for %scan3A_44 = %scan3A to %scan3A_2 step %scan3A_3  : i32 {
      %broadcast_in_dim3A = arith.constant 0.000000e+00 : f32
      %broadcast_in_dim3A_45 = vector.broadcast %broadcast_in_dim3A : f32 to vector<16xf32>
      %swap3A = arith.index_cast %scan3A_44 : i32 to index
      %swap3A_46 = arith.constant 0 : index
      %swap3A_47 = tpu.vector_load %arg8[%swap3A, %swap3A_46] {strides = array<i32>} : memref<80x128xf32, #tpu.memory_space<vmem>>, vector<1x16xf32>,
      %swap3A_48 = vector.shape_cast %swap3A_47 : vector<1x16xf32> to vector<16xf32>
      %swap3A_49 = vector.shape_cast %broadcast_in_dim3A_45 : vector<16xf32> to vector<1x16xf32>
      tpu.vector_store %arg8[%swap3A, %swap3A_46], %swap3A_49 {strides = array<i32>} : memref<80x128xf32, #tpu.memory_space<vmem>>, vector<1x16xf32>,
      %broadcast_in_dim3A_50 = arith.constant 0.000000e+00 : f32
      %broadcast_in_dim3A_51 = vector.broadcast %broadcast_in_dim3A_50 : f32 to vector<16xf32>
      %swap3A_52 = arith.index_cast %scan3A_44 : i32 to index
      %swap3A_53 = arith.constant 16 : index
      %swap3A_54 = tpu.vector_load %arg8[%swap3A_52, %swap3A_53] {strides = array<i32>} : memref<80x128xf32, #tpu.memory_space<vmem>>, vector<1x16xf32>,
      %swap3A_55 = vector.shape_cast %swap3A_54 : vector<1x16xf32> to vector<16xf32>
      %swap3A_56 = vector.shape_cast %broadcast_in_dim3A_51 : vector<16xf32> to vector<1x16xf32>
      tpu.vector_store %arg8[%swap3A_52, %swap3A_53], %swap3A_56 {strides = array<i32>} : memref<80x128xf32, #tpu.memory_space<vmem>>, vector<1x16xf32>,
      %broadcast_in_dim3A_57 = arith.constant 0.000000e+00 : f32
      %broadcast_in_dim3A_58 = vector.broadcast %broadcast_in_dim3A_57 : f32 to vector<16xf32>
      %swap3A_59 = arith.index_cast %scan3A_44 : i32 to index
      %swap3A_60 = arith.constant 32 : index
      %swap3A_61 = tpu.vector_load %arg8[%swap3A_59, %swap3A_60] {strides = array<i32>} : memref<80x128xf32, #tpu.memory_space<vmem>>, vector<1x16xf32>,
      %swap3A_62 = vector.shape_cast %swap3A_61 : vector<1x16xf32> to vector<16xf32>
      %swap3A_63 = vector.shape_cast %broadcast_in_dim3A_58 : vector<16xf32> to vector<1x16xf32>
      tpu.vector_store %arg8[%swap3A_59, %swap3A_60], %swap3A_63 {strides = array<i32>} : memref<80x128xf32, #tpu.memory_space<vmem>>, vector<1x16xf32>,
      %broadcast_in_dim3A_64 = arith.constant 0.000000e+00 : f32
      %broadcast_in_dim3A_65 = vector.broadcast %broadcast_in_dim3A_64 : f32 to vector<16xf32>
      %swap3A_66 = arith.index_cast %scan3A_44 : i32 to index
      %swap3A_67 = arith.constant 48 : index
      %swap3A_68 = tpu.vector_load %arg8[%swap3A_66, %swap3A_67] {strides = array<i32>} : memref<80x128xf32, #tpu.memory_space<vmem>>, vector<1x16xf32>,
      %swap3A_69 = vector.shape_cast %swap3A_68 : vector<1x16xf32> to vector<16xf32>
      %swap3A_70 = vector.shape_cast %broadcast_in_dim3A_65 : vector<16xf32> to vector<1x16xf32>
      tpu.vector_store %arg8[%swap3A_66, %swap3A_67], %swap3A_70 {strides = array<i32>} : memref<80x128xf32, #tpu.memory_space<vmem>>, vector<1x16xf32>,
      %broadcast_in_dim3A_71 = arith.constant 0.000000e+00 : f32
      %broadcast_in_dim3A_72 = vector.broadcast %broadcast_in_dim3A_71 : f32 to vector<16xf32>
      %swap3A_73 = arith.index_cast %scan3A_44 : i32 to index
      %swap3A_74 = arith.constant 64 : index
      %swap3A_75 = tpu.vector_load %arg8[%swap3A_73, %swap3A_74] {strides = array<i32>} : memref<80x128xf32, #tpu.memory_space<vmem>>, vector<1x16xf32>,
      %swap3A_76 = vector.shape_cast %swap3A_75 : vector<1x16xf32> to vector<16xf32>
      %swap3A_77 = vector.shape_cast %broadcast_in_dim3A_72 : vector<16xf32> to vector<1x16xf32>
      tpu.vector_store %arg8[%swap3A_73, %swap3A_74], %swap3A_77 {strides = array<i32>} : memref<80x128xf32, #tpu.memory_space<vmem>>, vector<1x16xf32>,
      %broadcast_in_dim3A_78 = arith.constant 0.000000e+00 : f32
      %broadcast_in_dim3A_79 = vector.broadcast %broadcast_in_dim3A_78 : f32 to vector<16xf32>
      %swap3A_80 = arith.index_cast %scan3A_44 : i32 to index
      %swap3A_81 = arith.constant 80 : index
      %swap3A_82 = tpu.vector_load %arg8[%swap3A_80, %swap3A_81] {strides = array<i32>} : memref<80x128xf32, #tpu.memory_space<vmem>>, vector<1x16xf32>,
      %swap3A_83 = vector.shape_cast %swap3A_82 : vector<1x16xf32> to vector<16xf32>
      %swap3A_84 = vector.shape_cast %broadcast_in_dim3A_79 : vector<16xf32> to vector<1x16xf32>
      tpu.vector_store %arg8[%swap3A_80, %swap3A_81], %swap3A_84 {strides = array<i32>} : memref<80x128xf32, #tpu.memory_space<vmem>>, vector<1x16xf32>,
      %broadcast_in_dim3A_85 = arith.constant 0.000000e+00 : f32
      %broadcast_in_dim3A_86 = vector.broadcast %broadcast_in_dim3A_85 : f32 to vector<16xf32>
      %swap3A_87 = arith.index_cast %scan3A_44 : i32 to index
      %swap3A_88 = arith.constant 96 : index
      %swap3A_89 = tpu.vector_load %arg8[%swap3A_87, %swap3A_88] {strides = array<i32>} : memref<80x128xf32, #tpu.memory_space<vmem>>, vector<1x16xf32>,
      %swap3A_90 = vector.shape_cast %swap3A_89 : vector<1x16xf32> to vector<16xf32>
      %swap3A_91 = vector.shape_cast %broadcast_in_dim3A_86 : vector<16xf32> to vector<1x16xf32>
      tpu.vector_store %arg8[%swap3A_87, %swap3A_88], %swap3A_91 {strides = array<i32>} : memref<80x128xf32, #tpu.memory_space<vmem>>, vector<1x16xf32>,
      %broadcast_in_dim3A_92 = arith.constant 0.000000e+00 : f32
      %broadcast_in_dim3A_93 = vector.broadcast %broadcast_in_dim3A_92 : f32 to vector<16xf32>
      %swap3A_94 = arith.index_cast %scan3A_44 : i32 to index
      %swap3A_95 = arith.constant 112 : index
      %swap3A_96 = tpu.vector_load %arg8[%swap3A_94, %swap3A_95] {strides = array<i32>} : memref<80x128xf32, #tpu.memory_space<vmem>>, vector<1x16xf32>,
      %swap3A_97 = vector.shape_cast %swap3A_96 : vector<1x16xf32> to vector<16xf32>
      %swap3A_98 = vector.shape_cast %broadcast_in_dim3A_93 : vector<16xf32> to vector<1x16xf32>
      tpu.vector_store %arg8[%swap3A_94, %swap3A_95], %swap3A_98 {strides = array<i32>} : memref<80x128xf32, #tpu.memory_space<vmem>>, vector<1x16xf32>,
    }
    %scan3A_4 = arith.constant 80 : i32
    %mul3A_5 = arith.constant 640 : i32
    %mul3A_6 = arith.muli %arg1, %mul3A_5 : i32
    %add3A_7 = arith.constant 0 : i32
    %add3A_8 = arith.addi %mul3A_6, %add3A_7 : i32
    "tpu.region"() ({
      %run_scoped3A_44 = tpu.sem_alloc : memref<!tpu.dma_semaphore, #tpu.memory_space<semaphore_mem>>
      %dma_start3A = arith.constant 0 : i32
      %dma_start3A_45 = tpu.memref_slice %arg10[%add3A_8, %dma_start3A] : memref<10240x128xf32, #tpu.memory_space<vmem_shared>> -> memref<80x128xf32, #tpu.memory_space<vmem_shared>>
      %dma_start3A_46 = arith.constant 0 : i32
      %dma_start3A_47 = tpu.memref_slice %arg10[%add3A_8, %dma_start3A_46] : memref<10240x128xf32, #tpu.memory_space<vmem_shared>> -> memref<80x128xf32, #tpu.memory_space<vmem_shared>>
      tpu.enqueue_dma source(%arg8 : memref<80x128xf32, #tpu.memory_space<vmem>>) target(%dma_start3A_47 : memref<80x128xf32, #tpu.memory_space<vmem_shared>>) target_semaphore(%run_scoped3A_44 : memref<!tpu.dma_semaphore, #tpu.memory_space<semaphore_mem>>)
      %dma_wait3A_48 = arith.constant 0 : i32
      %dma_wait3A_49 = tpu.memref_slice %arg10[%add3A_8, %dma_wait3A_48] : memref<10240x128xf32, #tpu.memory_space<vmem_shared>> -> memref<80x128xf32, #tpu.memory_space<vmem_shared>>
      %dma_wait3A_50 = arith.constant 0 : i32
      %dma_wait3A_51 = tpu.memref_slice %arg10[%add3A_8, %dma_wait3A_50] : memref<10240x128xf32, #tpu.memory_space<vmem_shared>> -> memref<80x128xf32, #tpu.memory_space<vmem_shared>>
      tpu.wait_dma2 semaphore(%run_scoped3A_44 : memref<!tpu.dma_semaphore, #tpu.memory_space<semaphore_mem>>) src(%arg8 : memref<80x128xf32, #tpu.memory_space<vmem>>) dst(%dma_wait3A_51 : memref<80x128xf32, #tpu.memory_space<vmem_shared>>)
      tpu.yield
    }) : () -> ()
    %add3A_9 = arith.constant 80 : i32
    %add3A_10 = arith.addi %mul3A_6, %add3A_9 : i32
    "tpu.region"() ({
      %run_scoped3A_44 = tpu.sem_alloc : memref<!tpu.dma_semaphore, #tpu.memory_space<semaphore_mem>>
      %dma_start3A = arith.constant 0 : i32
      %dma_start3A_45 = tpu.memref_slice %arg10[%add3A_10, %dma_start3A] : memref<10240x128xf32, #tpu.memory_space<vmem_shared>> -> memref<80x128xf32, #tpu.memory_space<vmem_shared>>
      %dma_start3A_46 = arith.constant 0 : i32
      %dma_start3A_47 = tpu.memref_slice %arg10[%add3A_10, %dma_start3A_46] : memref<10240x128xf32, #tpu.memory_space<vmem_shared>> -> memref<80x128xf32, #tpu.memory_space<vmem_shared>>
      tpu.enqueue_dma source(%arg8 : memref<80x128xf32, #tpu.memory_space<vmem>>) target(%dma_start3A_47 : memref<80x128xf32, #tpu.memory_space<vmem_shared>>) target_semaphore(%run_scoped3A_44 : memref<!tpu.dma_semaphore, #tpu.memory_space<semaphore_mem>>)
      %dma_wait3A_48 = arith.constant 0 : i32
      %dma_wait3A_49 = tpu.memref_slice %arg10[%add3A_10, %dma_wait3A_48] : memref<10240x128xf32, #tpu.memory_space<vmem_shared>> -> memref<80x128xf32, #tpu.memory_space<vmem_shared>>
      %dma_wait3A_50 = arith.constant 0 : i32
      %dma_wait3A_51 = tpu.memref_slice %arg10[%add3A_10, %dma_wait3A_50] : memref<10240x128xf32, #tpu.memory_space<vmem_shared>> -> memref<80x128xf32, #tpu.memory_space<vmem_shared>>
      tpu.wait_dma2 semaphore(%run_scoped3A_44 : memref<!tpu.dma_semaphore, #tpu.memory_space<semaphore_mem>>) src(%arg8 : memref<80x128xf32, #tpu.memory_space<vmem>>) dst(%dma_wait3A_51 : memref<80x128xf32, #tpu.memory_space<vmem_shared>>)
      tpu.yield
    }) : () -> ()
    %add3A_11 = arith.constant 160 : i32
    %add3A_12 = arith.addi %mul3A_6, %add3A_11 : i32
    "tpu.region"() ({
      %run_scoped3A_44 = tpu.sem_alloc : memref<!tpu.dma_semaphore, #tpu.memory_space<semaphore_mem>>
      %dma_start3A = arith.constant 0 : i32
      %dma_start3A_45 = tpu.memref_slice %arg10[%add3A_12, %dma_start3A] : memref<10240x128xf32, #tpu.memory_space<vmem_shared>> -> memref<80x128xf32, #tpu.memory_space<vmem_shared>>
      %dma_start3A_46 = arith.constant 0 : i32
      %dma_start3A_47 = tpu.memref_slice %arg10[%add3A_12, %dma_start3A_46] : memref<10240x128xf32, #tpu.memory_space<vmem_shared>> -> memref<80x128xf32, #tpu.memory_space<vmem_shared>>
      tpu.enqueue_dma source(%arg8 : memref<80x128xf32, #tpu.memory_space<vmem>>) target(%dma_start3A_47 : memref<80x128xf32, #tpu.memory_space<vmem_shared>>) target_semaphore(%run_scoped3A_44 : memref<!tpu.dma_semaphore, #tpu.memory_space<semaphore_mem>>)
      %dma_wait3A_48 = arith.constant 0 : i32
      %dma_wait3A_49 = tpu.memref_slice %arg10[%add3A_12, %dma_wait3A_48] : memref<10240x128xf32, #tpu.memory_space<vmem_shared>> -> memref<80x128xf32, #tpu.memory_space<vmem_shared>>
      %dma_wait3A_50 = arith.constant 0 : i32
      %dma_wait3A_51 = tpu.memref_slice %arg10[%add3A_12, %dma_wait3A_50] : memref<10240x128xf32, #tpu.memory_space<vmem_shared>> -> memref<80x128xf32, #tpu.memory_space<vmem_shared>>
      tpu.wait_dma2 semaphore(%run_scoped3A_44 : memref<!tpu.dma_semaphore, #tpu.memory_space<semaphore_mem>>) src(%arg8 : memref<80x128xf32, #tpu.memory_space<vmem>>) dst(%dma_wait3A_51 : memref<80x128xf32, #tpu.memory_space<vmem_shared>>)
      tpu.yield
    }) : () -> ()
    %add3A_13 = arith.constant 240 : i32
    %add3A_14 = arith.addi %mul3A_6, %add3A_13 : i32
    "tpu.region"() ({
      %run_scoped3A_44 = tpu.sem_alloc : memref<!tpu.dma_semaphore, #tpu.memory_space<semaphore_mem>>
      %dma_start3A = arith.constant 0 : i32
      %dma_start3A_45 = tpu.memref_slice %arg10[%add3A_14, %dma_start3A] : memref<10240x128xf32, #tpu.memory_space<vmem_shared>> -> memref<80x128xf32, #tpu.memory_space<vmem_shared>>
      %dma_start3A_46 = arith.constant 0 : i32
      %dma_start3A_47 = tpu.memref_slice %arg10[%add3A_14, %dma_start3A_46] : memref<10240x128xf32, #tpu.memory_space<vmem_shared>> -> memref<80x128xf32, #tpu.memory_space<vmem_shared>>
      tpu.enqueue_dma source(%arg8 : memref<80x128xf32, #tpu.memory_space<vmem>>) target(%dma_start3A_47 : memref<80x128xf32, #tpu.memory_space<vmem_shared>>) target_semaphore(%run_scoped3A_44 : memref<!tpu.dma_semaphore, #tpu.memory_space<semaphore_mem>>)
      %dma_wait3A_48 = arith.constant 0 : i32
      %dma_wait3A_49 = tpu.memref_slice %arg10[%add3A_14, %dma_wait3A_48] : memref<10240x128xf32, #tpu.memory_space<vmem_shared>> -> memref<80x128xf32, #tpu.memory_space<vmem_shared>>
      %dma_wait3A_50 = arith.constant 0 : i32
      %dma_wait3A_51 = tpu.memref_slice %arg10[%add3A_14, %dma_wait3A_50] : memref<10240x128xf32, #tpu.memory_space<vmem_shared>> -> memref<80x128xf32, #tpu.memory_space<vmem_shared>>
      tpu.wait_dma2 semaphore(%run_scoped3A_44 : memref<!tpu.dma_semaphore, #tpu.memory_space<semaphore_mem>>) src(%arg8 : memref<80x128xf32, #tpu.memory_space<vmem>>) dst(%dma_wait3A_51 : memref<80x128xf32, #tpu.memory_space<vmem_shared>>)
      tpu.yield
    }) : () -> ()
    %add3A_15 = arith.constant 320 : i32
    %add3A_16 = arith.addi %mul3A_6, %add3A_15 : i32
    "tpu.region"() ({
      %run_scoped3A_44 = tpu.sem_alloc : memref<!tpu.dma_semaphore, #tpu.memory_space<semaphore_mem>>
      %dma_start3A = arith.constant 0 : i32
      %dma_start3A_45 = tpu.memref_slice %arg10[%add3A_16, %dma_start3A] : memref<10240x128xf32, #tpu.memory_space<vmem_shared>> -> memref<80x128xf32, #tpu.memory_space<vmem_shared>>
      %dma_start3A_46 = arith.constant 0 : i32
      %dma_start3A_47 = tpu.memref_slice %arg10[%add3A_16, %dma_start3A_46] : memref<10240x128xf32, #tpu.memory_space<vmem_shared>> -> memref<80x128xf32, #tpu.memory_space<vmem_shared>>
      tpu.enqueue_dma source(%arg8 : memref<80x128xf32, #tpu.memory_space<vmem>>) target(%dma_start3A_47 : memref<80x128xf32, #tpu.memory_space<vmem_shared>>) target_semaphore(%run_scoped3A_44 : memref<!tpu.dma_semaphore, #tpu.memory_space<semaphore_mem>>)
      %dma_wait3A_48 = arith.constant 0 : i32
      %dma_wait3A_49 = tpu.memref_slice %arg10[%add3A_16, %dma_wait3A_48] : memref<10240x128xf32, #tpu.memory_space<vmem_shared>> -> memref<80x128xf32, #tpu.memory_space<vmem_shared>>
      %dma_wait3A_50 = arith.constant 0 : i32
      %dma_wait3A_51 = tpu.memref_slice %arg10[%add3A_16, %dma_wait3A_50] : memref<10240x128xf32, #tpu.memory_space<vmem_shared>> -> memref<80x128xf32, #tpu.memory_space<vmem_shared>>
      tpu.wait_dma2 semaphore(%run_scoped3A_44 : memref<!tpu.dma_semaphore, #tpu.memory_space<semaphore_mem>>) src(%arg8 : memref<80x128xf32, #tpu.memory_space<vmem>>) dst(%dma_wait3A_51 : memref<80x128xf32, #tpu.memory_space<vmem_shared>>)
      tpu.yield
    }) : () -> ()
    %add3A_17 = arith.constant 400 : i32
    %add3A_18 = arith.addi %mul3A_6, %add3A_17 : i32
    "tpu.region"() ({
      %run_scoped3A_44 = tpu.sem_alloc : memref<!tpu.dma_semaphore, #tpu.memory_space<semaphore_mem>>
      %dma_start3A = arith.constant 0 : i32
      %dma_start3A_45 = tpu.memref_slice %arg10[%add3A_18, %dma_start3A] : memref<10240x128xf32, #tpu.memory_space<vmem_shared>> -> memref<80x128xf32, #tpu.memory_space<vmem_shared>>
      %dma_start3A_46 = arith.constant 0 : i32
      %dma_start3A_47 = tpu.memref_slice %arg10[%add3A_18, %dma_start3A_46] : memref<10240x128xf32, #tpu.memory_space<vmem_shared>> -> memref<80x128xf32, #tpu.memory_space<vmem_shared>>
      tpu.enqueue_dma source(%arg8 : memref<80x128xf32, #tpu.memory_space<vmem>>) target(%dma_start3A_47 : memref<80x128xf32, #tpu.memory_space<vmem_shared>>) target_semaphore(%run_scoped3A_44 : memref<!tpu.dma_semaphore, #tpu.memory_space<semaphore_mem>>)
      %dma_wait3A_48 = arith.constant 0 : i32
      %dma_wait3A_49 = tpu.memref_slice %arg10[%add3A_18, %dma_wait3A_48] : memref<10240x128xf32, #tpu.memory_space<vmem_shared>> -> memref<80x128xf32, #tpu.memory_space<vmem_shared>>
      %dma_wait3A_50 = arith.constant 0 : i32
      %dma_wait3A_51 = tpu.memref_slice %arg10[%add3A_18, %dma_wait3A_50] : memref<10240x128xf32, #tpu.memory_space<vmem_shared>> -> memref<80x128xf32, #tpu.memory_space<vmem_shared>>
      tpu.wait_dma2 semaphore(%run_scoped3A_44 : memref<!tpu.dma_semaphore, #tpu.memory_space<semaphore_mem>>) src(%arg8 : memref<80x128xf32, #tpu.memory_space<vmem>>) dst(%dma_wait3A_51 : memref<80x128xf32, #tpu.memory_space<vmem_shared>>)
      tpu.yield
    }) : () -> ()
    %add3A_19 = arith.constant 480 : i32
    %add3A_20 = arith.addi %mul3A_6, %add3A_19 : i32
    "tpu.region"() ({
      %run_scoped3A_44 = tpu.sem_alloc : memref<!tpu.dma_semaphore, #tpu.memory_space<semaphore_mem>>
      %dma_start3A = arith.constant 0 : i32
      %dma_start3A_45 = tpu.memref_slice %arg10[%add3A_20, %dma_start3A] : memref<10240x128xf32, #tpu.memory_space<vmem_shared>> -> memref<80x128xf32, #tpu.memory_space<vmem_shared>>
      %dma_start3A_46 = arith.constant 0 : i32
      %dma_start3A_47 = tpu.memref_slice %arg10[%add3A_20, %dma_start3A_46] : memref<10240x128xf32, #tpu.memory_space<vmem_shared>> -> memref<80x128xf32, #tpu.memory_space<vmem_shared>>
      tpu.enqueue_dma source(%arg8 : memref<80x128xf32, #tpu.memory_space<vmem>>) target(%dma_start3A_47 : memref<80x128xf32, #tpu.memory_space<vmem_shared>>) target_semaphore(%run_scoped3A_44 : memref<!tpu.dma_semaphore, #tpu.memory_space<semaphore_mem>>)
      %dma_wait3A_48 = arith.constant 0 : i32
      %dma_wait3A_49 = tpu.memref_slice %arg10[%add3A_20, %dma_wait3A_48] : memref<10240x128xf32, #tpu.memory_space<vmem_shared>> -> memref<80x128xf32, #tpu.memory_space<vmem_shared>>
      %dma_wait3A_50 = arith.constant 0 : i32
      %dma_wait3A_51 = tpu.memref_slice %arg10[%add3A_20, %dma_wait3A_50] : memref<10240x128xf32, #tpu.memory_space<vmem_shared>> -> memref<80x128xf32, #tpu.memory_space<vmem_shared>>
      tpu.wait_dma2 semaphore(%run_scoped3A_44 : memref<!tpu.dma_semaphore, #tpu.memory_space<semaphore_mem>>) src(%arg8 : memref<80x128xf32, #tpu.memory_space<vmem>>) dst(%dma_wait3A_51 : memref<80x128xf32, #tpu.memory_space<vmem_shared>>)
      tpu.yield
    }) : () -> ()
    %add3A_21 = arith.constant 560 : i32
    %add3A_22 = arith.addi %mul3A_6, %add3A_21 : i32
    "tpu.region"() ({
      %run_scoped3A_44 = tpu.sem_alloc : memref<!tpu.dma_semaphore, #tpu.memory_space<semaphore_mem>>
      %dma_start3A = arith.constant 0 : i32
      %dma_start3A_45 = tpu.memref_slice %arg10[%add3A_22, %dma_start3A] : memref<10240x128xf32, #tpu.memory_space<vmem_shared>> -> memref<80x128xf32, #tpu.memory_space<vmem_shared>>
      %dma_start3A_46 = arith.constant 0 : i32
      %dma_start3A_47 = tpu.memref_slice %arg10[%add3A_22, %dma_start3A_46] : memref<10240x128xf32, #tpu.memory_space<vmem_shared>> -> memref<80x128xf32, #tpu.memory_space<vmem_shared>>
      tpu.enqueue_dma source(%arg8 : memref<80x128xf32, #tpu.memory_space<vmem>>) target(%dma_start3A_47 : memref<80x128xf32, #tpu.memory_space<vmem_shared>>) target_semaphore(%run_scoped3A_44 : memref<!tpu.dma_semaphore, #tpu.memory_space<semaphore_mem>>)
      %dma_wait3A_48 = arith.constant 0 : i32
      %dma_wait3A_49 = tpu.memref_slice %arg10[%add3A_22, %dma_wait3A_48] : memref<10240x128xf32, #tpu.memory_space<vmem_shared>> -> memref<80x128xf32, #tpu.memory_space<vmem_shared>>
      %dma_wait3A_50 = arith.constant 0 : i32
      %dma_wait3A_51 = tpu.memref_slice %arg10[%add3A_22, %dma_wait3A_50] : memref<10240x128xf32, #tpu.memory_space<vmem_shared>> -> memref<80x128xf32, #tpu.memory_space<vmem_shared>>
      tpu.wait_dma2 semaphore(%run_scoped3A_44 : memref<!tpu.dma_semaphore, #tpu.memory_space<semaphore_mem>>) src(%arg8 : memref<80x128xf32, #tpu.memory_space<vmem>>) dst(%dma_wait3A_51 : memref<80x128xf32, #tpu.memory_space<vmem_shared>>)
      tpu.yield
    }) : () -> ()
    "tpu.region"() ({
      %run_scoped3A_44 = tpu.sem_alloc : memref<!tpu.dma_semaphore, #tpu.memory_space<semaphore_mem>>
      %dma_start3A = arith.constant 0 : i32
      %dma_start3A_45 = tpu.memref_slice %arg3[%add3A, %dma_start3A] : memref<32x10000xi32, #tpu.memory_space<hbm>> -> memref<1x10000xi32, #tpu.memory_space<hbm>>
      %dma_start3A_46 = tpu.memref_squeeze %dma_start3A_45 : memref<1x10000xi32, #tpu.memory_space<hbm>> -> memref<10000xi32, #tpu.memory_space<hbm>>
      %dma_start3A_47 = arith.constant 0 : i32
      %dma_start3A_48 = tpu.memref_slice %arg3[%add3A, %dma_start3A_47] : memref<32x10000xi32, #tpu.memory_space<hbm>> -> memref<1x10000xi32, #tpu.memory_space<hbm>>
      %dma_start3A_49 = tpu.memref_squeeze %dma_start3A_48 : memref<1x10000xi32, #tpu.memory_space<hbm>> -> memref<10000xi32, #tpu.memory_space<hbm>>
      tpu.enqueue_dma source(%dma_start3A_49 : memref<10000xi32, #tpu.memory_space<hbm>>) target(%arg6 : memref<10000xi32, #tpu.memory_space<vmem>>) target_semaphore(%run_scoped3A_44 : memref<!tpu.dma_semaphore, #tpu.memory_space<semaphore_mem>>)
      %dma_wait3A_50 = arith.constant 0 : i32
      %dma_wait3A_51 = tpu.memref_slice %arg3[%add3A, %dma_wait3A_50] : memref<32x10000xi32, #tpu.memory_space<hbm>> -> memref<1x10000xi32, #tpu.memory_space<hbm>>
      %dma_wait3A_52 = tpu.memref_squeeze %dma_wait3A_51 : memref<1x10000xi32, #tpu.memory_space<hbm>> -> memref<10000xi32, #tpu.memory_space<hbm>>
      %dma_wait3A_53 = arith.constant 0 : i32
      %dma_wait3A_54 = tpu.memref_slice %arg3[%add3A, %dma_wait3A_53] : memref<32x10000xi32, #tpu.memory_space<hbm>> -> memref<1x10000xi32, #tpu.memory_space<hbm>>
      %dma_wait3A_55 = tpu.memref_squeeze %dma_wait3A_54 : memref<1x10000xi32, #tpu.memory_space<hbm>> -> memref<10000xi32, #tpu.memory_space<hbm>>
      tpu.wait_dma2 semaphore(%run_scoped3A_44 : memref<!tpu.dma_semaphore, #tpu.memory_space<semaphore_mem>>) src(%dma_wait3A_55 : memref<10000xi32, #tpu.memory_space<hbm>>) dst(%arg6 : memref<10000xi32, #tpu.memory_space<vmem>>)
      tpu.yield
    }) : () -> ()
    "tpu.region"() ({
      %run_scoped3A_44 = tpu.sem_alloc : memref<!tpu.dma_semaphore, #tpu.memory_space<semaphore_mem>>
      %dma_start3A = arith.constant 0 : i32
      %dma_start3A_45 = arith.constant 0 : i32
      %dma_start3A_46 = tpu.memref_slice %arg4[%arg1, %dma_start3A, %dma_start3A_45] : memref<16x125x80xi32, #tpu.memory_space<hbm>> -> memref<1x125x80xi32, #tpu.memory_space<hbm>>
      %dma_start3A_47 = tpu.memref_squeeze %dma_start3A_46 : memref<1x125x80xi32, #tpu.memory_space<hbm>> -> memref<125x80xi32, #tpu.memory_space<hbm>>
      %dma_start3A_48 = arith.constant 0 : i32
      %dma_start3A_49 = arith.constant 0 : i32
      %dma_start3A_50 = tpu.memref_slice %arg4[%arg1, %dma_start3A_48, %dma_start3A_49] : memref<16x125x80xi32, #tpu.memory_space<hbm>> -> memref<1x125x80xi32, #tpu.memory_space<hbm>>
      %dma_start3A_51 = tpu.memref_squeeze %dma_start3A_50 : memref<1x125x80xi32, #tpu.memory_space<hbm>> -> memref<125x80xi32, #tpu.memory_space<hbm>>
      tpu.enqueue_dma source(%dma_start3A_51 : memref<125x80xi32, #tpu.memory_space<hbm>>) target(%arg7 : memref<125x80xi32, #tpu.memory_space<vmem>>) target_semaphore(%run_scoped3A_44 : memref<!tpu.dma_semaphore, #tpu.memory_space<semaphore_mem>>)
      %dma_wait3A_52 = arith.constant 0 : i32
      %dma_wait3A_53 = arith.constant 0 : i32
      %dma_wait3A_54 = tpu.memref_slice %arg4[%arg1, %dma_wait3A_52, %dma_wait3A_53] : memref<16x125x80xi32, #tpu.memory_space<hbm>> -> memref<1x125x80xi32, #tpu.memory_space<hbm>>
      %dma_wait3A_55 = tpu.memref_squeeze %dma_wait3A_54 : memref<1x125x80xi32, #tpu.memory_space<hbm>> -> memref<125x80xi32, #tpu.memory_space<hbm>>
      %dma_wait3A_56 = arith.constant 0 : i32
      %dma_wait3A_57 = arith.constant 0 : i32
      %dma_wait3A_58 = tpu.memref_slice %arg4[%arg1, %dma_wait3A_56, %dma_wait3A_57] : memref<16x125x80xi32, #tpu.memory_space<hbm>> -> memref<1x125x80xi32, #tpu.memory_space<hbm>>
      %dma_wait3A_59 = tpu.memref_squeeze %dma_wait3A_58 : memref<1x125x80xi32, #tpu.memory_space<hbm>> -> memref<125x80xi32, #tpu.memory_space<hbm>>
      tpu.wait_dma2 semaphore(%run_scoped3A_44 : memref<!tpu.dma_semaphore, #tpu.memory_space<semaphore_mem>>) src(%dma_wait3A_59 : memref<125x80xi32, #tpu.memory_space<hbm>>) dst(%arg7 : memref<125x80xi32, #tpu.memory_space<vmem>>)
      tpu.yield
    }) : () -> ()
    %barrier3A = arith.constant 0 : index
    tpu.barrier barrier_id(%barrier3A)
    %scan3A_23 = arith.constant 0 : i32
    %scan3A_24 = arith.constant 125 : i32
    %scan3A_25 = arith.addi %scan3A_23, %scan3A_24 : i32
    %scan3A_26 = arith.constant 1 : i32
    scf.for %scan3A_44 = %scan3A_23 to %scan3A_25 step %scan3A_26  : i32 {
      %jit3A = arith.constant 2 : i32
      %eq3A = arith.constant 0 : i32
      %eq3A_45 = arith.cmpi eq, %jit3A, %eq3A : i32
      %jit3A_46 = arith.constant 1 : i32
      %select_n3A = arith.select %eq3A_45, %jit3A_46, %jit3A : i32
      %rem3A = arith.remsi %scan3A_44, %select_n3A : i32
      %ne3A = arith.constant 0 : i32
      %ne3A_47 = arith.cmpi ne, %rem3A, %ne3A : i32
      %lt3A = arith.constant 0 : i32
      %lt3A_48 = arith.cmpi slt, %rem3A, %lt3A : i32
      %lt3A_49 = arith.constant 0 : i32
      %lt3A_50 = arith.cmpi slt, %select_n3A, %lt3A_49 : i32
      %ne3A_51 = arith.xori %lt3A_48, %lt3A_50 : i1
      %and3A = arith.andi %ne3A_51, %ne3A_47 : i1
      %add3A_52 = arith.addi %rem3A, %select_n3A : i32
      %select_n3A_53 = arith.select %and3A, %add3A_52, %rem3A : i32
      %eq3A_54 = arith.constant 0 : i32
      %eq3A_55 = arith.cmpi eq, %select_n3A_53, %eq3A_54 : i32
      %convert_element_type3A = arith.extui %eq3A_55 : i1 to i32
      %cond3A = arith.constant 0 : i32
      %cond3A_56 = arith.cmpi ne, %convert_element_type3A, %cond3A : i32
      scf.if %cond3A_56 {
        %ge3A = arith.constant 2 : i32
        %ge3A_78 = arith.cmpi sge, %scan3A_44, %ge3A : i32
        %convert_element_type3A_79 = arith.extui %ge3A_78 : i1 to i32
        %cond3A_80 = arith.constant 0 : i32
        %cond3A_81 = arith.cmpi ne, %convert_element_type3A_79, %cond3A_80 : i32
        scf.if %cond3A_81 {
          %dma_wait3A_92 = arith.constant 0 : i32
          %dma_wait3A_93 = arith.constant 0 : i32
          %dma_wait3A_94 = tpu.memref_slice %arg7[%dma_wait3A_92, %dma_wait3A_93] : memref<125x80xi32, #tpu.memory_space<vmem>> -> memref<1x80xi32, #tpu.memory_space<vmem>>
          %dma_wait3A_95 = tpu.memref_squeeze %dma_wait3A_94 : memref<1x80xi32, #tpu.memory_space<vmem>> -> memref<80xi32, #tpu.memory_space<vmem>>
          %dma_wait3A_96 = arith.constant 0 : i32
          %dma_wait3A_97 = arith.constant 0 : i32
          %dma_wait3A_98 = tpu.memref_slice %arg10[%dma_wait3A_96, %dma_wait3A_97] : memref<10240x128xf32, #tpu.memory_space<vmem_shared>> -> memref<10240x128xf32, #tpu.memory_space<vmem_shared>>
          tpu.wait_indirect_dma semaphore(%arg13 : memref<!tpu.dma_semaphore, #tpu.memory_space<semaphore_mem>>) src(%arg8 : memref<80x128xf32, #tpu.memory_space<vmem>>) dst(%dma_wait3A_98 : memref<10240x128xf32, #tpu.memory_space<vmem_shared>>)
        } else {
        }
        %mul3A_82 = arith.constant 80 : i32
        %mul3A_83 = arith.muli %scan3A_44, %mul3A_82 : i32
        %dma_start3A = tpu.memref_slice %arg6[%mul3A_83] : memref<10000xi32, #tpu.memory_space<vmem>> -> memref<80xi32, #tpu.memory_space<vmem>>
        %dma_start3A_84 = arith.constant 0 : i32
        %dma_start3A_85 = arith.constant 0 : i32
        %dma_start3A_86 = tpu.memref_slice %arg2[%dma_start3A_84, %dma_start3A_85] : memref<20480x128xf32, #tpu.memory_space<hbm>> -> memref<20480x128xf32, #tpu.memory_space<hbm>>
        tpu.enqueue_indirect_dma source(%dma_start3A_86 : memref<20480x128xf32, #tpu.memory_space<hbm>>) target(%arg8 : memref<80x128xf32, #tpu.memory_space<vmem>>) offsets(%dma_start3A : memref<80xi32, #tpu.memory_space<vmem>>) semaphore(%arg11 : memref<!tpu.dma_semaphore, #tpu.memory_space<semaphore_mem>>)
        %ge3A_87 = arith.constant 1 : i32
        %ge3A_88 = arith.cmpi sge, %scan3A_44, %ge3A_87 : i32
        %convert_element_type3A_89 = arith.extui %ge3A_88 : i1 to i32
        %cond3A_90 = arith.constant 0 : i32
        %cond3A_91 = arith.cmpi ne, %convert_element_type3A_89, %cond3A_90 : i32
        scf.if %cond3A_91 {
          %dma_wait3A_92 = arith.constant 0 : i32
          %dma_wait3A_93 = arith.constant 0 : i32
          %dma_wait3A_94 = tpu.memref_slice %arg2[%dma_wait3A_92, %dma_wait3A_93] : memref<20480x128xf32, #tpu.memory_space<hbm>> -> memref<80x128xf32, #tpu.memory_space<hbm>>
          %dma_wait3A_95 = arith.constant 0 : i32
          %dma_wait3A_96 = arith.constant 0 : i32
          %dma_wait3A_97 = tpu.memref_slice %arg2[%dma_wait3A_95, %dma_wait3A_96] : memref<20480x128xf32, #tpu.memory_space<hbm>> -> memref<80x128xf32, #tpu.memory_space<hbm>>
          tpu.wait_dma2 semaphore(%arg12 : memref<!tpu.dma_semaphore, #tpu.memory_space<semaphore_mem>>) src(%dma_wait3A_97 : memref<80x128xf32, #tpu.memory_space<hbm>>) dst(%arg9 : memref<80x128xf32, #tpu.memory_space<vmem>>)
          %sub3A = arith.constant 1 : i32
          %sub3A_98 = arith.subi %scan3A_44, %sub3A : i32
          %dma_start3A_99 = arith.constant 0 : i32
          %dma_start3A_100 = tpu.memref_slice %arg7[%sub3A_98, %dma_start3A_99] : memref<125x80xi32, #tpu.memory_space<vmem>> -> memref<1x80xi32, #tpu.memory_space<vmem>>
          %dma_start3A_101 = tpu.memref_squeeze %dma_start3A_100 : memref<1x80xi32, #tpu.memory_space<vmem>> -> memref<80xi32, #tpu.memory_space<vmem>>
          %dma_start3A_102 = arith.constant 0 : i32
          %dma_start3A_103 = arith.constant 0 : i32
          %dma_start3A_104 = tpu.memref_slice %arg10[%dma_start3A_102, %dma_start3A_103] : memref<10240x128xf32, #tpu.memory_space<vmem_shared>> -> memref<10240x128xf32, #tpu.memory_space<vmem_shared>>
          tpu.enqueue_indirect_dma source(%arg9 : memref<80x128xf32, #tpu.memory_space<vmem>>) target(%dma_start3A_104 : memref<10240x128xf32, #tpu.memory_space<vmem_shared>>) offsets(%dma_start3A_101 : memref<80xi32, #tpu.memory_space<vmem>>) semaphore(%arg14 : memref<!tpu.dma_semaphore, #tpu.memory_space<semaphore_mem>>) {add = true}
        } else {
        }
      } else {
      }
      %jit3A_57 = arith.constant 2 : i32
      %eq3A_58 = arith.constant 0 : i32
      %eq3A_59 = arith.cmpi eq, %jit3A_57, %eq3A_58 : i32
      %jit3A_60 = arith.constant 1 : i32
      %select_n3A_61 = arith.select %eq3A_59, %jit3A_60, %jit3A_57 : i32
      %rem3A_62 = arith.remsi %scan3A_44, %select_n3A_61 : i32
      %ne3A_63 = arith.constant 0 : i32
      %ne3A_64 = arith.cmpi ne, %rem3A_62, %ne3A_63 : i32
      %lt3A_65 = arith.constant 0 : i32
      %lt3A_66 = arith.cmpi slt, %rem3A_62, %lt3A_65 : i32
      %lt3A_67 = arith.constant 0 : i32
      %lt3A_68 = arith.cmpi slt, %select_n3A_61, %lt3A_67 : i32
      %ne3A_69 = arith.xori %lt3A_66, %lt3A_68 : i1
      %and3A_70 = arith.andi %ne3A_69, %ne3A_64 : i1
      %add3A_71 = arith.addi %rem3A_62, %select_n3A_61 : i32
      %select_n3A_72 = arith.select %and3A_70, %add3A_71, %rem3A_62 : i32
      %eq3A_73 = arith.constant 1 : i32
      %eq3A_74 = arith.cmpi eq, %select_n3A_72, %eq3A_73 : i32
      %convert_element_type3A_75 = arith.extui %eq3A_74 : i1 to i32
      %cond3A_76 = arith.constant 0 : i32
      %cond3A_77 = arith.cmpi ne, %convert_element_type3A_75, %cond3A_76 : i32
      scf.if %cond3A_77 {
        %ge3A = arith.constant 2 : i32
        %ge3A_78 = arith.cmpi sge, %scan3A_44, %ge3A : i32
        %convert_element_type3A_79 = arith.extui %ge3A_78 : i1 to i32
        %cond3A_80 = arith.constant 0 : i32
        %cond3A_81 = arith.cmpi ne, %convert_element_type3A_79, %cond3A_80 : i32
        scf.if %cond3A_81 {
          %dma_wait3A_92 = arith.constant 0 : i32
          %dma_wait3A_93 = arith.constant 0 : i32
          %dma_wait3A_94 = tpu.memref_slice %arg7[%dma_wait3A_92, %dma_wait3A_93] : memref<125x80xi32, #tpu.memory_space<vmem>> -> memref<1x80xi32, #tpu.memory_space<vmem>>
          %dma_wait3A_95 = tpu.memref_squeeze %dma_wait3A_94 : memref<1x80xi32, #tpu.memory_space<vmem>> -> memref<80xi32, #tpu.memory_space<vmem>>
          %dma_wait3A_96 = arith.constant 0 : i32
          %dma_wait3A_97 = arith.constant 0 : i32
          %dma_wait3A_98 = tpu.memref_slice %arg10[%dma_wait3A_96, %dma_wait3A_97] : memref<10240x128xf32, #tpu.memory_space<vmem_shared>> -> memref<10240x128xf32, #tpu.memory_space<vmem_shared>>
          tpu.wait_indirect_dma semaphore(%arg14 : memref<!tpu.dma_semaphore, #tpu.memory_space<semaphore_mem>>) src(%arg9 : memref<80x128xf32, #tpu.memory_space<vmem>>) dst(%dma_wait3A_98 : memref<10240x128xf32, #tpu.memory_space<vmem_shared>>)
        } else {
        }
        %mul3A_82 = arith.constant 80 : i32
        %mul3A_83 = arith.muli %scan3A_44, %mul3A_82 : i32
        %dma_start3A = tpu.memref_slice %arg6[%mul3A_83] : memref<10000xi32, #tpu.memory_space<vmem>> -> memref<80xi32, #tpu.memory_space<vmem>>
        %dma_start3A_84 = arith.constant 0 : i32
        %dma_start3A_85 = arith.constant 0 : i32
        %dma_start3A_86 = tpu.memref_slice %arg2[%dma_start3A_84, %dma_start3A_85] : memref<20480x128xf32, #tpu.memory_space<hbm>> -> memref<20480x128xf32, #tpu.memory_space<hbm>>
        tpu.enqueue_indirect_dma source(%dma_start3A_86 : memref<20480x128xf32, #tpu.memory_space<hbm>>) target(%arg9 : memref<80x128xf32, #tpu.memory_space<vmem>>) offsets(%dma_start3A : memref<80xi32, #tpu.memory_space<vmem>>) semaphore(%arg12 : memref<!tpu.dma_semaphore, #tpu.memory_space<semaphore_mem>>)
        %ge3A_87 = arith.constant 1 : i32
        %ge3A_88 = arith.cmpi sge, %scan3A_44, %ge3A_87 : i32
        %convert_element_type3A_89 = arith.extui %ge3A_88 : i1 to i32
        %cond3A_90 = arith.constant 0 : i32
        %cond3A_91 = arith.cmpi ne, %convert_element_type3A_89, %cond3A_90 : i32
        scf.if %cond3A_91 {
          %dma_wait3A_92 = arith.constant 0 : i32
          %dma_wait3A_93 = arith.constant 0 : i32
          %dma_wait3A_94 = tpu.memref_slice %arg2[%dma_wait3A_92, %dma_wait3A_93] : memref<20480x128xf32, #tpu.memory_space<hbm>> -> memref<80x128xf32, #tpu.memory_space<hbm>>
          %dma_wait3A_95 = arith.constant 0 : i32
          %dma_wait3A_96 = arith.constant 0 : i32
          %dma_wait3A_97 = tpu.memref_slice %arg2[%dma_wait3A_95, %dma_wait3A_96] : memref<20480x128xf32, #tpu.memory_space<hbm>> -> memref<80x128xf32, #tpu.memory_space<hbm>>
          tpu.wait_dma2 semaphore(%arg11 : memref<!tpu.dma_semaphore, #tpu.memory_space<semaphore_mem>>) src(%dma_wait3A_97 : memref<80x128xf32, #tpu.memory_space<hbm>>) dst(%arg8 : memref<80x128xf32, #tpu.memory_space<vmem>>)
          %sub3A = arith.constant 1 : i32
          %sub3A_98 = arith.subi %scan3A_44, %sub3A : i32
          %dma_start3A_99 = arith.constant 0 : i32
          %dma_start3A_100 = tpu.memref_slice %arg7[%sub3A_98, %dma_start3A_99] : memref<125x80xi32, #tpu.memory_space<vmem>> -> memref<1x80xi32, #tpu.memory_space<vmem>>
          %dma_start3A_101 = tpu.memref_squeeze %dma_start3A_100 : memref<1x80xi32, #tpu.memory_space<vmem>> -> memref<80xi32, #tpu.memory_space<vmem>>
          %dma_start3A_102 = arith.constant 0 : i32
          %dma_start3A_103 = arith.constant 0 : i32
          %dma_start3A_104 = tpu.memref_slice %arg10[%dma_start3A_102, %dma_start3A_103] : memref<10240x128xf32, #tpu.memory_space<vmem_shared>> -> memref<10240x128xf32, #tpu.memory_space<vmem_shared>>
          tpu.enqueue_indirect_dma source(%arg8 : memref<80x128xf32, #tpu.memory_space<vmem>>) target(%dma_start3A_104 : memref<10240x128xf32, #tpu.memory_space<vmem_shared>>) offsets(%dma_start3A_101 : memref<80xi32, #tpu.memory_space<vmem>>) semaphore(%arg13 : memref<!tpu.dma_semaphore, #tpu.memory_space<semaphore_mem>>) {add = true}
        } else {
        }
      } else {
      }
    }
    %scan3A_27 = arith.constant 125 : i32
    %dma_wait3A = arith.constant 0 : i32
    %dma_wait3A_28 = arith.constant 0 : i32
    %dma_wait3A_29 = tpu.memref_slice %arg2[%dma_wait3A, %dma_wait3A_28] : memref<20480x128xf32, #tpu.memory_space<hbm>> -> memref<80x128xf32, #tpu.memory_space<hbm>>
    %dma_wait3A_30 = arith.constant 0 : i32
    %dma_wait3A_31 = arith.constant 0 : i32
    %dma_wait3A_32 = tpu.memref_slice %arg2[%dma_wait3A_30, %dma_wait3A_31] : memref<20480x128xf32, #tpu.memory_space<hbm>> -> memref<80x128xf32, #tpu.memory_space<hbm>>
    tpu.wait_dma2 semaphore(%arg11 : memref<!tpu.dma_semaphore, #tpu.memory_space<semaphore_mem>>) src(%dma_wait3A_32 : memref<80x128xf32, #tpu.memory_space<hbm>>) dst(%arg8 : memref<80x128xf32, #tpu.memory_space<vmem>>)
    %run_scoped3A = arith.constant 124 : i32
    "tpu.region"() ({
      %run_scoped3A_44 = tpu.sem_alloc : memref<!tpu.dma_semaphore, #tpu.memory_space<semaphore_mem>>
      %dma_start3A = arith.constant 0 : i32
      %dma_start3A_45 = tpu.memref_slice %arg7[%run_scoped3A, %dma_start3A] : memref<125x80xi32, #tpu.memory_space<vmem>> -> memref<1x80xi32, #tpu.memory_space<vmem>>
      %dma_start3A_46 = tpu.memref_squeeze %dma_start3A_45 : memref<1x80xi32, #tpu.memory_space<vmem>> -> memref<80xi32, #tpu.memory_space<vmem>>
      %dma_start3A_47 = arith.constant 0 : i32
      %dma_start3A_48 = arith.constant 0 : i32
      %dma_start3A_49 = tpu.memref_slice %arg10[%dma_start3A_47, %dma_start3A_48] : memref<10240x128xf32, #tpu.memory_space<vmem_shared>> -> memref<10240x128xf32, #tpu.memory_space<vmem_shared>>
      tpu.enqueue_indirect_dma source(%arg8 : memref<80x128xf32, #tpu.memory_space<vmem>>) target(%dma_start3A_49 : memref<10240x128xf32, #tpu.memory_space<vmem_shared>>) offsets(%dma_start3A_46 : memref<80xi32, #tpu.memory_space<vmem>>) semaphore(%run_scoped3A_44 : memref<!tpu.dma_semaphore, #tpu.memory_space<semaphore_mem>>) {add = true}
      %dma_wait3A_50 = arith.constant 0 : i32
      %dma_wait3A_51 = tpu.memref_slice %arg7[%run_scoped3A, %dma_wait3A_50] : memref<125x80xi32, #tpu.memory_space<vmem>> -> memref<1x80xi32, #tpu.memory_space<vmem>>
      %dma_wait3A_52 = tpu.memref_squeeze %dma_wait3A_51 : memref<1x80xi32, #tpu.memory_space<vmem>> -> memref<80xi32, #tpu.memory_space<vmem>>
      %dma_wait3A_53 = arith.constant 0 : i32
      %dma_wait3A_54 = arith.constant 0 : i32
      %dma_wait3A_55 = tpu.memref_slice %arg10[%dma_wait3A_53, %dma_wait3A_54] : memref<10240x128xf32, #tpu.memory_space<vmem_shared>> -> memref<10240x128xf32, #tpu.memory_space<vmem_shared>>
      tpu.wait_indirect_dma semaphore(%run_scoped3A_44 : memref<!tpu.dma_semaphore, #tpu.memory_space<semaphore_mem>>) src(%arg8 : memref<80x128xf32, #tpu.memory_space<vmem>>) dst(%dma_wait3A_55 : memref<10240x128xf32, #tpu.memory_space<vmem_shared>>)
      tpu.yield
    }) : () -> ()
    %dma_wait3A_33 = arith.constant 0 : i32
    %dma_wait3A_34 = arith.constant 0 : i32
    %dma_wait3A_35 = tpu.memref_slice %arg7[%dma_wait3A_33, %dma_wait3A_34] : memref<125x80xi32, #tpu.memory_space<vmem>> -> memref<1x80xi32, #tpu.memory_space<vmem>>
    %dma_wait3A_36 = tpu.memref_squeeze %dma_wait3A_35 : memref<1x80xi32, #tpu.memory_space<vmem>> -> memref<80xi32, #tpu.memory_space<vmem>>
    %dma_wait3A_37 = arith.constant 0 : i32
    %dma_wait3A_38 = arith.constant 0 : i32
    %dma_wait3A_39 = tpu.memref_slice %arg10[%dma_wait3A_37, %dma_wait3A_38] : memref<10240x128xf32, #tpu.memory_space<vmem_shared>> -> memref<10240x128xf32, #tpu.memory_space<vmem_shared>>
    tpu.wait_indirect_dma semaphore(%arg14 : memref<!tpu.dma_semaphore, #tpu.memory_space<semaphore_mem>>) src(%arg9 : memref<80x128xf32, #tpu.memory_space<vmem>>) dst(%dma_wait3A_39 : memref<10240x128xf32, #tpu.memory_space<vmem_shared>>)
    %barrier3A_40 = arith.constant 0 : index
    tpu.barrier barrier_id(%barrier3A_40)
    %mul3A_41 = arith.constant 10240 : i32
    %mul3A_42 = arith.muli %arg0, %mul3A_41 : i32
    %add3A_43 = arith.addi %mul3A_42, %mul3A_6 : i32
    "tpu.region"() ({
      %run_scoped3A_44 = tpu.sem_alloc : memref<!tpu.dma_semaphore, #tpu.memory_space<semaphore_mem>>
      %dma_start3A = arith.constant 0 : i32
      %dma_start3A_45 = tpu.memref_slice %arg5[%add3A_43, %dma_start3A] : memref<20480x128xf32, #tpu.memory_space<hbm>> -> memref<640x128xf32, #tpu.memory_space<hbm>>
      %dma_start3A_46 = arith.constant 0 : i32
      %dma_start3A_47 = tpu.memref_slice %arg10[%mul3A_6, %dma_start3A_46] : memref<10240x128xf32, #tpu.memory_space<vmem_shared>> -> memref<640x128xf32, #tpu.memory_space<vmem_shared>>
      tpu.enqueue_dma source(%dma_start3A_47 : memref<640x128xf32, #tpu.memory_space<vmem_shared>>) target(%dma_start3A_45 : memref<640x128xf32, #tpu.memory_space<hbm>>) target_semaphore(%run_scoped3A_44 : memref<!tpu.dma_semaphore, #tpu.memory_space<semaphore_mem>>)
      %dma_wait3A_48 = arith.constant 0 : i32
      %dma_wait3A_49 = tpu.memref_slice %arg5[%add3A_43, %dma_wait3A_48] : memref<20480x128xf32, #tpu.memory_space<hbm>> -> memref<640x128xf32, #tpu.memory_space<hbm>>
      %dma_wait3A_50 = arith.constant 0 : i32
      %dma_wait3A_51 = tpu.memref_slice %arg10[%mul3A_6, %dma_wait3A_50] : memref<10240x128xf32, #tpu.memory_space<vmem_shared>> -> memref<640x128xf32, #tpu.memory_space<vmem_shared>>
      tpu.wait_dma2 semaphore(%run_scoped3A_44 : memref<!tpu.dma_semaphore, #tpu.memory_space<semaphore_mem>>) src(%dma_wait3A_51 : memref<640x128xf32, #tpu.memory_space<vmem_shared>>) dst(%dma_wait3A_49 : memref<640x128xf32, #tpu.memory_space<hbm>>)
      tpu.yield
    }) : () -> ()
    return
  }
}

module attributes {stable_mosaic.version = 14 : i64} {
  func.func @_tc_mm_body(%arg0: i32, %arg1: memref<640x256xf32, #tpu.memory_space<vmem>>, %arg2: memref<256x256xf32, #tpu.memory_space<vmem>>, %arg3: memref<640x256xf32, #tpu.memory_space<vmem>>) attributes {dimension_semantics = [#tpu.dimension_semantics<arbitrary>], iteration_bounds = array<i64: 16>, scalar_prefetch = 0 : i64, scratch_operands = 0 : i64, tpu.core_type = #tpu.core_type<tc>, window_params = [{transform_indices = @transform_0, window_bounds = array<i64: 640, 256>}, {pipeline_mode = #tpu.pipeline_mode<synchronous>, transform_indices = @transform_1, window_bounds = array<i64: 256, 256>}, {transform_indices = @transform_2, window_bounds = array<i64: 640, 256>}]} {
    %get3A = arith.constant 0 : index
    %get3A_0 = arith.constant 0 : index
    %get3A_1 = vector.load %arg1[%get3A, %get3A_0] : memref<640x256xf32, #tpu.memory_space<vmem>>, vector<640x256xf32>
    %get3A_2 = arith.constant 0 : index
    %get3A_3 = arith.constant 0 : index
    %get3A_4 = vector.load %arg2[%get3A_2, %get3A_3] : memref<256x256xf32, #tpu.memory_space<vmem>>, vector<256x256xf32>
    %dot_general3A = arith.constant dense<0.000000e+00> : vector<640x256xf32>
    %dot_general3A_5 = tpu.matmul %get3A_1, %get3A_4, %dot_general3A {dimension_numbers = #tpu.dot_dimension_numbers<[1], [0], [0], [1], [0, 0, 1, 1], [], []>, transpose_lhs_hint = false} : vector<640x256xf32>, vector<256x256xf32>, vector<640x256xf32> -> vector<640x256xf32>
    %swap3A = arith.constant 0 : index
    %swap3A_6 = arith.constant 0 : index
    %swap3A_7 = vector.load %arg3[%swap3A, %swap3A_6] : memref<640x256xf32, #tpu.memory_space<vmem>>, vector<640x256xf32>
    tpu.vector_store %arg3[%swap3A, %swap3A_6], %dot_general3A_5 {strides = array<i32>} : memref<640x256xf32, #tpu.memory_space<vmem>>, vector<640x256xf32>,
    return
  }
  func.func @transform_0(%arg0: i32) -> (i32, i32) {
    %c0_i32 = arith.constant 0 : i32
    %c0_i32_0 = arith.constant 0 : i32
    return %arg0, %c0_i32 : i32, i32
  }
  func.func @transform_1(%arg0: i32) -> (i32, i32) {
    %c0_i32 = arith.constant 0 : i32
    %c0_i32_0 = arith.constant 0 : i32
    %c0_i32_1 = arith.constant 0 : i32
    return %c0_i32, %c0_i32_0 : i32, i32
  }
  func.func @transform_2(%arg0: i32) -> (i32, i32) {
    %c0_i32 = arith.constant 0 : i32
    %c0_i32_0 = arith.constant 0 : i32
    return %arg0, %c0_i32 : i32, i32
  }
}

module attributes {stable_mosaic.version = 14 : i64} {
  func.func @_tc_a_body(%arg0: i32, %arg1: memref<640x256xf32, #tpu.memory_space<vmem>>, %arg2: memref<640x128xf32, #tpu.memory_space<vmem>>, %arg3: memref<640x128xf32, #tpu.memory_space<vmem>>, %arg4: memref<2x640x128xf32, #tpu.memory_space<vmem>>) attributes {dimension_semantics = [#tpu.dimension_semantics<arbitrary>], iteration_bounds = array<i64: 16>, scalar_prefetch = 0 : i64, scratch_operands = 0 : i64, tpu.core_type = #tpu.core_type<tc>, window_params = [{transform_indices = @transform_0, window_bounds = array<i64: 640, 256>}, {transform_indices = @transform_1, window_bounds = array<i64: 640, 128>}, {transform_indices = @transform_2, window_bounds = array<i64: 640, 128>}, {transform_indices = @transform_3, window_bounds = array<i64: 2, 640, 128>}]} {
    %get3A = arith.constant 0 : index
    %get3A_0 = arith.constant 0 : index
    %get3A_1 = vector.load %arg2[%get3A, %get3A_0] : memref<640x128xf32, #tpu.memory_space<vmem>>, vector<640x128xf32>
    %get3A_2 = arith.constant 0 : index
    %get3A_3 = arith.constant 0 : index
    %get3A_4 = vector.load %arg3[%get3A_2, %get3A_3] : memref<640x128xf32, #tpu.memory_space<vmem>>, vector<640x128xf32>
    %slice3A = vector.extract_strided_slice %get3A_1 {offsets = [0, 0], sizes = [640, 1], strides = [1, 1]} : vector<640x128xf32> to vector<640x1xf32>
    %slice3A_5 = vector.extract_strided_slice %get3A_4 {offsets = [0, 0], sizes = [640, 1], strides = [1, 1]} : vector<640x128xf32> to vector<640x1xf32>
    %add3A = arith.addf %slice3A, %slice3A_5 : vector<640x1xf32>
    %add3A_6 = arith.constant 1.000000e+00 : f32
    %add3A_7 = vector.broadcast %add3A_6 : f32 to vector<640x1xf32>
    %add3A_8 = arith.addf %add3A, %add3A_7 : vector<640x1xf32>
    %rsqrt3A = math.rsqrt %add3A_8 : vector<640x1xf32>
    %get3A_9 = arith.constant 0 : index
    %get3A_10 = arith.constant 0 : index
    %get3A_11 = vector.load %arg1[%get3A_9, %get3A_10] : memref<640x256xf32, #tpu.memory_space<vmem>>, vector<640x256xf32>
    %mul3A = vector.broadcast %rsqrt3A : vector<640x1xf32> to vector<640x256xf32>
    %mul3A_12 = arith.mulf %get3A_11, %mul3A : vector<640x256xf32>
    %slice3A_13 = vector.extract_strided_slice %mul3A_12 {offsets = [0, 0], sizes = [640, 128], strides = [1, 1]} : vector<640x256xf32> to vector<640x128xf32>
    %swap3A = arith.constant 0 : index
    %swap3A_14 = arith.constant 0 : index
    %swap3A_15 = arith.constant 0 : index
    %swap3A_16 = vector.load %arg4[%swap3A, %swap3A_14, %swap3A_15] : memref<2x640x128xf32, #tpu.memory_space<vmem>>, vector<1x640x128xf32>
    %swap3A_17 = vector.shape_cast %swap3A_16 : vector<1x640x128xf32> to vector<640x128xf32>
    %swap3A_18 = vector.shape_cast %slice3A_13 : vector<640x128xf32> to vector<1x640x128xf32>
    tpu.vector_store %arg4[%swap3A, %swap3A_14, %swap3A_15], %swap3A_18 {strides = array<i32>} : memref<2x640x128xf32, #tpu.memory_space<vmem>>, vector<1x640x128xf32>,
    %slice3A_19 = vector.extract_strided_slice %mul3A_12 {offsets = [0, 128], sizes = [640, 128], strides = [1, 1]} : vector<640x256xf32> to vector<640x128xf32>
    %swap3A_20 = arith.constant 1 : index
    %swap3A_21 = arith.constant 0 : index
    %swap3A_22 = arith.constant 0 : index
    %swap3A_23 = vector.load %arg4[%swap3A_20, %swap3A_21, %swap3A_22] : memref<2x640x128xf32, #tpu.memory_space<vmem>>, vector<1x640x128xf32>
    %swap3A_24 = vector.shape_cast %swap3A_23 : vector<1x640x128xf32> to vector<640x128xf32>
    %swap3A_25 = vector.shape_cast %slice3A_19 : vector<640x128xf32> to vector<1x640x128xf32>
    tpu.vector_store %arg4[%swap3A_20, %swap3A_21, %swap3A_22], %swap3A_25 {strides = array<i32>} : memref<2x640x128xf32, #tpu.memory_space<vmem>>, vector<1x640x128xf32>,
    return
  }
  func.func @transform_0(%arg0: i32) -> (i32, i32) {
    %c0_i32 = arith.constant 0 : i32
    %c0_i32_0 = arith.constant 0 : i32
    return %arg0, %c0_i32 : i32, i32
  }
  func.func @transform_1(%arg0: i32) -> (i32, i32) {
    %c0_i32 = arith.constant 0 : i32
    %c0_i32_0 = arith.constant 0 : i32
    return %arg0, %c0_i32 : i32, i32
  }
  func.func @transform_2(%arg0: i32) -> (i32, i32) {
    %add3A = arith.constant 16 : i32
    %add3A_0 = arith.addi %add3A, %arg0 : i32
    %c0_i32 = arith.constant 0 : i32
    %c0_i32_1 = arith.constant 0 : i32
    return %add3A_0, %c0_i32 : i32, i32
  }
  func.func @transform_3(%arg0: i32) -> (i32, i32, i32) {
    %c0_i32 = arith.constant 0 : i32
    %c0_i32_0 = arith.constant 0 : i32
    %c0_i32_1 = arith.constant 0 : i32
    return %c0_i32, %arg0, %c0_i32_0 : i32, i32, i32
  }
}

module attributes {stable_mosaic.version = 14 : i64} {
  func.func @_tc_b_body(%arg0: i32, %arg1: memref<640x128xf32, #tpu.memory_space<vmem>>, %arg2: memref<640x128xf32, #tpu.memory_space<vmem>>, %arg3: memref<640x128xf32, #tpu.memory_space<vmem>>, %arg4: memref<640x128xf32, #tpu.memory_space<vmem>>, %arg5: memref<640x128xf32, #tpu.memory_space<vmem>>, %arg6: memref<640x128xf32, #tpu.memory_space<vmem>>, %arg7: memref<1x256xf32, #tpu.memory_space<vmem>>, %arg8: memref<256x256xf32, #tpu.memory_space<vmem>>, %arg9: memref<2x640x128xf32, #tpu.memory_space<vmem>>) attributes {dimension_semantics = [#tpu.dimension_semantics<arbitrary>], iteration_bounds = array<i64: 16>, scalar_prefetch = 0 : i64, scratch_operands = 0 : i64, tpu.core_type = #tpu.core_type<tc>, window_params = [{transform_indices = @transform_0, window_bounds = array<i64: 640, 128>}, {transform_indices = @transform_1, window_bounds = array<i64: 640, 128>}, {transform_indices = @transform_2, window_bounds = array<i64: 640, 128>}, {transform_indices = @transform_3, window_bounds = array<i64: 640, 128>}, {transform_indices = @transform_4, window_bounds = array<i64: 640, 128>}, {transform_indices = @transform_5, window_bounds = array<i64: 640, 128>}, {pipeline_mode = #tpu.pipeline_mode<synchronous>, transform_indices = @transform_6, window_bounds = array<i64: 1, 256>}, {pipeline_mode = #tpu.pipeline_mode<synchronous>, transform_indices = @transform_7, window_bounds = array<i64: 256, 256>}, {transform_indices = @transform_8, window_bounds = array<i64: 2, 640, 128>}]} {
    %get3A = arith.constant 0 : index
    %get3A_0 = arith.constant 0 : index
    %get3A_1 = vector.load %arg5[%get3A, %get3A_0] : memref<640x128xf32, #tpu.memory_space<vmem>>, vector<640x128xf32>
    %get3A_2 = arith.constant 0 : index
    %get3A_3 = arith.constant 0 : index
    %get3A_4 = vector.load %arg6[%get3A_2, %get3A_3] : memref<640x128xf32, #tpu.memory_space<vmem>>, vector<640x128xf32>
    %slice3A = vector.extract_strided_slice %get3A_1 {offsets = [0, 0], sizes = [640, 1], strides = [1, 1]} : vector<640x128xf32> to vector<640x1xf32>
    %slice3A_5 = vector.extract_strided_slice %get3A_4 {offsets = [0, 0], sizes = [640, 1], strides = [1, 1]} : vector<640x128xf32> to vector<640x1xf32>
    %add3A = arith.addf %slice3A, %slice3A_5 : vector<640x1xf32>
    %add3A_6 = arith.constant 1.000000e+00 : f32
    %add3A_7 = vector.broadcast %add3A_6 : f32 to vector<640x1xf32>
    %add3A_8 = arith.addf %add3A, %add3A_7 : vector<640x1xf32>
    %rsqrt3A = math.rsqrt %add3A_8 : vector<640x1xf32>
    %get3A_9 = arith.constant 0 : index
    %get3A_10 = arith.constant 0 : index
    %get3A_11 = vector.load %arg1[%get3A_9, %get3A_10] : memref<640x128xf32, #tpu.memory_space<vmem>>, vector<640x128xf32>
    %get3A_12 = arith.constant 0 : index
    %get3A_13 = arith.constant 0 : index
    %get3A_14 = vector.load %arg3[%get3A_12, %get3A_13] : memref<640x128xf32, #tpu.memory_space<vmem>>, vector<640x128xf32>
    %add3A_15 = arith.addf %get3A_11, %get3A_14 : vector<640x128xf32>
    %mul3A = vector.broadcast %rsqrt3A : vector<640x1xf32> to vector<640x128xf32>
    %mul3A_16 = arith.mulf %add3A_15, %mul3A : vector<640x128xf32>
    %get3A_17 = arith.constant 0 : index
    %get3A_18 = arith.constant 0 : index
    %get3A_19 = vector.load %arg7[%get3A_17, %get3A_18] : memref<1x256xf32, #tpu.memory_space<vmem>>, vector<1x128xf32>
    %add3A_20 = vector.broadcast %get3A_19 : vector<1x128xf32> to vector<640x128xf32>
    %add3A_21 = arith.addf %mul3A_16, %add3A_20 : vector<640x128xf32>
    %max3A = arith.constant 0.000000e+00 : f32
    %max3A_22 = vector.broadcast %max3A : f32 to vector<640x128xf32>
    %max3A_23 = arith.maximumf %add3A_21, %max3A_22 : vector<640x128xf32>
    %get3A_24 = arith.constant 0 : index
    %get3A_25 = arith.constant 0 : index
    %get3A_26 = vector.load %arg2[%get3A_24, %get3A_25] : memref<640x128xf32, #tpu.memory_space<vmem>>, vector<640x128xf32>
    %get3A_27 = arith.constant 0 : index
    %get3A_28 = arith.constant 0 : index
    %get3A_29 = vector.load %arg4[%get3A_27, %get3A_28] : memref<640x128xf32, #tpu.memory_space<vmem>>, vector<640x128xf32>
    %add3A_30 = arith.addf %get3A_26, %get3A_29 : vector<640x128xf32>
    %mul3A_31 = vector.broadcast %rsqrt3A : vector<640x1xf32> to vector<640x128xf32>
    %mul3A_32 = arith.mulf %add3A_30, %mul3A_31 : vector<640x128xf32>
    %get3A_33 = arith.constant 0 : index
    %get3A_34 = arith.constant 128 : index
    %get3A_35 = vector.load %arg7[%get3A_33, %get3A_34] : memref<1x256xf32, #tpu.memory_space<vmem>>, vector<1x128xf32>
    %add3A_36 = vector.broadcast %get3A_35 : vector<1x128xf32> to vector<640x128xf32>
    %add3A_37 = arith.addf %mul3A_32, %add3A_36 : vector<640x128xf32>
    %max3A_38 = arith.constant 0.000000e+00 : f32
    %max3A_39 = vector.broadcast %max3A_38 : f32 to vector<640x128xf32>
    %max3A_40 = arith.maximumf %add3A_37, %max3A_39 : vector<640x128xf32>
    %get3A_41 = arith.constant 0 : index
    %get3A_42 = arith.constant 0 : index
    %get3A_43 = vector.load %arg8[%get3A_41, %get3A_42] : memref<256x256xf32, #tpu.memory_space<vmem>>, vector<128x256xf32>
    %dot_general3A = arith.constant dense<0.000000e+00> : vector<640x256xf32>
    %dot_general3A_44 = tpu.matmul %max3A_23, %get3A_43, %dot_general3A {dimension_numbers = #tpu.dot_dimension_numbers<[1], [0], [0], [1], [0, 0, 1, 1], [], []>, transpose_lhs_hint = false} : vector<640x128xf32>, vector<128x256xf32>, vector<640x256xf32> -> vector<640x256xf32>
    %get3A_45 = arith.constant 128 : index
    %get3A_46 = arith.constant 0 : index
    %get3A_47 = vector.load %arg8[%get3A_45, %get3A_46] : memref<256x256xf32, #tpu.memory_space<vmem>>, vector<128x256xf32>
    %dot_general3A_48 = arith.constant dense<0.000000e+00> : vector<640x256xf32>
    %dot_general3A_49 = tpu.matmul %max3A_40, %get3A_47, %dot_general3A_48 {dimension_numbers = #tpu.dot_dimension_numbers<[1], [0], [0], [1], [0, 0, 1, 1], [], []>, transpose_lhs_hint = false} : vector<640x128xf32>, vector<128x256xf32>, vector<640x256xf32> -> vector<640x256xf32>
    %add3A_50 = arith.addf %dot_general3A_44, %dot_general3A_49 : vector<640x256xf32>
    %mul3A_51 = vector.broadcast %rsqrt3A : vector<640x1xf32> to vector<640x256xf32>
    %mul3A_52 = arith.mulf %add3A_50, %mul3A_51 : vector<640x256xf32>
    %slice3A_53 = vector.extract_strided_slice %mul3A_52 {offsets = [0, 0], sizes = [640, 128], strides = [1, 1]} : vector<640x256xf32> to vector<640x128xf32>
    %swap3A = arith.constant 0 : index
    %swap3A_54 = arith.constant 0 : index
    %swap3A_55 = arith.constant 0 : index
    %swap3A_56 = vector.load %arg9[%swap3A, %swap3A_54, %swap3A_55] : memref<2x640x128xf32, #tpu.memory_space<vmem>>, vector<1x640x128xf32>
    %swap3A_57 = vector.shape_cast %swap3A_56 : vector<1x640x128xf32> to vector<640x128xf32>
    %swap3A_58 = vector.shape_cast %slice3A_53 : vector<640x128xf32> to vector<1x640x128xf32>
    tpu.vector_store %arg9[%swap3A, %swap3A_54, %swap3A_55], %swap3A_58 {strides = array<i32>} : memref<2x640x128xf32, #tpu.memory_space<vmem>>, vector<1x640x128xf32>,
    %slice3A_59 = vector.extract_strided_slice %mul3A_52 {offsets = [0, 128], sizes = [640, 128], strides = [1, 1]} : vector<640x256xf32> to vector<640x128xf32>
    %swap3A_60 = arith.constant 1 : index
    %swap3A_61 = arith.constant 0 : index
    %swap3A_62 = arith.constant 0 : index
    %swap3A_63 = vector.load %arg9[%swap3A_60, %swap3A_61, %swap3A_62] : memref<2x640x128xf32, #tpu.memory_space<vmem>>, vector<1x640x128xf32>
    %swap3A_64 = vector.shape_cast %swap3A_63 : vector<1x640x128xf32> to vector<640x128xf32>
    %swap3A_65 = vector.shape_cast %slice3A_59 : vector<640x128xf32> to vector<1x640x128xf32>
    tpu.vector_store %arg9[%swap3A_60, %swap3A_61, %swap3A_62], %swap3A_65 {strides = array<i32>} : memref<2x640x128xf32, #tpu.memory_space<vmem>>, vector<1x640x128xf32>,
    return
  }
  func.func @transform_0(%arg0: i32) -> (i32, i32) {
    %c0_i32 = arith.constant 0 : i32
    %c0_i32_0 = arith.constant 0 : i32
    return %arg0, %c0_i32 : i32, i32
  }
  func.func @transform_1(%arg0: i32) -> (i32, i32) {
    %add3A = arith.constant 16 : i32
    %add3A_0 = arith.addi %add3A, %arg0 : i32
    %c0_i32 = arith.constant 0 : i32
    %c0_i32_1 = arith.constant 0 : i32
    return %add3A_0, %c0_i32 : i32, i32
  }
  func.func @transform_2(%arg0: i32) -> (i32, i32) {
    %c0_i32 = arith.constant 0 : i32
    %c0_i32_0 = arith.constant 0 : i32
    return %arg0, %c0_i32 : i32, i32
  }
  func.func @transform_3(%arg0: i32) -> (i32, i32) {
    %add3A = arith.constant 16 : i32
    %add3A_0 = arith.addi %add3A, %arg0 : i32
    %c0_i32 = arith.constant 0 : i32
    %c0_i32_1 = arith.constant 0 : i32
    return %add3A_0, %c0_i32 : i32, i32
  }
  func.func @transform_4(%arg0: i32) -> (i32, i32) {
    %c0_i32 = arith.constant 0 : i32
    %c0_i32_0 = arith.constant 0 : i32
    return %arg0, %c0_i32 : i32, i32
  }
  func.func @transform_5(%arg0: i32) -> (i32, i32) {
    %add3A = arith.constant 16 : i32
    %add3A_0 = arith.addi %add3A, %arg0 : i32
    %c0_i32 = arith.constant 0 : i32
    %c0_i32_1 = arith.constant 0 : i32
    return %add3A_0, %c0_i32 : i32, i32
  }
  func.func @transform_6(%arg0: i32) -> (i32, i32) {
    %c0_i32 = arith.constant 0 : i32
    %c0_i32_0 = arith.constant 0 : i32
    %c0_i32_1 = arith.constant 0 : i32
    return %c0_i32, %c0_i32_0 : i32, i32
  }
  func.func @transform_7(%arg0: i32) -> (i32, i32) {
    %c0_i32 = arith.constant 0 : i32
    %c0_i32_0 = arith.constant 0 : i32
    %c0_i32_1 = arith.constant 0 : i32
    return %c0_i32, %c0_i32_0 : i32, i32
  }
  func.func @transform_8(%arg0: i32) -> (i32, i32, i32) {
    %c0_i32 = arith.constant 0 : i32
    %c0_i32_0 = arith.constant 0 : i32
    %c0_i32_1 = arith.constant 0 : i32
    return %c0_i32, %arg0, %c0_i32_0 : i32, i32, i32
  }
}

module attributes {stable_mosaic.version = 14 : i64} {
  func.func @_tc_c_body(%arg0: i32, %arg1: memref<640x128xf32, #tpu.memory_space<vmem>>, %arg2: memref<640x128xf32, #tpu.memory_space<vmem>>, %arg3: memref<640x128xf32, #tpu.memory_space<vmem>>, %arg4: memref<640x128xf32, #tpu.memory_space<vmem>>, %arg5: memref<640x128xf32, #tpu.memory_space<vmem>>, %arg6: memref<640x128xf32, #tpu.memory_space<vmem>>, %arg7: memref<1x256xf32, #tpu.memory_space<vmem>>, %arg8: memref<2x640x128xf32, #tpu.memory_space<vmem>>) attributes {dimension_semantics = [#tpu.dimension_semantics<arbitrary>], iteration_bounds = array<i64: 16>, scalar_prefetch = 0 : i64, scratch_operands = 0 : i64, tpu.core_type = #tpu.core_type<tc>, window_params = [{transform_indices = @transform_0, window_bounds = array<i64: 640, 128>}, {transform_indices = @transform_1, window_bounds = array<i64: 640, 128>}, {transform_indices = @transform_2, window_bounds = array<i64: 640, 128>}, {transform_indices = @transform_3, window_bounds = array<i64: 640, 128>}, {transform_indices = @transform_4, window_bounds = array<i64: 640, 128>}, {transform_indices = @transform_5, window_bounds = array<i64: 640, 128>}, {pipeline_mode = #tpu.pipeline_mode<synchronous>, transform_indices = @transform_6, window_bounds = array<i64: 1, 256>}, {transform_indices = @transform_7, window_bounds = array<i64: 2, 640, 128>}]} {
    %get3A = arith.constant 0 : index
    %get3A_0 = arith.constant 0 : index
    %get3A_1 = vector.load %arg5[%get3A, %get3A_0] : memref<640x128xf32, #tpu.memory_space<vmem>>, vector<640x128xf32>
    %get3A_2 = arith.constant 0 : index
    %get3A_3 = arith.constant 0 : index
    %get3A_4 = vector.load %arg6[%get3A_2, %get3A_3] : memref<640x128xf32, #tpu.memory_space<vmem>>, vector<640x128xf32>
    %slice3A = vector.extract_strided_slice %get3A_1 {offsets = [0, 0], sizes = [640, 1], strides = [1, 1]} : vector<640x128xf32> to vector<640x1xf32>
    %slice3A_5 = vector.extract_strided_slice %get3A_4 {offsets = [0, 0], sizes = [640, 1], strides = [1, 1]} : vector<640x128xf32> to vector<640x1xf32>
    %add3A = arith.addf %slice3A, %slice3A_5 : vector<640x1xf32>
    %add3A_6 = arith.constant 1.000000e+00 : f32
    %add3A_7 = vector.broadcast %add3A_6 : f32 to vector<640x1xf32>
    %add3A_8 = arith.addf %add3A, %add3A_7 : vector<640x1xf32>
    %rsqrt3A = math.rsqrt %add3A_8 : vector<640x1xf32>
    %get3A_9 = arith.constant 0 : index
    %get3A_10 = arith.constant 0 : index
    %get3A_11 = vector.load %arg1[%get3A_9, %get3A_10] : memref<640x128xf32, #tpu.memory_space<vmem>>, vector<640x128xf32>
    %get3A_12 = arith.constant 0 : index
    %get3A_13 = arith.constant 0 : index
    %get3A_14 = vector.load %arg3[%get3A_12, %get3A_13] : memref<640x128xf32, #tpu.memory_space<vmem>>, vector<640x128xf32>
    %add3A_15 = arith.addf %get3A_11, %get3A_14 : vector<640x128xf32>
    %mul3A = vector.broadcast %rsqrt3A : vector<640x1xf32> to vector<640x128xf32>
    %mul3A_16 = arith.mulf %add3A_15, %mul3A : vector<640x128xf32>
    %get3A_17 = arith.constant 0 : index
    %get3A_18 = arith.constant 0 : index
    %get3A_19 = vector.load %arg7[%get3A_17, %get3A_18] : memref<1x256xf32, #tpu.memory_space<vmem>>, vector<1x128xf32>
    %add3A_20 = vector.broadcast %get3A_19 : vector<1x128xf32> to vector<640x128xf32>
    %add3A_21 = arith.addf %mul3A_16, %add3A_20 : vector<640x128xf32>
    %mul3A_22 = arith.constant 5.000000e-01 : f32
    %mul3A_23 = vector.broadcast %mul3A_22 : f32 to vector<640x128xf32>
    %mul3A_24 = arith.mulf %add3A_21, %mul3A_23 : vector<640x128xf32>
    %swap3A = arith.constant 0 : index
    %swap3A_25 = arith.constant 0 : index
    %swap3A_26 = arith.constant 0 : index
    %swap3A_27 = vector.load %arg8[%swap3A, %swap3A_25, %swap3A_26] : memref<2x640x128xf32, #tpu.memory_space<vmem>>, vector<1x640x128xf32>
    %swap3A_28 = vector.shape_cast %swap3A_27 : vector<1x640x128xf32> to vector<640x128xf32>
    %swap3A_29 = vector.shape_cast %mul3A_24 : vector<640x128xf32> to vector<1x640x128xf32>
    tpu.vector_store %arg8[%swap3A, %swap3A_25, %swap3A_26], %swap3A_29 {strides = array<i32>} : memref<2x640x128xf32, #tpu.memory_space<vmem>>, vector<1x640x128xf32>,
    %get3A_30 = arith.constant 0 : index
    %get3A_31 = arith.constant 0 : index
    %get3A_32 = vector.load %arg2[%get3A_30, %get3A_31] : memref<640x128xf32, #tpu.memory_space<vmem>>, vector<640x128xf32>
    %get3A_33 = arith.constant 0 : index
    %get3A_34 = arith.constant 0 : index
    %get3A_35 = vector.load %arg4[%get3A_33, %get3A_34] : memref<640x128xf32, #tpu.memory_space<vmem>>, vector<640x128xf32>
    %add3A_36 = arith.addf %get3A_32, %get3A_35 : vector<640x128xf32>
    %mul3A_37 = vector.broadcast %rsqrt3A : vector<640x1xf32> to vector<640x128xf32>
    %mul3A_38 = arith.mulf %add3A_36, %mul3A_37 : vector<640x128xf32>
    %get3A_39 = arith.constant 0 : index
    %get3A_40 = arith.constant 128 : index
    %get3A_41 = vector.load %arg7[%get3A_39, %get3A_40] : memref<1x256xf32, #tpu.memory_space<vmem>>, vector<1x128xf32>
    %add3A_42 = vector.broadcast %get3A_41 : vector<1x128xf32> to vector<640x128xf32>
    %add3A_43 = arith.addf %mul3A_38, %add3A_42 : vector<640x128xf32>
    %mul3A_44 = arith.constant 5.000000e-01 : f32
    %mul3A_45 = vector.broadcast %mul3A_44 : f32 to vector<640x128xf32>
    %mul3A_46 = arith.mulf %add3A_43, %mul3A_45 : vector<640x128xf32>
    %swap3A_47 = arith.constant 1 : index
    %swap3A_48 = arith.constant 0 : index
    %swap3A_49 = arith.constant 0 : index
    %swap3A_50 = vector.load %arg8[%swap3A_47, %swap3A_48, %swap3A_49] : memref<2x640x128xf32, #tpu.memory_space<vmem>>, vector<1x640x128xf32>
    %swap3A_51 = vector.shape_cast %swap3A_50 : vector<1x640x128xf32> to vector<640x128xf32>
    %swap3A_52 = vector.shape_cast %mul3A_46 : vector<640x128xf32> to vector<1x640x128xf32>
    tpu.vector_store %arg8[%swap3A_47, %swap3A_48, %swap3A_49], %swap3A_52 {strides = array<i32>} : memref<2x640x128xf32, #tpu.memory_space<vmem>>, vector<1x640x128xf32>,
    return
  }
  func.func @transform_0(%arg0: i32) -> (i32, i32) {
    %c0_i32 = arith.constant 0 : i32
    %c0_i32_0 = arith.constant 0 : i32
    return %arg0, %c0_i32 : i32, i32
  }
  func.func @transform_1(%arg0: i32) -> (i32, i32) {
    %add3A = arith.constant 16 : i32
    %add3A_0 = arith.addi %add3A, %arg0 : i32
    %c0_i32 = arith.constant 0 : i32
    %c0_i32_1 = arith.constant 0 : i32
    return %add3A_0, %c0_i32 : i32, i32
  }
  func.func @transform_2(%arg0: i32) -> (i32, i32) {
    %c0_i32 = arith.constant 0 : i32
    %c0_i32_0 = arith.constant 0 : i32
    return %arg0, %c0_i32 : i32, i32
  }
  func.func @transform_3(%arg0: i32) -> (i32, i32) {
    %add3A = arith.constant 16 : i32
    %add3A_0 = arith.addi %add3A, %arg0 : i32
    %c0_i32 = arith.constant 0 : i32
    %c0_i32_1 = arith.constant 0 : i32
    return %add3A_0, %c0_i32 : i32, i32
  }
  func.func @transform_4(%arg0: i32) -> (i32, i32) {
    %c0_i32 = arith.constant 0 : i32
    %c0_i32_0 = arith.constant 0 : i32
    return %arg0, %c0_i32 : i32, i32
  }
  func.func @transform_5(%arg0: i32) -> (i32, i32) {
    %add3A = arith.constant 16 : i32
    %add3A_0 = arith.addi %add3A, %arg0 : i32
    %c0_i32 = arith.constant 0 : i32
    %c0_i32_1 = arith.constant 0 : i32
    return %add3A_0, %c0_i32 : i32, i32
  }
  func.func @transform_6(%arg0: i32) -> (i32, i32) {
    %c0_i32 = arith.constant 0 : i32
    %c0_i32_0 = arith.constant 0 : i32
    %c0_i32_1 = arith.constant 0 : i32
    return %c0_i32, %c0_i32_0 : i32, i32
  }
  func.func @transform_7(%arg0: i32) -> (i32, i32, i32) {
    %c0_i32 = arith.constant 0 : i32
    %c0_i32_0 = arith.constant 0 : i32
    %c0_i32_1 = arith.constant 0 : i32
    return %c0_i32, %arg0, %c0_i32_0 : i32, i32, i32
  }
}

</mosaic_0001>

<sc_bundles>
// kernel: kernel.10.cloned.1.call-start
scs
__scs_entry_jumppad:
0x0: {  	(pc) =	sbr.rel $0x88, $3  }
0x1: {  	(tag) =	ssettag $0x0;
	lr =	simm.s32 $0x1  }
0x2: {  	[smem:$0x3F9B] =	sst lr;
	_ =	strace $0xD0000000  }
0x3: {  	_ = 	snop  }
0x4: {  	_ = 	snop  }
0x5: {  	_ = 	snop  }
0x6: {  	_ = 	snop  }
0x7: {  	_ = 	snop  }
__scs_overlays_trampoline_lowered:
0x8: {  	[smem:$0x3FAA] =	sst s0  }
0x9: {  	[smem:$0x3FAB] =	sst s1  }
0xa: {  	[smem:$0x3FAC] =	sst s2  }
0xb: {  	[smem:$0x3FAD] =	sst s3  }
0xc: {  	[smem:$0x3FAE] =	sst s4  }
0xd: {  	[smem:$0x3FAF] =	sst s5  }
0xe: {  	[smem:$0x3FB0] =	sst s6  }
0xf: {  	[smem:$0x3FB1] =	sst s7  }
0x10: {  	[smem:$0x3FB2] =	sst s8  }
0x11: {  	[smem:$0x3FB3] =	sst s9;
	s0 =	simm.s32 @!p0 $0x0  }
0x12: {  	s1 =	sld [smem:$0x3F99];
	s0 =	simm.s32 @p0 $0x1  }
0x13: {  	[smem:$0x3FB4] =	sst s0;
	s0 =	simm.s32 @!p1 $0x0  }
0x14: {  	s2 =	sld [smem:$0x3F98];
	s0 =	simm.s32 @p1 $0x1  }
0x15: {  	[smem:$0x3FB5] =	sst s0;
	s0 =	simm.s32 @!p2 $0x0  }
0x16: {  	s3 =	sld [smem:$0x3FDB];
	s0 =	simm.s32 @p2 $0x1  }
0x17: {  	s4 =	simm.s32 $0x1BF5;
	[smem:$0x3FB7] =	sst s0  }
0x18: {  	s0 =	sld [smem:$0x3F9A];
	_ =	swait.ge [sflag:s4], $0x0  }
0x19: {  	s7 =	sld [smem:$0x3F9B]  }
0x1a: {  	s8 =	sadd.s32 $0xFFFFE003, lr  }
0x1b: {  	s9 =	sadd.s32 $0xFFFFFEF7, lr;
	s5 =	simm.s32 $0xFFFFFFFF;
	p2 =	slt.u32 s8, $0xFFFFF086  }
0x1c: {  	p1 =	slt.u32 s9, $0xF7A;
	s5 =	simm.s32 @!p2 $0x0  }
0x1d: {  	s5 =	simm.s32 @p1 $0x1;
	p0 =	seq.s32 s7, s2  }
0x1e: {  	s7 =	smul.u32 @!p0 $0xF7A, s2;
	p2 =	seq.s32 @!p0 s5, $0x0  }
0x1f: {  	s9 =	smul.u32 $0xF7A, s1;
	s8 =	simm.s32 @!p0 $0x1BF5;
	p2 =	por !p2, p0  }
0x20: {  	[sflag:s8] =	ssyncset.s32 @!p0 $0xFFFFF086;
	s6 =	sadd.s32 @!p0 s3, s7;
	s7 =	simm.s32 @!p0 $0x108  }
0x21: {  	s3 =	sadd.s32 s3, s9;
	s6 =	sadd.s32 @!p0 $0x88, s6;
	s7 =	simm.s32 @p2 $0x1082  }
0x22: {  	[simem:s7], [sflag:s8] =	dma.local @!p0 [hbm:s6], $0xF7A  }
0x23: {  	s9 =	sor.u32 $0xD0000000, s2;
	s6 =	simm.s32 $0x108;
	_ =	swait.ge @!p0 [sflag:s8], $0x0  }
0x24: {  	s3 =	sadd.s32 $0x88, s3;
	s6 =	simm.s32 @!p1 $0x1082;
	[sflag:s4] =	ssyncset.s32 $0xFFFFF086  }
0x25: {  	[simem:s6], [sflag:s4] =	dma.local [hbm:s3], $0xF7A  }
0x26: {  	[smem:$0x3F9B] =	sst s1;
	(tag) =	ssettag s2;
	_ =	strace s9  }
0x27: {  	s1 =	sld [smem:$0x3FAB]  }
0x28: {  	s2 =	sld [smem:$0x3FAC]  }
0x29: {  	s4 =	sld [smem:$0x3FAE]  }
0x2a: {  	p0 =	seq.s32 s5, $0x0;
	s5 =	sld [smem:$0x3FAF]  }
0x2b: {  	s6 =	sld [smem:$0x3FB0]  }
0x2c: {  	s7 =	sld [smem:$0x3FB1]  }
0x2d: {  	s3 =	simm.s32 $0x108;
	s8 =	sld [smem:$0x3FB2]  }
0x2e: {  	s3 =	simm.s32 @!p0 $0x1082;
	s9 =	sld [smem:$0x3FB3]  }
0x2f: {  	lr =	sadd.s32 s0, s3;
	s0 =	sld [smem:$0x3FAA]  }
0x30: {  	s3 =	sld [smem:$0x3FAD]  }
0x31: {  	[smem:$0x3FB6] =	sst s10  }
0x32: {  	s10 =	sld [smem:$0x3FB4];
	_ =	sdelay $0x3  }
0x33: {  	p0 =	seq.s32 s10, $0x1;
	s10 =	sld [smem:$0x3FB6];
	_ =	sdelay $0x3  }
0x34: {  	[smem:$0x3FB6] =	sst s10  }
0x35: {  	s10 =	sld [smem:$0x3FB5];
	_ =	sdelay $0x3  }
0x36: {  	p1 =	seq.s32 s10, $0x1;
	s10 =	sld [smem:$0x3FB6];
	_ =	sdelay $0x3  }
0x37: {  	[smem:$0x3FB6] =	sst s10  }
0x38: {  	s10 =	sld [smem:$0x3FB7]  }
0x39: {  	_ = 	snop;
	(pc) =	sbr.ind lr, $3  }
0x3a: {  	_ = 	snop  }
0x3b: {  	_ = 	snop  }
0x3c: {  	p2 =	seq.s32 s10, $0x1;
	s10 =	sld [smem:$0x3FB6]  }
0x3d: {  	_ =	shalt  }
0x3e: {  	_ =	shalt  }
0x3f: {  	_ =	shalt  }
0x40: {  	_ =	shalt  }
0x41: {  	_ =	shalt  }
0x42: {  	_ =	shalt  }
0x43: {  	_ =	shalt  }
0x44: {  	_ =	shalt  }
0x45: {  	_ =	shalt  }
0x46: {  	_ =	shalt  }
0x47: {  	_ =	shalt  }
0x48: {  	_ =	shalt  }
0x49: {  	_ =	shalt  }
0x4a: {  	_ =	shalt  }
0x4b: {  	_ =	shalt  }
0x4c: {  	_ =	shalt  }
0x4d: {  	_ =	shalt  }
0x4e: {  	_ =	shalt  }
0x4f: {  	_ =	shalt  }
0x50: {  	_ =	shalt  }
0x51: {  	_ =	shalt  }
0x52: {  	_ =	shalt  }
0x53: {  	_ =	shalt  }
0x54: {  	_ =	shalt  }
0x55: {  	_ =	shalt  }
0x56: {  	_ =	shalt  }
0x57: {  	_ =	shalt  }
0x58: {  	_ =	shalt  }
0x59: {  	_ =	shalt  }
0x5a: {  	_ =	shalt  }
0x5b: {  	_ =	shalt  }
0x5c: {  	_ =	shalt  }
0x5d: {  	_ =	shalt  }
0x5e: {  	_ =	shalt  }
0x5f: {  	_ =	shalt  }
0x60: {  	_ =	shalt  }
0x61: {  	_ =	shalt  }
0x62: {  	_ =	shalt  }
0x63: {  	_ =	shalt  }
0x64: {  	_ =	shalt  }
0x65: {  	_ =	shalt  }
0x66: {  	_ =	shalt  }
0x67: {  	_ =	shalt  }
0x68: {  	_ =	shalt  }
0x69: {  	_ =	shalt  }
0x6a: {  	_ =	shalt  }
0x6b: {  	_ =	shalt  }
0x6c: {  	_ =	shalt  }
0x6d: {  	_ =	shalt  }
0x6e: {  	_ =	shalt  }
0x6f: {  	_ =	shalt  }
0x70: {  	_ =	shalt  }
0x71: {  	_ =	shalt  }
0x72: {  	_ =	shalt  }
0x73: {  	_ =	shalt  }
0x74: {  	_ =	shalt  }
0x75: {  	_ =	shalt  }
0x76: {  	_ =	shalt  }
0x77: {  	_ =	shalt  }
0x78: {  	_ =	shalt  }
0x79: {  	_ =	shalt  }
0x7a: {  	_ =	shalt  }
0x7b: {  	_ =	shalt  }
0x7c: {  	_ =	shalt  }
0x7d: {  	_ =	shalt  }
0x7e: {  	_ =	shalt  }
0x7f: {  	_ =	shalt  }
0x80: {  	_ =	shalt  }
0x81: {  	_ =	shalt  }
0x82: {  	_ =	shalt  }
0x83: {  	_ =	shalt  }
0x84: {  	_ =	shalt  }
0x85: {  	_ =	shalt  }
0x86: {  	_ =	shalt  }
0x87: {  	_ =	shalt  }
.Lfunc_end0:
.L_simem_size_0:
called_computation_lowered:
.L_overlay_start_0:
0x88: {  	s2 =	sld [smem:$0x3FD9]  }
0x89: {  	s3 =	sld [smem:$0x3FFE];
	_ =	sdelay $0x1  }
0x8a: {  	s1 =	srdreg.scid  }
0x8b: {  	s0 =	sand.u32 $0x1, s1  }
0x8c: {  	s17 =	sshll.u32 s0, $0xA;
	s2 =	sadd.s32 s3, s2  }
0x8d: {  	s2 =	sadd.s32 s2, s17  }
0x8e: {  	[smem:$0x3FC2] =	sst s2  }
0x8f: {  	_ = 	snop  }
0x90: {  	s2 =	sld [smem:$0x3FD0];
	(tm) =	ssettm $0x1  }
0x91: {  	s18 =	sld [smem:$0x3FFB];
	_ =	sdelay $0x3  }
0x92: {  	_ =	strace s18  }
0x93: {  	s3 =	sld [smem:$0x3FFC];
	_ =	sdelay $0x3  }
0x94: {  	_ =	strace s3  }
0x95: {  	s3 =	sld [smem:$0x3FFD];
	_ =	sdelay $0x3  }
0x96: {  	_ =	strace s3  }
0x97: {  	_ =	strace $0x8FFFFFFF  }
0x98: {  	s19 =	sld [smem:$0x3FDB];
	_ =	sdelay $0x1  }
0x99: {  	s4 =	simm.s32 $_scs_section_size  }
0x9a: {  	s5 =	simm.s32 $_size__tile_overlayer_lowered;
	s6 =	simm.s32 $_tile_overlayer_lowered  }
0x9b: {  	s22 =	simm.s32 $0x1BFF;
	s21 =	sshll.u32 s6, $0x1;
	s3 =	sadd.s32 s4, s19  }
0x9c: {  	s7 =	simm.s32 $0x0;
	s20 =	sshll.u32 s5, $0x1;
	s5 =	sadd.s32 s21, s3  }
0x9d: {  	[timem:s7], [sflag:s22] =	dma.local [hbm:s5], s20  }
0x9e: {  	_ =	swait.ge [sflag:s22], s20  }
0x9f: {  	s4 =	ssub.s32 $0x0, s20;
	[sflag:s22] =	ssyncset.done $0x0  }
0xa0: {  	[sflag:s22] =	ssyncadd.s32 s4;
	_ =	sdelay $0x1  }
0xa1: {  	s23 =	simm.s32 $0x1B8B  }
0xa2: {  	_ =	swait.ge [sflag:s23], $0x1  }
0xa3: {  	[sflag:s23] =	ssyncset.done $0x0  }
0xa4: {  	s25 =	simm.s32 $0x1B8E;
	s24 =	sld [smem:$0x3FFE];
	[sflag:s23] =	ssyncadd.s32 $0xFFFFFFFF  }
0xa5: {  	s26 =	simm.s32 $execute0_lowered;
	[smem:$0x3FD2] =	sst s25  }
0xa6: {  	s5 =	sshll.u32 s26, $0x1;
	_ =	strace $0x80000046;
	[dreg:$0x1] =	wrdreg $0xFFFFFFFF  }
0xa7: {  	s28 =	simm.s32 $_size_execute0_lowered;
	s3 =	sadd.s32 s3, s5;
	[dreg:$0x0] =	wrdreg $0x0  }
0xa8: {  	s5 =	sshll.u32 s28, $0x1;
	[dreg:$0x2] =	wrdreg s3  }
0xa9: {  	[dreg:$0x3] =	wrdreg s5  }
0xaa: {  	[dreg:$0x4] =	wrdreg $0xC0  }
0xab: {  	_ =	task [dreg:s7], $0x5FFFF  }
0xac: {  	[dreg:$0x1] =	wrdreg $0xFFFFFFFF  }
0xad: {  	[dreg:$0x0] =	wrdreg $0x60  }
0xae: {  	[dreg:$0x2] =	wrdreg s2  }
0xaf: {  	[dreg:$0x3] =	wrdreg s24  }
0xb0: {  	[dreg:$0x4] =	wrdreg $0x68000  }
0xb1: {  	[dreg:$0x5] =	wrdreg $0x9  }
0xb2: {  	_ =	task.clear_ibuf [dreg:s7], $0x6FFFF;
	_ =	strace $0x90000046  }
0xb3: {  	s29 =	simm.s32 $0x9;
	_ =	strace $0x80000048  }
0xb4: {  	_ =	swait.ge [sflag:s29], $0x1  }
0xb5: {  	[sflag:s29] =	ssyncadd.s32 $0xFFFFFFFF  }
0xb6: {  	_ =	strace $0x90000048  }
0xb7: {  	_ =	sfence  }
0xb8: {  	s30 =	sld [smem:$0x0];
	_ =	sdelay $0x2  }
0xb9: {  	s31 =	sshll.u32 s1, $0xD;
	s1 =	sshrl.u32 s1, $0x2  }
0xba: {  	s3 =	sand.u32 $0x4000, s31;
	s1 =	sadd.s32 s1, s30  }
0xbb: {  	s0 =	sor.u32 s3, s0;
	s1 =	sshll.u32 s1, $0x11  }
0xbc: {  	s0 =	sor.u32 s1, s0  }
0xbd: {  	s0 =	sadd.s32 $0x8F2B, s0  }
0xbe: {  	[sflag:s0] =	ssyncadd.remote.s32 $0x1  }
0xbf: {  	_ =	sfence.sel $0xFFFF  }
0xc0: {  	[dreg:$0x0] =	wrdreg $0xFFFFFFFF;
	(pc) =	sbr.abs _section_cstart, $3  }
0xc1: {  	[dreg:$0x1] =	wrdreg $0xFFFFFFFF  }
0xc2: {  	_ =	task.clear_ibuf [dreg:s7], $0x2FFFF;
	_ =	strace $0x9FFFFFFF  }
0xc3: {  	(tm) =	ssettm $0x7FFFFFFF  }
tec
execute0_lowered:
.L_overlay_start_1:
0x0: {  	(tag) =	ssettag $0x1  }
0x1: {  	s11 =	rddreg [dreg:$0x0]  }
0x2: {  	s4 =	rddreg [dreg:$0x1];
	s1 =	srdreg.scid  }
0x3: {  	s0 =	stileid.u32;
	s2 =	rddreg [dreg:$0x2]  }
0x4: {  	s3 =	simm.s32 $0x0;
	s16 =	simm.s32 $0x2800;
	s17 =	simm.s32 $0x28  }
0x5: {  	s18 =	simm.s32 $0x1;
	s12 =	sand.u32 $0x1, s1;
	s1 =	rddreg [dreg:$0x3]  }
0x6: {  	s21 =	simm.s32 $0x0;
	s5 =	smul.u32 $0x2800, s0;
	[smem:$0x7FF] =	sst s3  }
0x7: {  	s7 =	smul.u32 $0x50000, s0;
	s15 =	sshll.u32 s0, $0xB;
	s19 =	sshll.u32 s0, $0x6  }
0x8: {  	s6 =	smul.u32 $0x28000, s12;
	_ =	strace $0x80000047;
	s8 =	ssub.s32 $0x2, s12  }
0x9: {  	s12 =	sshll.u32 s12, $0xF;
	s15 =	sadd.s32 s11, s15;
	s19 =	sor.u32 $0x1C02, s19  }
0xa: {  	s31 =	sshrl.u32 s8, $0x1;
	s7 =	sshrl.u32 s7, $0x2;
	s12 =	sadd.s32 s12, s15  }
0xb: {  	s15 =	simm.s32 $0x2;
	s5 =	sadd.s32 s5, s6;
	s14 =	ssub.s32 s8, s31  }
0xc: {  	s13 =	sadd.s32 s5, s4;
	s4 =	sadd.s32 s7, s2;
	s14 =	smax.u32 s14, $0x1  }
0xd: {  	s5 =	sadd.s32 $0x2800, s4;
	s6 =	sadd.s32 $0x5000, s4;
	s7 =	sadd.s32 $0x7800, s4  }
0xe: {  	s8 =	sadd.s32 $0xA000, s4;
	s9 =	sadd.s32 $0xC800, s4;
	s10 =	sadd.s32 $0xF000, s4  }
0xf: {  	v0 =	vimm.f32 $0.0e+00;
	v1 =	vimm.f32 $1.000000000e+00;
	s11 =	sadd.s32 $0x11800, s4;
	s13 =	sadd.s32 $0x2A00, s13;
	s20 =	sshrl.u32 s4, $0x3  }
.LBB2_1:
0x10: {  	s22 =	simm.s32 $0x0;
	s23 =	simm.s32 $0x200  }
.LBB2_2:
0x11: {  	p0 =	sne.s32 s23, $0x9E00;
	[tilespmem:s22+$0x70] =	vst v0  }
0x12: {  	[tilespmem:s22+$0x0] =	vst v0  }
0x13: {  	[tilespmem:s22+$0x10] =	vst v0  }
.Ltmp0:
0x14: {  	[tilespmem:s22+$0x20] =	vst v0;
	(pc) =	sbr.rel @p0 .LBB2_2-.Ltmp0, $4  }
0x15: {  	[tilespmem:s22+$0x30] =	vst v0  }
0x16: {  	[tilespmem:s22+$0x40] =	vst v0  }
0x17: {  	[tilespmem:s22+$0x50] =	vst v0  }
0x18: {  	[tilespmem:s22+$0x60] =	vst v0;
	s22 =	sshra.s32 s23, $0x2;
	s23 =	sadd.s32 $0x200, s23  }
0x19: {  	[tilespmem:s22+$0x70] =	vst v0  }
0x1a: {  	[tilespmem:s22+$0x0] =	vst v0  }
0x1b: {  	[tilespmem:s22+$0x10] =	vst v0  }
0x1c: {  	[tilespmem:s22+$0x20] =	vst v0  }
0x1d: {  	[tilespmem:s22+$0x30] =	vst v0  }
0x1e: {  	[tilespmem:s22+$0x40] =	vst v0  }
0x1f: {  	[tilespmem:s22+$0x50] =	vst v0  }
0x20: {  	[tilespmem:s22+$0x60] =	vst v0;
	s31 =	simm.s32 $0x0  }
0x21: {  	[spmem:s4] =	stream.linear.scatter [tilespmem:s31], [sflag:$0x2], $0x2800, $0x38;
	[tilespmem:$0x1A800] =	vst v63  }
0x22: {  	_ =	swait.ge [sflag:s15], $0x2800  }
0x23: {  	[sflag:s15] =	ssyncset.done $0x0  }
0x24: {  	[sflag:s15] =	ssyncadd.s32 $0xFFFFD800  }
0x25: {  	[spmem:s5] =	stream.linear.scatter [tilespmem:s31], [sflag:$0x2], $0x2800, $0x38;
	[tilespmem:$0x1A800] =	vst v63  }
0x26: {  	_ =	swait.ge [sflag:s15], $0x2800  }
0x27: {  	[sflag:s15] =	ssyncset.done $0x0  }
0x28: {  	[sflag:s15] =	ssyncadd.s32 $0xFFFFD800  }
0x29: {  	[spmem:s6] =	stream.linear.scatter [tilespmem:s31], [sflag:$0x2], $0x2800, $0x38;
	[tilespmem:$0x1A800] =	vst v63  }
0x2a: {  	_ =	swait.ge [sflag:s15], $0x2800  }
0x2b: {  	[sflag:s15] =	ssyncset.done $0x0  }
0x2c: {  	[sflag:s15] =	ssyncadd.s32 $0xFFFFD800  }
0x2d: {  	[spmem:s7] =	stream.linear.scatter [tilespmem:s31], [sflag:$0x2], $0x2800, $0x38;
	[tilespmem:$0x1A800] =	vst v63  }
0x2e: {  	_ =	swait.ge [sflag:s15], $0x2800  }
0x2f: {  	[sflag:s15] =	ssyncset.done $0x0  }
0x30: {  	[sflag:s15] =	ssyncadd.s32 $0xFFFFD800  }
0x31: {  	[spmem:s8] =	stream.linear.scatter [tilespmem:s31], [sflag:$0x2], $0x2800, $0x38;
	[tilespmem:$0x1A800] =	vst v63  }
0x32: {  	_ =	swait.ge [sflag:s15], $0x2800  }
0x33: {  	[sflag:s15] =	ssyncset.done $0x0  }
0x34: {  	[sflag:s15] =	ssyncadd.s32 $0xFFFFD800  }
0x35: {  	[spmem:s9] =	stream.linear.scatter [tilespmem:s31], [sflag:$0x2], $0x2800, $0x38;
	[tilespmem:$0x1A800] =	vst v63  }
0x36: {  	_ =	swait.ge [sflag:s15], $0x2800  }
0x37: {  	[sflag:s15] =	ssyncset.done $0x0  }
0x38: {  	[sflag:s15] =	ssyncadd.s32 $0xFFFFD800  }
0x39: {  	[spmem:s10] =	stream.linear.scatter [tilespmem:s31], [sflag:$0x2], $0x2800, $0x38;
	[tilespmem:$0x1A800] =	vst v63  }
0x3a: {  	_ =	swait.ge [sflag:s15], $0x2800  }
0x3b: {  	[sflag:s15] =	ssyncset.done $0x0  }
0x3c: {  	[sflag:s15] =	ssyncadd.s32 $0xFFFFD800  }
0x3d: {  	[spmem:s11] =	stream.linear.scatter [tilespmem:s31], [sflag:$0x2], $0x2800, $0x38;
	[tilespmem:$0x1A800] =	vst v63  }
0x3e: {  	_ =	swait.ge [sflag:s15], $0x2800  }
0x3f: {  	[sflag:s15] =	ssyncset.done $0x0  }
0x40: {  	[sflag:s15] =	ssyncadd.s32 $0xFFFFD800  }
0x41: {  	[tilespmem:s16], [sflag:$0x2] =	stream.linear.gather [hbm4b:s12+s31], $0x3E80, $0x38;
	[tilespmem:$0x1A800] =	vst v63  }
0x42: {  	_ =	swait.ge [sflag:s15], $0x3E80  }
0x43: {  	[sflag:s15] =	ssyncset.done $0x0  }
0x44: {  	s22 =	simm.s32 $0x0;
	s23 =	simm.s32 $0x200;
	[sflag:s15] =	ssyncadd.s32 $0xFFFFC180  }
.LBB2_4:
0x45: {  	p0 =	sne.s32 s23, $0x4E00;
	[tilespmem:s22+$0x70] =	vst v1  }
0x46: {  	[tilespmem:s22+$0x0] =	vst v1  }
0x47: {  	[tilespmem:s22+$0x10] =	vst v1  }
.Ltmp1:
0x48: {  	[tilespmem:s22+$0x20] =	vst v1;
	(pc) =	sbr.rel @p0 .LBB2_4-.Ltmp1, $4  }
0x49: {  	[tilespmem:s22+$0x30] =	vst v1  }
0x4a: {  	[tilespmem:s22+$0x40] =	vst v1  }
0x4b: {  	[tilespmem:s22+$0x50] =	vst v1  }
0x4c: {  	[tilespmem:s22+$0x60] =	vst v1;
	s22 =	sshra.s32 s23, $0x2;
	s23 =	sadd.s32 $0x200, s23  }
0x4d: {  	[tilespmem:s22+$0x70] =	vst v1  }
0x4e: {  	[tilespmem:s22+$0x0] =	vst v1  }
0x4f: {  	[tilespmem:s22+$0x10] =	vst v1  }
0x50: {  	[tilespmem:s22+$0x20] =	vst v1  }
0x51: {  	[tilespmem:s22+$0x30] =	vst v1  }
0x52: {  	[tilespmem:s22+$0x40] =	vst v1  }
0x53: {  	[tilespmem:s22+$0x50] =	vst v1  }
0x54: {  	[tilespmem:s22+$0x60] =	vst v1  }
0x55: {  	s26 =	simm.s32 $0x2800;
	[bflag:$0x0] =	sbarrier.arrive $0xFFFF  }
0x56: {  	[spmem:s2] =	stream.indirect.scatter.add.f32 [tilespmem:s3], [sflag:$0x1], $0x80, s26, s17, $0xb8;
	[tilespmem:$0x1A800] =	vst v63  }
0x57: {  	s28 =	simm.s32 $0x2880  }
0x58: {  	[spmem:s2] =	stream.indirect.scatter.add.f32 [tilespmem:s3], [sflag:$0x1], $0x80, s28, s17, $0xb8;
	[tilespmem:$0x1A800] =	vst v63  }
0x59: {  	s29 =	simm.s32 $0x2900  }
0x5a: {  	[spmem:s2] =	stream.indirect.scatter.add.f32 [tilespmem:s3], [sflag:$0x1], $0x80, s29, s17, $0xb8;
	[tilespmem:$0x1A800] =	vst v63  }
0x5b: {  	s30 =	simm.s32 $0x2980  }
0x5c: {  	[spmem:s2] =	stream.indirect.scatter.add.f32 [tilespmem:s3], [sflag:$0x1], $0x80, s30, s17, $0xb8;
	[tilespmem:$0x1A800] =	vst v63  }
0x5d: {  	s31 =	simm.s32 $0x2A00  }
0x5e: {  	[spmem:s2] =	stream.indirect.scatter.add.f32 [tilespmem:s3], [sflag:$0x1], $0x80, s31, s17, $0xb8;
	[tilespmem:$0x1A800] =	vst v63  }
0x5f: {  	_ =	swait.ge [sflag:s18], $0x1400  }
0x60: {  	[sflag:s18] =	ssyncset.done $0x0  }
0x61: {  	[sflag:s18] =	ssyncadd.s32 $0xFFFFEC00  }
0x62: {  	_ =	swait.ge [sflag:s18], $0x1400  }
0x63: {  	[sflag:s18] =	ssyncset.done $0x0  }
0x64: {  	[sflag:s18] =	ssyncadd.s32 $0xFFFFEC00  }
0x65: {  	_ =	swait.ge [sflag:s18], $0x1400  }
0x66: {  	[sflag:s18] =	ssyncset.done $0x0  }
0x67: {  	[sflag:s18] =	ssyncadd.s32 $0xFFFFEC00  }
0x68: {  	_ =	swait.ge [sflag:s18], $0x1400  }
0x69: {  	[sflag:s18] =	ssyncset.done $0x0  }
0x6a: {  	[sflag:s18] =	ssyncadd.s32 $0xFFFFEC00  }
0x6b: {  	_ =	swait.ge [sflag:s18], $0x1400  }
0x6c: {  	s23 =	simm.s32 $0x1400;
	s22 =	simm.s32 $0x280;
	[sflag:s18] =	ssyncset.done $0x0  }
.LBB2_6:
0x6d: {  	s24 =	sadd.s32 $0x2800, s22  }
0x6e: {  	[sflag:s18] =	ssyncadd.s32 $0xFFFFEC00;
	s25 =	smov.u32 s23;
	s26 =	sadd.s32 $0xA00, s23  }
0x6f: {  	[spmem:s2] =	stream.indirect.scatter.add.f32 [tilespmem:s3], [sflag:$0x1], $0x80, s24, s17, $0xb8;
	[tilespmem:$0x1A800] =	vst v63  }
0x70: {  	p0 =	sne.s32 s23, $0xF000;
	s23 =	sadd.s32 $0x2880, s22  }
0x71: {  	[spmem:s2] =	stream.indirect.scatter.add.f32 [tilespmem:s3], [sflag:$0x1], $0x80, s23, s17, $0xb8;
	[tilespmem:$0x1A800] =	vst v63  }
0x72: {  	s23 =	sadd.s32 $0x2900, s22  }
0x73: {  	[spmem:s2] =	stream.indirect.scatter.add.f32 [tilespmem:s3], [sflag:$0x1], $0x80, s23, s17, $0xb8;
	[tilespmem:$0x1A800] =	vst v63  }
0x74: {  	s23 =	sadd.s32 $0x2980, s22  }
0x75: {  	[spmem:s2] =	stream.indirect.scatter.add.f32 [tilespmem:s3], [sflag:$0x1], $0x80, s23, s17, $0xb8;
	[tilespmem:$0x1A800] =	vst v63  }
0x76: {  	s22 =	sadd.s32 $0x2A00, s22  }
0x77: {  	[spmem:s2] =	stream.indirect.scatter.add.f32 [tilespmem:s3], [sflag:$0x1], $0x80, s22, s17, $0xb8;
	[tilespmem:$0x1A800] =	vst v63  }
0x78: {  	_ =	swait.ge [sflag:s18], $0x1400  }
0x79: {  	[sflag:s18] =	ssyncset.done $0x0  }
0x7a: {  	[sflag:s18] =	ssyncadd.s32 $0xFFFFEC00  }
0x7b: {  	_ =	swait.ge [sflag:s18], $0x1400  }
0x7c: {  	[sflag:s18] =	ssyncset.done $0x0  }
0x7d: {  	[sflag:s18] =	ssyncadd.s32 $0xFFFFEC00  }
0x7e: {  	_ =	swait.ge [sflag:s18], $0x1400  }
0x7f: {  	[sflag:s18] =	ssyncset.done $0x0  }
0x80: {  	[sflag:s18] =	ssyncadd.s32 $0xFFFFEC00  }
.Ltmp2:
0x81: {  	_ =	swait.ge [sflag:s18], $0x1400;
	(pc) =	sbr.rel @p0 .LBB2_6-.Ltmp2, $4  }
0x82: {  	[sflag:s18] =	ssyncset.done $0x0  }
0x83: {  	[sflag:s18] =	ssyncadd.s32 $0xFFFFEC00  }
0x84: {  	_ =	swait.ge [sflag:s18], $0x1400  }
0x85: {  	s23 =	smov.u32 s26;
	s22 =	sshra.s32 s25, $0x2;
	[sflag:s18] =	ssyncset.done $0x0  }
0x86: {  	s23 =	sadd.s32 $0x2800, s22;
	[sflag:s18] =	ssyncadd.s32 $0xFFFFEC00  }
0x87: {  	[spmem:s2] =	stream.indirect.scatter.add.f32 [tilespmem:s3], [sflag:$0x1], $0x80, s23, s17, $0xb8;
	[tilespmem:$0x1A800] =	vst v63  }
0x88: {  	s28 =	sadd.s32 $0x2880, s22  }
0x89: {  	[spmem:s2] =	stream.indirect.scatter.add.f32 [tilespmem:s3], [sflag:$0x1], $0x80, s28, s17, $0xb8;
	[tilespmem:$0x1A800] =	vst v63  }
0x8a: {  	s29 =	sadd.s32 $0x2900, s22  }
0x8b: {  	[spmem:s2] =	stream.indirect.scatter.add.f32 [tilespmem:s3], [sflag:$0x1], $0x80, s29, s17, $0xb8;
	[tilespmem:$0x1A800] =	vst v63  }
0x8c: {  	s30 =	sadd.s32 $0x2980, s22  }
0x8d: {  	[spmem:s2] =	stream.indirect.scatter.add.f32 [tilespmem:s3], [sflag:$0x1], $0x80, s30, s17, $0xb8;
	[tilespmem:$0x1A800] =	vst v63  }
0x8e: {  	s31 =	sadd.s32 $0x2A00, s22  }
0x8f: {  	[spmem:s2] =	stream.indirect.scatter.add.f32 [tilespmem:s3], [sflag:$0x1], $0x80, s31, s17, $0xb8;
	[tilespmem:$0x1A800] =	vst v63  }
0x90: {  	_ =	swait.ge [sflag:s18], $0x1400  }
0x91: {  	[sflag:s18] =	ssyncset.done $0x0  }
0x92: {  	[sflag:s18] =	ssyncadd.s32 $0xFFFFEC00  }
0x93: {  	_ =	swait.ge [sflag:s18], $0x1400  }
0x94: {  	[sflag:s18] =	ssyncset.done $0x0  }
0x95: {  	[sflag:s18] =	ssyncadd.s32 $0xFFFFEC00  }
0x96: {  	_ =	swait.ge [sflag:s18], $0x1400  }
0x97: {  	[sflag:s18] =	ssyncset.done $0x0  }
0x98: {  	[sflag:s18] =	ssyncadd.s32 $0xFFFFEC00  }
0x99: {  	_ =	swait.ge [sflag:s18], $0x1400  }
0x9a: {  	[sflag:s18] =	ssyncset.done $0x0  }
0x9b: {  	[sflag:s18] =	ssyncadd.s32 $0xFFFFEC00  }
0x9c: {  	_ =	swait.ge [sflag:s18], $0x1400  }
0x9d: {  	s21 =	sadd.s32 $0x1, s21;
	[sflag:s18] =	ssyncset.done $0x0  }
0x9e: {  	p0 =	sne.s32 s21, s14;
	[sflag:s18] =	ssyncadd.s32 $0xFFFFEC00  }
.Ltmp3:
0x9f: {  	[bflag:$0x0] =	sbarrier.arrive $0xFFFF;
	(pc) =	sbr.rel @p0 .LBB2_1-.Ltmp3, $4  }
0xa0: {  	[hbm:s13], [sflag:s19] =	dma.local [spmem:s20], $0x2800  }
0xa1: {  	_ =	swait.ge [sflag:s15], $0x2800  }
0xa2: {  	[sflag:s15] =	ssyncset.done $0x0  }
0xa3: {  	[sflag:s15] =	ssyncadd.s32 $0xFFFFD800  }
0xa4: {  	_ =	sfence.sel $0x180000  }
0xa5: {  	[bflag:$0x0] =	sbarrier.arrive $0xFFFF  }
0xa6: {  	p0 =	sne.s32 s0, $0x0;
	_ =	strace $0x90000047  }
0xa7: {  	s0 =	sadd.s32 @!p0 $0x100000, s1;
	[bflag:$0x2] =	sbarrier.arrive $0xFFFF  }
0xa8: {  	[sflag:s0] =	ssyncadd.tile.s32 @!p0 $0x1;
	_ =	shalt  }
.Lfunc_end2:
_tile_overlayer_lowered:
.L_overlay_start_2:
0xa9: {  	(tag) =	ssettag $0x2  }
0xaa: {  	s0 =	rddreg [dreg:$0x0];
	s2 =	stileid.u32  }
0xab: {  	s1 =	rddreg [dreg:$0x1];
	p0 =	sne.s32 s2, $0x0  }
0xac: {  	s3 =	rddreg [dreg:$0x2];
	[bflag:$0x3] =	sbarrier.arrive $0xFFFF;
	s2 =	simm.s32 @!p0 $0x1C02  }
0xad: {  	[timem:s3], [sflag:s2] =	dma.local @!p0 [hbm:s0], s1  }
0xae: {  	s0 =	simm.s32 @!p0 $0x2  }
0xaf: {  	_ =	swait.ge @!p0 [sflag:s0], s1  }
0xb0: {  	s1 =	ssub.s32 @!p0 $0x0, s1;
	[sflag:s0] =	ssyncset.done @!p0 $0x0  }
0xb1: {  	[sflag:s0] =	ssyncadd.s32 @!p0 s1  }
0xb2: {  	[bflag:$0x3] =	sbarrier.arrive $0xFFFF  }
0xb3: {  	_ =	shalt  }

// kernel: kernel.13.cloned.1.call-start
scs
__scs_entry_jumppad:
0x0: {  	(pc) =	sbr.rel $0x88, $3  }
0x1: {  	(tag) =	ssettag $0x0;
	lr =	simm.s32 $0x1  }
0x2: {  	[smem:$0x3F9B] =	sst lr;
	_ =	strace $0xD0000000  }
0x3: {  	_ = 	snop  }
0x4: {  	_ = 	snop  }
0x5: {  	_ = 	snop  }
0x6: {  	_ = 	snop  }
0x7: {  	_ = 	snop  }
__scs_overlays_trampoline_lowered:
0x8: {  	[smem:$0x3FAA] =	sst s0  }
0x9: {  	[smem:$0x3FAB] =	sst s1  }
0xa: {  	[smem:$0x3FAC] =	sst s2  }
0xb: {  	[smem:$0x3FAD] =	sst s3  }
0xc: {  	[smem:$0x3FAE] =	sst s4  }
0xd: {  	[smem:$0x3FAF] =	sst s5  }
0xe: {  	[smem:$0x3FB0] =	sst s6  }
0xf: {  	[smem:$0x3FB1] =	sst s7  }
0x10: {  	[smem:$0x3FB2] =	sst s8  }
0x11: {  	[smem:$0x3FB3] =	sst s9;
	s0 =	simm.s32 @!p0 $0x0  }
0x12: {  	s1 =	sld [smem:$0x3F99];
	s0 =	simm.s32 @p0 $0x1  }
0x13: {  	[smem:$0x3FB4] =	sst s0;
	s0 =	simm.s32 @!p1 $0x0  }
0x14: {  	s2 =	sld [smem:$0x3F98];
	s0 =	simm.s32 @p1 $0x1  }
0x15: {  	[smem:$0x3FB5] =	sst s0;
	s0 =	simm.s32 @!p2 $0x0  }
0x16: {  	s3 =	sld [smem:$0x3FDB];
	s0 =	simm.s32 @p2 $0x1  }
0x17: {  	s4 =	simm.s32 $0x1BF5;
	[smem:$0x3FB7] =	sst s0  }
0x18: {  	s0 =	sld [smem:$0x3F9A];
	_ =	swait.ge [sflag:s4], $0x0  }
0x19: {  	s7 =	sld [smem:$0x3F9B]  }
0x1a: {  	s8 =	sadd.s32 $0xFFFFE003, lr  }
0x1b: {  	s9 =	sadd.s32 $0xFFFFFEF7, lr;
	s5 =	simm.s32 $0xFFFFFFFF;
	p2 =	slt.u32 s8, $0xFFFFF086  }
0x1c: {  	p1 =	slt.u32 s9, $0xF7A;
	s5 =	simm.s32 @!p2 $0x0  }
0x1d: {  	s5 =	simm.s32 @p1 $0x1;
	p0 =	seq.s32 s7, s2  }
0x1e: {  	s7 =	smul.u32 @!p0 $0xF7A, s2;
	p2 =	seq.s32 @!p0 s5, $0x0  }
0x1f: {  	s9 =	smul.u32 $0xF7A, s1;
	s8 =	simm.s32 @!p0 $0x1BF5;
	p2 =	por !p2, p0  }
0x20: {  	[sflag:s8] =	ssyncset.s32 @!p0 $0xFFFFF086;
	s6 =	sadd.s32 @!p0 s3, s7;
	s7 =	simm.s32 @!p0 $0x108  }
0x21: {  	s3 =	sadd.s32 s3, s9;
	s6 =	sadd.s32 @!p0 $0x88, s6;
	s7 =	simm.s32 @p2 $0x1082  }
0x22: {  	[simem:s7], [sflag:s8] =	dma.local @!p0 [hbm:s6], $0xF7A  }
0x23: {  	s9 =	sor.u32 $0xD0000000, s2;
	s6 =	simm.s32 $0x108;
	_ =	swait.ge @!p0 [sflag:s8], $0x0  }
0x24: {  	s3 =	sadd.s32 $0x88, s3;
	s6 =	simm.s32 @!p1 $0x1082;
	[sflag:s4] =	ssyncset.s32 $0xFFFFF086  }
0x25: {  	[simem:s6], [sflag:s4] =	dma.local [hbm:s3], $0xF7A  }
0x26: {  	[smem:$0x3F9B] =	sst s1;
	(tag) =	ssettag s2;
	_ =	strace s9  }
0x27: {  	s1 =	sld [smem:$0x3FAB]  }
0x28: {  	s2 =	sld [smem:$0x3FAC]  }
0x29: {  	s4 =	sld [smem:$0x3FAE]  }
0x2a: {  	p0 =	seq.s32 s5, $0x0;
	s5 =	sld [smem:$0x3FAF]  }
0x2b: {  	s6 =	sld [smem:$0x3FB0]  }
0x2c: {  	s7 =	sld [smem:$0x3FB1]  }
0x2d: {  	s3 =	simm.s32 $0x108;
	s8 =	sld [smem:$0x3FB2]  }
0x2e: {  	s3 =	simm.s32 @!p0 $0x1082;
	s9 =	sld [smem:$0x3FB3]  }
0x2f: {  	lr =	sadd.s32 s0, s3;
	s0 =	sld [smem:$0x3FAA]  }
0x30: {  	s3 =	sld [smem:$0x3FAD]  }
0x31: {  	[smem:$0x3FB6] =	sst s10  }
0x32: {  	s10 =	sld [smem:$0x3FB4];
	_ =	sdelay $0x3  }
0x33: {  	p0 =	seq.s32 s10, $0x1;
	s10 =	sld [smem:$0x3FB6];
	_ =	sdelay $0x3  }
0x34: {  	[smem:$0x3FB6] =	sst s10  }
0x35: {  	s10 =	sld [smem:$0x3FB5];
	_ =	sdelay $0x3  }
0x36: {  	p1 =	seq.s32 s10, $0x1;
	s10 =	sld [smem:$0x3FB6];
	_ =	sdelay $0x3  }
0x37: {  	[smem:$0x3FB6] =	sst s10  }
0x38: {  	s10 =	sld [smem:$0x3FB7]  }
0x39: {  	_ = 	snop;
	(pc) =	sbr.ind lr, $3  }
0x3a: {  	_ = 	snop  }
0x3b: {  	_ = 	snop  }
0x3c: {  	p2 =	seq.s32 s10, $0x1;
	s10 =	sld [smem:$0x3FB6]  }
0x3d: {  	_ =	shalt  }
0x3e: {  	_ =	shalt  }
0x3f: {  	_ =	shalt  }
0x40: {  	_ =	shalt  }
0x41: {  	_ =	shalt  }
0x42: {  	_ =	shalt  }
0x43: {  	_ =	shalt  }
0x44: {  	_ =	shalt  }
0x45: {  	_ =	shalt  }
0x46: {  	_ =	shalt  }
0x47: {  	_ =	shalt  }
0x48: {  	_ =	shalt  }
0x49: {  	_ =	shalt  }
0x4a: {  	_ =	shalt  }
0x4b: {  	_ =	shalt  }
0x4c: {  	_ =	shalt  }
0x4d: {  	_ =	shalt  }
0x4e: {  	_ =	shalt  }
0x4f: {  	_ =	shalt  }
0x50: {  	_ =	shalt  }
0x51: {  	_ =	shalt  }
0x52: {  	_ =	shalt  }
0x53: {  	_ =	shalt  }
0x54: {  	_ =	shalt  }
0x55: {  	_ =	shalt  }
0x56: {  	_ =	shalt  }
0x57: {  	_ =	shalt  }
0x58: {  	_ =	shalt  }
0x59: {  	_ =	shalt  }
0x5a: {  	_ =	shalt  }
0x5b: {  	_ =	shalt  }
0x5c: {  	_ =	shalt  }
0x5d: {  	_ =	shalt  }
0x5e: {  	_ =	shalt  }
0x5f: {  	_ =	shalt  }
0x60: {  	_ =	shalt  }
0x61: {  	_ =	shalt  }
0x62: {  	_ =	shalt  }
0x63: {  	_ =	shalt  }
0x64: {  	_ =	shalt  }
0x65: {  	_ =	shalt  }
0x66: {  	_ =	shalt  }
0x67: {  	_ =	shalt  }
0x68: {  	_ =	shalt  }
0x69: {  	_ =	shalt  }
0x6a: {  	_ =	shalt  }
0x6b: {  	_ =	shalt  }
0x6c: {  	_ =	shalt  }
0x6d: {  	_ =	shalt  }
0x6e: {  	_ =	shalt  }
0x6f: {  	_ =	shalt  }
0x70: {  	_ =	shalt  }
0x71: {  	_ =	shalt  }
0x72: {  	_ =	shalt  }
0x73: {  	_ =	shalt  }
0x74: {  	_ =	shalt  }
0x75: {  	_ =	shalt  }
0x76: {  	_ =	shalt  }
0x77: {  	_ =	shalt  }
0x78: {  	_ =	shalt  }
0x79: {  	_ =	shalt  }
0x7a: {  	_ =	shalt  }
0x7b: {  	_ =	shalt  }
0x7c: {  	_ =	shalt  }
0x7d: {  	_ =	shalt  }
0x7e: {  	_ =	shalt  }
0x7f: {  	_ =	shalt  }
0x80: {  	_ =	shalt  }
0x81: {  	_ =	shalt  }
0x82: {  	_ =	shalt  }
0x83: {  	_ =	shalt  }
0x84: {  	_ =	shalt  }
0x85: {  	_ =	shalt  }
0x86: {  	_ =	shalt  }
0x87: {  	_ =	shalt  }
.Lfunc_end0:
.L_simem_size_0:
called_computation.1_lowered:
.L_overlay_start_0:
0x88: {  	s2 =	sld [smem:$0x3FD9]  }
0x89: {  	s3 =	sld [smem:$0x3FFE];
	_ =	sdelay $0x1  }
0x8a: {  	s1 =	srdreg.scid  }
0x8b: {  	s0 =	sand.u32 $0x1, s1  }
0x8c: {  	s17 =	sshll.u32 s0, $0xA;
	s2 =	sadd.s32 s3, s2  }
0x8d: {  	s2 =	sadd.s32 s2, s17  }
0x8e: {  	[smem:$0x3FC2] =	sst s2  }
0x8f: {  	_ = 	snop  }
0x90: {  	s2 =	sld [smem:$0x3FD0];
	(tm) =	ssettm $0x1  }
0x91: {  	s18 =	sld [smem:$0x3FFB];
	_ =	sdelay $0x3  }
0x92: {  	_ =	strace s18  }
0x93: {  	s3 =	sld [smem:$0x3FFC];
	_ =	sdelay $0x3  }
0x94: {  	_ =	strace s3  }
0x95: {  	s3 =	sld [smem:$0x3FFD];
	_ =	sdelay $0x3  }
0x96: {  	_ =	strace s3  }
0x97: {  	_ =	strace $0x8FFFFFFF  }
0x98: {  	s19 =	sld [smem:$0x3FDB];
	_ =	sdelay $0x1  }
0x99: {  	s4 =	simm.s32 $_scs_section_size  }
0x9a: {  	s5 =	simm.s32 $_size__tile_overlayer_lowered;
	s6 =	simm.s32 $_tile_overlayer_lowered  }
0x9b: {  	s22 =	simm.s32 $0x1BFF;
	s21 =	sshll.u32 s6, $0x1;
	s3 =	sadd.s32 s4, s19  }
0x9c: {  	s7 =	simm.s32 $0x0;
	s20 =	sshll.u32 s5, $0x1;
	s5 =	sadd.s32 s21, s3  }
0x9d: {  	[timem:s7], [sflag:s22] =	dma.local [hbm:s5], s20  }
0x9e: {  	_ =	swait.ge [sflag:s22], s20  }
0x9f: {  	s4 =	ssub.s32 $0x0, s20;
	[sflag:s22] =	ssyncset.done $0x0  }
0xa0: {  	[sflag:s22] =	ssyncadd.s32 s4;
	_ =	sdelay $0x1  }
0xa1: {  	s23 =	simm.s32 $0x1B8B  }
0xa2: {  	_ =	swait.ge [sflag:s23], $0x1  }
0xa3: {  	[sflag:s23] =	ssyncset.done $0x0  }
0xa4: {  	s25 =	simm.s32 $0x1B8E;
	s24 =	sld [smem:$0x3FFE];
	[sflag:s23] =	ssyncadd.s32 $0xFFFFFFFF  }
0xa5: {  	s26 =	simm.s32 $execute0_lowered;
	[smem:$0x3FD2] =	sst s25  }
0xa6: {  	s5 =	sshll.u32 s26, $0x1;
	_ =	strace $0x80000049;
	[dreg:$0x1] =	wrdreg $0xFFFFFFFF  }
0xa7: {  	s28 =	simm.s32 $_size_execute0_lowered;
	s3 =	sadd.s32 s3, s5;
	[dreg:$0x0] =	wrdreg $0x0  }
0xa8: {  	s5 =	sshll.u32 s28, $0x1;
	[dreg:$0x2] =	wrdreg s3  }
0xa9: {  	[dreg:$0x3] =	wrdreg s5  }
0xaa: {  	[dreg:$0x4] =	wrdreg $0xC0  }
0xab: {  	_ =	task [dreg:s7], $0x5FFFF  }
0xac: {  	[dreg:$0x1] =	wrdreg $0xFFFFFFFF  }
0xad: {  	[dreg:$0x0] =	wrdreg $0x60  }
0xae: {  	[dreg:$0x2] =	wrdreg s2  }
0xaf: {  	[dreg:$0x3] =	wrdreg s24  }
0xb0: {  	[dreg:$0x4] =	wrdreg $0xB7800  }
0xb1: {  	[dreg:$0x5] =	wrdreg $0x9  }
0xb2: {  	_ =	task.clear_ibuf [dreg:s7], $0x6FFFF;
	_ =	strace $0x90000049  }
0xb3: {  	s29 =	simm.s32 $0x9;
	_ =	strace $0x8000004B  }
0xb4: {  	_ =	swait.ge [sflag:s29], $0x1  }
0xb5: {  	[sflag:s29] =	ssyncadd.s32 $0xFFFFFFFF  }
0xb6: {  	_ =	strace $0x9000004B  }
0xb7: {  	_ =	sfence  }
0xb8: {  	s30 =	sld [smem:$0x0];
	_ =	sdelay $0x2  }
0xb9: {  	s31 =	sshll.u32 s1, $0xD;
	s1 =	sshrl.u32 s1, $0x2  }
0xba: {  	s3 =	sand.u32 $0x4000, s31;
	s1 =	sadd.s32 s1, s30  }
0xbb: {  	s0 =	sor.u32 s3, s0;
	s1 =	sshll.u32 s1, $0x11  }
0xbc: {  	s0 =	sor.u32 s1, s0  }
0xbd: {  	s0 =	sadd.s32 $0x8F2B, s0  }
0xbe: {  	[sflag:s0] =	ssyncadd.remote.s32 $0x1  }
0xbf: {  	_ =	sfence.sel $0xFFFF  }
0xc0: {  	[dreg:$0x0] =	wrdreg $0xFFFFFFFF;
	(pc) =	sbr.abs _section_cstart, $3  }
0xc1: {  	[dreg:$0x1] =	wrdreg $0xFFFFFFFF  }
0xc2: {  	_ =	task.clear_ibuf [dreg:s7], $0x2FFFF;
	_ =	strace $0x9FFFFFFF  }
0xc3: {  	(tm) =	ssettm $0x7FFFFFFF  }
tec
execute0_lowered:
.L_overlay_start_1:
0x0: {  	(tag) =	ssettag $0x1  }
0x1: {  	s0 =	srdreg.scid;
	s1 =	rddreg [dreg:$0x0]  }
0x2: {  	s8 =	stileid.u32;
	s6 =	rddreg [dreg:$0x1]  }
0x3: {  	s3 =	rddreg [dreg:$0x2];
	s4 =	simm.s32 $0x0;
	s17 =	simm.s32 $0x6780  }
0x4: {  	s18 =	simm.s32 $0x5;
	s21 =	simm.s32 $0x2780;
	s22 =	simm.s32 $0x50  }
0x5: {  	s24 =	simm.s32 $0x1;
	s28 =	simm.s32 $0x0;
	s0 =	sand.u32 $0x1, s0  }
0x6: {  	s5 =	sshll.u32 s8, $0x7;
	[smem:$0x7FF] =	sst s4;
	s26 =	smul.u32 $0x2800, s8  }
0x7: {  	s7 =	smul.u32 $0x50000, s8;
	s2 =	sshll.u32 s0, $0x4;
	s5 =	sand.u32 $0x380, s5  }
0x8: {  	_ =	strace $0x8000004A;
	s9 =	smul.u32 $0x28000, s0;
	s0 =	ssub.s32 $0x2, s0  }
0x9: {  	s2 =	sor.u32 s8, s2;
	s8 =	sshll.u32 s8, $0xB;
	s7 =	sshrl.u32 s7, $0x2  }
0xa: {  	s30 =	sshrl.u32 s0, $0x1;
	s2 =	sshrl.u32 s2, $0x3;
	s14 =	sadd.s32 s8, s6  }
0xb: {  	s29 =	sadd.s32 s26, s9;
	s0 =	ssub.s32 s0, s30;
	s2 =	smul.u32 $0x13C00, s2  }
0xc: {  	s26 =	simm.s32 $0x4;
	s15 =	sadd.s32 s29, s6;
	s14 =	sadd.s32 $0x52A00, s14  }
0xd: {  	s16 =	smax.u32 s0, $0x1;
	s2 =	sor.u32 s5, s2;
	s5 =	sadd.s32 s7, s3  }
0xe: {  	s15 =	sadd.s32 $0x64800, s15;
	s2 =	sshrl.u32 s2, $0x3;
	s31 =	sadd.s32 $0x2800, s5  }
0xf: {  	s7 =	sadd.s32 $0x5000, s5;
	s8 =	sadd.s32 $0x7800, s5;
	s9 =	sadd.s32 $0xA000, s5  }
0x10: {  	s10 =	sadd.s32 $0xC800, s5;
	s11 =	sadd.s32 $0xF000, s5;
	s2 =	sadd.s32 s2, s6  }
0x11: {  	v0 =	vimm.f32 $0.0e+00;
	s12 =	sadd.s32 $0x11800, s5;
	[dreg:$0x4] =	wrdreg s31;
	s13 =	sadd.s32 $0x5AA00, s2  }
.LBB2_1:
0x12: {  	s2 =	simm.s32 $0x0;
	s0 =	simm.s32 $0x200  }
.LBB2_2:
0x13: {  	p0 =	sne.s32 s0, $0x9E00;
	[tilespmem:s2+$0x67F0] =	vst v0  }
0x14: {  	[tilespmem:s2+$0x6780] =	vst v0  }
0x15: {  	[tilespmem:s2+$0x6790] =	vst v0  }
.Ltmp0:
0x16: {  	[tilespmem:s2+$0x67A0] =	vst v0;
	(pc) =	sbr.rel @p0 .LBB2_2-.Ltmp0, $4  }
0x17: {  	[tilespmem:s2+$0x67B0] =	vst v0  }
0x18: {  	[tilespmem:s2+$0x67C0] =	vst v0  }
0x19: {  	[tilespmem:s2+$0x67D0] =	vst v0  }
0x1a: {  	[tilespmem:s2+$0x67E0] =	vst v0;
	s2 =	sshra.s32 s0, $0x2;
	s0 =	sadd.s32 $0x200, s0  }
0x1b: {  	[tilespmem:s2+$0x67F0] =	vst v0  }
0x1c: {  	[tilespmem:s2+$0x6780] =	vst v0  }
0x1d: {  	[tilespmem:s2+$0x6790] =	vst v0  }
0x1e: {  	[tilespmem:s2+$0x67A0] =	vst v0  }
0x1f: {  	[tilespmem:s2+$0x67B0] =	vst v0  }
0x20: {  	[tilespmem:s2+$0x67C0] =	vst v0  }
0x21: {  	[tilespmem:s2+$0x67D0] =	vst v0  }
0x22: {  	[tilespmem:s2+$0x67E0] =	vst v0  }
0x23: {  	[spmem:s5] =	stream.linear.scatter [tilespmem:s17], [sflag:$0x5], $0x2800, $0x38;
	[tilespmem:$0x1F780] =	vst v63  }
0x24: {  	_ =	swait.ge [sflag:s18], $0x2800  }
0x25: {  	[sflag:s18] =	ssyncset.done $0x0  }
0x26: {  	s0 =	rddreg [dreg:$0x4];
	[sflag:s18] =	ssyncadd.s32 $0xFFFFD800  }
0x27: {  	[spmem:s0] =	stream.linear.scatter [tilespmem:s17], [sflag:$0x5], $0x2800, $0x38;
	[tilespmem:$0x1F780] =	vst v63  }
0x28: {  	_ =	swait.ge [sflag:s18], $0x2800  }
0x29: {  	[sflag:s18] =	ssyncset.done $0x0  }
0x2a: {  	[sflag:s18] =	ssyncadd.s32 $0xFFFFD800  }
0x2b: {  	[spmem:s7] =	stream.linear.scatter [tilespmem:s17], [sflag:$0x5], $0x2800, $0x38;
	[tilespmem:$0x1F780] =	vst v63  }
0x2c: {  	_ =	swait.ge [sflag:s18], $0x2800  }
0x2d: {  	[sflag:s18] =	ssyncset.done $0x0  }
0x2e: {  	[sflag:s18] =	ssyncadd.s32 $0xFFFFD800  }
0x2f: {  	[spmem:s8] =	stream.linear.scatter [tilespmem:s17], [sflag:$0x5], $0x2800, $0x38;
	[tilespmem:$0x1F780] =	vst v63  }
0x30: {  	_ =	swait.ge [sflag:s18], $0x2800  }
0x31: {  	[sflag:s18] =	ssyncset.done $0x0  }
0x32: {  	[sflag:s18] =	ssyncadd.s32 $0xFFFFD800  }
0x33: {  	[spmem:s9] =	stream.linear.scatter [tilespmem:s17], [sflag:$0x5], $0x2800, $0x38;
	[tilespmem:$0x1F780] =	vst v63  }
0x34: {  	_ =	swait.ge [sflag:s18], $0x2800  }
0x35: {  	[sflag:s18] =	ssyncset.done $0x0  }
0x36: {  	[sflag:s18] =	ssyncadd.s32 $0xFFFFD800  }
0x37: {  	[spmem:s10] =	stream.linear.scatter [tilespmem:s17], [sflag:$0x5], $0x2800, $0x38;
	[tilespmem:$0x1F780] =	vst v63  }
0x38: {  	_ =	swait.ge [sflag:s18], $0x2800  }
0x39: {  	[sflag:s18] =	ssyncset.done $0x0  }
0x3a: {  	[sflag:s18] =	ssyncadd.s32 $0xFFFFD800  }
0x3b: {  	[spmem:s11] =	stream.linear.scatter [tilespmem:s17], [sflag:$0x5], $0x2800, $0x38;
	[tilespmem:$0x1F780] =	vst v63  }
0x3c: {  	_ =	swait.ge [sflag:s18], $0x2800  }
0x3d: {  	[sflag:s18] =	ssyncset.done $0x0  }
0x3e: {  	[sflag:s18] =	ssyncadd.s32 $0xFFFFD800  }
0x3f: {  	[spmem:s12] =	stream.linear.scatter [tilespmem:s17], [sflag:$0x5], $0x2800, $0x38;
	[tilespmem:$0x1F780] =	vst v63  }
0x40: {  	_ =	swait.ge [sflag:s18], $0x2800  }
0x41: {  	[sflag:s18] =	ssyncset.done $0x0  }
0x42: {  	s6 =	simm.s32 $0x80;
	s19 =	simm.s32 $0x400;
	[sflag:s18] =	ssyncadd.s32 $0xFFFFD800  }
0x43: {  	[tilespmem:s4], [sflag:$0x5] =	stream.strided.gather [hbm4b:s13+s6], $0x2780, s19, s6, $0x38;
	[tilespmem:$0x1F780] =	vst v63  }
0x44: {  	_ =	swait.ge [sflag:s18], $0x2780  }
0x45: {  	[sflag:s18] =	ssyncset.done $0x0  }
0x46: {  	[sflag:s18] =	ssyncadd.s32 $0xFFFFD880  }
0x47: {  	[tilespmem:s21], [sflag:$0x5] =	stream.linear.gather [hbm4b:s14+s4], $0x3E80, $0x38;
	[tilespmem:$0x1F780] =	vst v63  }
0x48: {  	_ =	swait.ge [sflag:s18], $0x3E80  }
0x49: {  	[sflag:s18] =	ssyncset.done $0x0  }
0x4a: {  	[sflag:s18] =	ssyncadd.s32 $0xFFFFC180  }
0x4b: {  	[bflag:$0x0] =	sbarrier.arrive $0xFFFF  }
0x4c: {  	[tilespmem:s17], [sflag:$0x1] =	stream.indirect.gather [hbm4b:s1+s22], $0x80, s4, s22, $0xb8;
	[tilespmem:$0x1F780] =	vst v63  }
0x4d: {  	s20 =	simm.s32 $0x8F80;
	s23 =	simm.s32 $0x2  }
0x4e: {  	[tilespmem:s20], [sflag:$0x2] =	stream.indirect.gather [hbm4b:s1+s22], $0x80, s22, s22, $0xb8;
	[tilespmem:$0x1F780] =	vst v63  }
0x4f: {  	s0 =	sand.u32 $0x1, s23;
	_ =	swait.ge [sflag:s24], $0x2800  }
0x50: {  	p0 =	seq.s32 s0, $0x1;
	[sflag:s24] =	ssyncset.done $0x0  }
0x51: {  	s0 =	simm.s32 @p0 $0x4;
	[sflag:s24] =	ssyncadd.s32 $0xFFFFD800  }
0x52: {  	[spmem:s3] =	stream.indirect.scatter.add.f32 [tilespmem:s17], [sflag:$0x3], $0x80, s21, s22, $0xb8;
	[tilespmem:$0x1F780] =	vst v63  }
0x53: {  	s2 =	simm.s32 $0xA0;
	_ =	swait.ge @p0 [sflag:s0], $0x2800  }
0x54: {  	s19 =	simm.s32 @p0 $0x1;
	[sflag:s0] =	ssyncset.done @p0 $0x0;
	p0 =	por p0, p0  }
0x55: {  	[sflag:s0] =	ssyncadd.s32 @p0 $0xFFFFD800;
	s0 =	simm.s32 @p0 $0x50;
	s20 =	simm.s32 @p0 $0x8F80  }
0x56: {  	[tilespmem:s20], [sflag:$0x2] =	stream.indirect.gather @p0 [hbm4b:s1+s0], $0x80, s2, s0, $0xb8;
	[tilespmem:$0x1F780] =	vst v63  }
0x57: {  	_ =	swait.ge @p0 [sflag:s19], $0x2800  }
0x58: {  	s31 =	simm.s32 $0x2800;
	[sflag:s19] =	ssyncset.done @p0 $0x0  }
0x59: {  	s20 =	simm.s32 @!p0 $0x3;
	[sflag:s19] =	ssyncadd.s32 @p0 $0xFFFFD800;
	s19 =	simm.s32 @p0 $0x6780  }
0x5a: {  	[spmem:s3] =	stream.indirect.scatter.add.f32 @p0 [tilespmem:s19], [sflag:$0x3], $0x80, s31, s0, $0xb8;
	[tilespmem:$0x1F780] =	vst v63  }
0x5b: {  	_ =	swait.ge @!p0 [sflag:s20], $0x2800  }
0x5c: {  	s29 =	simm.s32 $0x3;
	[sflag:s20] =	ssyncset.done @!p0 $0x0  }
0x5d: {  	s19 =	simm.s32 @!p0 $0x50;
	s0 =	simm.s32 @!p0 $0x6780;
	[sflag:s20] =	ssyncadd.s32 @!p0 $0xFFFFD800  }
0x5e: {  	[tilespmem:s0], [sflag:$0x1] =	stream.indirect.gather @!p0 [hbm4b:s1+s19], $0x80, s2, s19, $0xb8;
	[tilespmem:$0x1F780] =	vst v63  }
0x5f: {  	s30 =	simm.s32 $0xF0;
	s25 =	sand.u32 $0x1, s29;
	s0 =	simm.s32 @!p0 $0x2  }
0x60: {  	s29 =	simm.s32 $0x2880;
	p2 =	seq.s32 s25, $0x1;
	_ =	swait.ge @!p0 [sflag:s0], $0x2800  }
0x61: {  	s20 =	simm.s32 @!p0 $0x8F80;
	s2 =	simm.s32 $0x4;
	[sflag:s0] =	ssyncset.done @!p0 $0x0  }
.LBB2_4:
0x62: {  	s23 =	simm.s32 @p2 $0x4;
	[sflag:s0] =	ssyncadd.s32 @!p0 $0xFFFFD800  }
0x63: {  	s25 =	smov.u32 s2;
	s2 =	sadd.s32 $0x1, s2;
	s6 =	smov.u32 s30  }
0x64: {  	[spmem:s3] =	stream.indirect.scatter.add.f32 @!p0 [tilespmem:s20], [sflag:$0x4], $0x80, s31, s19, $0xb8;
	[tilespmem:$0x1F780] =	vst v63  }
0x65: {  	p1 =	sne.s32 s2, $0x7D;
	s31 =	smov.u32 s29;
	_ =	swait.ge @p2 [sflag:s23], $0x2800  }
0x66: {  	s0 =	simm.s32 @p2 $0x1;
	p0 =	por p2, p2;
	[sflag:s23] =	ssyncset.done @p2 $0x0  }
0x67: {  	s19 =	simm.s32 @p0 $0x50;
	s20 =	simm.s32 @p0 $0x8F80;
	[sflag:s23] =	ssyncadd.s32 @p0 $0xFFFFD800  }
0x68: {  	[tilespmem:s20], [sflag:$0x2] =	stream.indirect.gather @p0 [hbm4b:s1+s19], $0x80, s30, s19, $0xb8;
	[tilespmem:$0x1F780] =	vst v63  }
0x69: {  	_ =	swait.ge @p0 [sflag:s0], $0x2800  }
0x6a: {  	[sflag:s0] =	ssyncset.done @p0 $0x0  }
0x6b: {  	s20 =	simm.s32 @!p0 $0x3;
	[sflag:s0] =	ssyncadd.s32 @p0 $0xFFFFD800;
	s0 =	simm.s32 @p0 $0x6780  }
0x6c: {  	[spmem:s3] =	stream.indirect.scatter.add.f32 @p0 [tilespmem:s0], [sflag:$0x3], $0x80, s29, s19, $0xb8;
	[tilespmem:$0x1F780] =	vst v63  }
0x6d: {  	s30 =	sadd.s32 $0x50, s30;
	_ =	swait.ge @!p0 [sflag:s20], $0x2800  }
.Ltmp1:
0x6e: {  	s0 =	simm.s32 @!p0 $0x2;
	[sflag:s20] =	ssyncset.done @!p0 $0x0;
	(pc) =	sbr.rel @p1 .LBB2_4-.Ltmp1, $4  }
0x6f: {  	s19 =	simm.s32 @!p0 $0x50;
	[sflag:s20] =	ssyncadd.s32 @!p0 $0xFFFFD800;
	s20 =	simm.s32 @!p0 $0x6780  }
0x70: {  	[tilespmem:s20], [sflag:$0x1] =	stream.indirect.gather @!p0 [hbm4b:s1+s19], $0x80, s6, s19, $0xb8;
	[tilespmem:$0x1F780] =	vst v63  }
0x71: {  	s29 =	sadd.s32 $0x80, s29;
	s6 =	sand.u32 $0x1, s25;
	_ =	swait.ge @!p0 [sflag:s0], $0x2800  }
0x72: {  	s20 =	simm.s32 @!p0 $0x8F80;
	p2 =	seq.s32 s6, $0x1;
	[sflag:s0] =	ssyncset.done @!p0 $0x0  }
0x73: {  	s2 =	simm.s32 @p2 $0x4;
	[sflag:s0] =	ssyncadd.s32 @!p0 $0xFFFFD800  }
0x74: {  	[spmem:s3] =	stream.indirect.scatter.add.f32 @!p0 [tilespmem:s20], [sflag:$0x4], $0x80, s31, s19, $0xb8;
	[tilespmem:$0x1F780] =	vst v63  }
0x75: {  	_ =	swait.ge @p2 [sflag:s2], $0x2800  }
0x76: {  	s0 =	simm.s32 @p2 $0x1;
	p0 =	por p2, p2;
	[sflag:s2] =	ssyncset.done @p2 $0x0  }
0x77: {  	s6 =	simm.s32 @p0 $0x8F80;
	[sflag:s2] =	ssyncadd.s32 @p0 $0xFFFFD800;
	s2 =	simm.s32 @p0 $0x50  }
0x78: {  	[tilespmem:s6], [sflag:$0x2] =	stream.indirect.gather @p0 [hbm4b:s1+s2], $0x80, s30, s2, $0xb8;
	[tilespmem:$0x1F780] =	vst v63  }
0x79: {  	_ =	swait.ge @p0 [sflag:s0], $0x2800  }
0x7a: {  	[sflag:s0] =	ssyncset.done @p0 $0x0  }
0x7b: {  	s6 =	simm.s32 @!p0 $0x3;
	[sflag:s0] =	ssyncadd.s32 @p0 $0xFFFFD800;
	s0 =	simm.s32 @p0 $0x6780  }
0x7c: {  	[spmem:s3] =	stream.indirect.scatter.add.f32 @p0 [tilespmem:s0], [sflag:$0x3], $0x80, s29, s2, $0xb8;
	[tilespmem:$0x1F780] =	vst v63  }
0x7d: {  	_ =	swait.ge @!p0 [sflag:s6], $0x2800  }
0x7e: {  	s0 =	simm.s32 @!p0 $0x2;
	[sflag:s6] =	ssyncset.done @!p0 $0x0  }
0x7f: {  	s2 =	simm.s32 @!p0 $0x50;
	[sflag:s6] =	ssyncadd.s32 @!p0 $0xFFFFD800;
	s6 =	simm.s32 @!p0 $0x6780  }
0x80: {  	[tilespmem:s6], [sflag:$0x1] =	stream.indirect.gather @!p0 [hbm4b:s1+s2], $0x80, s30, s2, $0xb8;
	[tilespmem:$0x1F780] =	vst v63  }
0x81: {  	_ =	swait.ge @!p0 [sflag:s0], $0x2800  }
0x82: {  	[sflag:s0] =	ssyncset.done @!p0 $0x0  }
0x83: {  	s6 =	simm.s32 @!p0 $0x8F80;
	[sflag:s0] =	ssyncadd.s32 @!p0 $0xFFFFD800  }
0x84: {  	[spmem:s3] =	stream.indirect.scatter.add.f32 @!p0 [tilespmem:s6], [sflag:$0x4], $0x80, s29, s2, $0xb8;
	[tilespmem:$0x1F780] =	vst v63  }
0x85: {  	_ =	swait.ge [sflag:s24], $0x2800  }
0x86: {  	[sflag:s24] =	ssyncset.done $0x0  }
0x87: {  	s29 =	simm.s32 $0x6580;
	[sflag:s24] =	ssyncadd.s32 $0xFFFFD800  }
0x88: {  	[spmem:s3] =	stream.indirect.scatter.add.f32 [tilespmem:s17], [sflag:$0x5], $0x80, s29, s22, $0xb8;
	[tilespmem:$0x1F780] =	vst v63  }
0x89: {  	_ =	swait.ge [sflag:s18], $0x2800  }
0x8a: {  	[sflag:s18] =	ssyncset.done $0x0  }
0x8b: {  	[sflag:s18] =	ssyncadd.s32 $0xFFFFD800  }
0x8c: {  	s28 =	sadd.s32 $0x1, s28;
	_ =	swait.ge [sflag:s26], $0x2800  }
0x8d: {  	s31 =	sshrl.u32 s5, $0x3;
	s30 =	stileid.u32;
	[sflag:s26] =	ssyncset.done $0x0  }
0x8e: {  	s0 =	sshll.u32 s30, $0x6;
	p0 =	sne.s32 s28, s16;
	[sflag:s26] =	ssyncadd.s32 $0xFFFFD800  }
.Ltmp2:
0x8f: {  	s0 =	sor.u32 $0x1C05, s0;
	[bflag:$0x0] =	sbarrier.arrive $0xFFFF;
	(pc) =	sbr.rel @p0 .LBB2_1-.Ltmp2, $4  }
0x90: {  	[hbm:s15], [sflag:s0] =	dma.local [spmem:s31], $0x2800  }
0x91: {  	_ =	swait.ge [sflag:s18], $0x2800  }
0x92: {  	[sflag:s18] =	ssyncset.done $0x0  }
0x93: {  	[sflag:s18] =	ssyncadd.s32 $0xFFFFD800  }
0x94: {  	_ =	sfence.sel $0x180000  }
0x95: {  	[bflag:$0x0] =	sbarrier.arrive $0xFFFF  }
0x96: {  	_ =	strace $0x9000004A  }
0x97: {  	s0 =	stileid.u32;
	[bflag:$0x2] =	sbarrier.arrive $0xFFFF  }
0x98: {  	p0 =	sne.s32 s0, $0x0;
	s0 =	rddreg [dreg:$0x3]  }
0x99: {  	s0 =	sadd.s32 @!p0 $0x100000, s0  }
0x9a: {  	[sflag:s0] =	ssyncadd.tile.s32 @!p0 $0x1;
	_ =	shalt  }
.Lfunc_end2:
_tile_overlayer_lowered:
.L_overlay_start_2:
0x9b: {  	(tag) =	ssettag $0x2  }
0x9c: {  	s0 =	rddreg [dreg:$0x0];
	s2 =	stileid.u32  }
0x9d: {  	s1 =	rddreg [dreg:$0x1];
	p0 =	sne.s32 s2, $0x0  }
0x9e: {  	s3 =	rddreg [dreg:$0x2];
	[bflag:$0x3] =	sbarrier.arrive $0xFFFF;
	s2 =	simm.s32 @!p0 $0x1C05  }
0x9f: {  	[timem:s3], [sflag:s2] =	dma.local @!p0 [hbm:s0], s1  }
0xa0: {  	s0 =	simm.s32 @!p0 $0x5  }
0xa1: {  	_ =	swait.ge @!p0 [sflag:s0], s1  }
0xa2: {  	s1 =	ssub.s32 @!p0 $0x0, s1;
	[sflag:s0] =	ssyncset.done @!p0 $0x0  }
0xa3: {  	[sflag:s0] =	ssyncadd.s32 @!p0 s1  }
0xa4: {  	[bflag:$0x3] =	sbarrier.arrive $0xFFFF  }
0xa5: {  	_ =	shalt  }

// kernel: kernel.16.cloned.1.call-start
scs
__scs_entry_jumppad:
0x0: {  	(pc) =	sbr.rel $0x88, $3  }
0x1: {  	(tag) =	ssettag $0x0;
	lr =	simm.s32 $0x1  }
0x2: {  	[smem:$0x3F9B] =	sst lr;
	_ =	strace $0xD0000000  }
0x3: {  	_ = 	snop  }
0x4: {  	_ = 	snop  }
0x5: {  	_ = 	snop  }
0x6: {  	_ = 	snop  }
0x7: {  	_ = 	snop  }
__scs_overlays_trampoline_lowered:
0x8: {  	[smem:$0x3FAA] =	sst s0  }
0x9: {  	[smem:$0x3FAB] =	sst s1  }
0xa: {  	[smem:$0x3FAC] =	sst s2  }
0xb: {  	[smem:$0x3FAD] =	sst s3  }
0xc: {  	[smem:$0x3FAE] =	sst s4  }
0xd: {  	[smem:$0x3FAF] =	sst s5  }
0xe: {  	[smem:$0x3FB0] =	sst s6  }
0xf: {  	[smem:$0x3FB1] =	sst s7  }
0x10: {  	[smem:$0x3FB2] =	sst s8  }
0x11: {  	[smem:$0x3FB3] =	sst s9;
	s0 =	simm.s32 @!p0 $0x0  }
0x12: {  	s1 =	sld [smem:$0x3F99];
	s0 =	simm.s32 @p0 $0x1  }
0x13: {  	[smem:$0x3FB4] =	sst s0;
	s0 =	simm.s32 @!p1 $0x0  }
0x14: {  	s2 =	sld [smem:$0x3F98];
	s0 =	simm.s32 @p1 $0x1  }
0x15: {  	[smem:$0x3FB5] =	sst s0;
	s0 =	simm.s32 @!p2 $0x0  }
0x16: {  	s3 =	sld [smem:$0x3FDB];
	s0 =	simm.s32 @p2 $0x1  }
0x17: {  	s4 =	simm.s32 $0x1BF5;
	[smem:$0x3FB7] =	sst s0  }
0x18: {  	s0 =	sld [smem:$0x3F9A];
	_ =	swait.ge [sflag:s4], $0x0  }
0x19: {  	s7 =	sld [smem:$0x3F9B]  }
0x1a: {  	s8 =	sadd.s32 $0xFFFFE003, lr  }
0x1b: {  	s9 =	sadd.s32 $0xFFFFFEF7, lr;
	s5 =	simm.s32 $0xFFFFFFFF;
	p2 =	slt.u32 s8, $0xFFFFF086  }
0x1c: {  	p1 =	slt.u32 s9, $0xF7A;
	s5 =	simm.s32 @!p2 $0x0  }
0x1d: {  	s5 =	simm.s32 @p1 $0x1;
	p0 =	seq.s32 s7, s2  }
0x1e: {  	s7 =	smul.u32 @!p0 $0xF7A, s2;
	p2 =	seq.s32 @!p0 s5, $0x0  }
0x1f: {  	s9 =	smul.u32 $0xF7A, s1;
	s8 =	simm.s32 @!p0 $0x1BF5;
	p2 =	por !p2, p0  }
0x20: {  	[sflag:s8] =	ssyncset.s32 @!p0 $0xFFFFF086;
	s6 =	sadd.s32 @!p0 s3, s7;
	s7 =	simm.s32 @!p0 $0x108  }
0x21: {  	s3 =	sadd.s32 s3, s9;
	s6 =	sadd.s32 @!p0 $0x88, s6;
	s7 =	simm.s32 @p2 $0x1082  }
0x22: {  	[simem:s7], [sflag:s8] =	dma.local @!p0 [hbm:s6], $0xF7A  }
0x23: {  	s9 =	sor.u32 $0xD0000000, s2;
	s6 =	simm.s32 $0x108;
	_ =	swait.ge @!p0 [sflag:s8], $0x0  }
0x24: {  	s3 =	sadd.s32 $0x88, s3;
	s6 =	simm.s32 @!p1 $0x1082;
	[sflag:s4] =	ssyncset.s32 $0xFFFFF086  }
0x25: {  	[simem:s6], [sflag:s4] =	dma.local [hbm:s3], $0xF7A  }
0x26: {  	[smem:$0x3F9B] =	sst s1;
	(tag) =	ssettag s2;
	_ =	strace s9  }
0x27: {  	s1 =	sld [smem:$0x3FAB]  }
0x28: {  	s2 =	sld [smem:$0x3FAC]  }
0x29: {  	s4 =	sld [smem:$0x3FAE]  }
0x2a: {  	p0 =	seq.s32 s5, $0x0;
	s5 =	sld [smem:$0x3FAF]  }
0x2b: {  	s6 =	sld [smem:$0x3FB0]  }
0x2c: {  	s7 =	sld [smem:$0x3FB1]  }
0x2d: {  	s3 =	simm.s32 $0x108;
	s8 =	sld [smem:$0x3FB2]  }
0x2e: {  	s3 =	simm.s32 @!p0 $0x1082;
	s9 =	sld [smem:$0x3FB3]  }
0x2f: {  	lr =	sadd.s32 s0, s3;
	s0 =	sld [smem:$0x3FAA]  }
0x30: {  	s3 =	sld [smem:$0x3FAD]  }
0x31: {  	[smem:$0x3FB6] =	sst s10  }
0x32: {  	s10 =	sld [smem:$0x3FB4];
	_ =	sdelay $0x3  }
0x33: {  	p0 =	seq.s32 s10, $0x1;
	s10 =	sld [smem:$0x3FB6];
	_ =	sdelay $0x3  }
0x34: {  	[smem:$0x3FB6] =	sst s10  }
0x35: {  	s10 =	sld [smem:$0x3FB5];
	_ =	sdelay $0x3  }
0x36: {  	p1 =	seq.s32 s10, $0x1;
	s10 =	sld [smem:$0x3FB6];
	_ =	sdelay $0x3  }
0x37: {  	[smem:$0x3FB6] =	sst s10  }
0x38: {  	s10 =	sld [smem:$0x3FB7]  }
0x39: {  	_ = 	snop;
	(pc) =	sbr.ind lr, $3  }
0x3a: {  	_ = 	snop  }
0x3b: {  	_ = 	snop  }
0x3c: {  	p2 =	seq.s32 s10, $0x1;
	s10 =	sld [smem:$0x3FB6]  }
0x3d: {  	_ =	shalt  }
0x3e: {  	_ =	shalt  }
0x3f: {  	_ =	shalt  }
0x40: {  	_ =	shalt  }
0x41: {  	_ =	shalt  }
0x42: {  	_ =	shalt  }
0x43: {  	_ =	shalt  }
0x44: {  	_ =	shalt  }
0x45: {  	_ =	shalt  }
0x46: {  	_ =	shalt  }
0x47: {  	_ =	shalt  }
0x48: {  	_ =	shalt  }
0x49: {  	_ =	shalt  }
0x4a: {  	_ =	shalt  }
0x4b: {  	_ =	shalt  }
0x4c: {  	_ =	shalt  }
0x4d: {  	_ =	shalt  }
0x4e: {  	_ =	shalt  }
0x4f: {  	_ =	shalt  }
0x50: {  	_ =	shalt  }
0x51: {  	_ =	shalt  }
0x52: {  	_ =	shalt  }
0x53: {  	_ =	shalt  }
0x54: {  	_ =	shalt  }
0x55: {  	_ =	shalt  }
0x56: {  	_ =	shalt  }
0x57: {  	_ =	shalt  }
0x58: {  	_ =	shalt  }
0x59: {  	_ =	shalt  }
0x5a: {  	_ =	shalt  }
0x5b: {  	_ =	shalt  }
0x5c: {  	_ =	shalt  }
0x5d: {  	_ =	shalt  }
0x5e: {  	_ =	shalt  }
0x5f: {  	_ =	shalt  }
0x60: {  	_ =	shalt  }
0x61: {  	_ =	shalt  }
0x62: {  	_ =	shalt  }
0x63: {  	_ =	shalt  }
0x64: {  	_ =	shalt  }
0x65: {  	_ =	shalt  }
0x66: {  	_ =	shalt  }
0x67: {  	_ =	shalt  }
0x68: {  	_ =	shalt  }
0x69: {  	_ =	shalt  }
0x6a: {  	_ =	shalt  }
0x6b: {  	_ =	shalt  }
0x6c: {  	_ =	shalt  }
0x6d: {  	_ =	shalt  }
0x6e: {  	_ =	shalt  }
0x6f: {  	_ =	shalt  }
0x70: {  	_ =	shalt  }
0x71: {  	_ =	shalt  }
0x72: {  	_ =	shalt  }
0x73: {  	_ =	shalt  }
0x74: {  	_ =	shalt  }
0x75: {  	_ =	shalt  }
0x76: {  	_ =	shalt  }
0x77: {  	_ =	shalt  }
0x78: {  	_ =	shalt  }
0x79: {  	_ =	shalt  }
0x7a: {  	_ =	shalt  }
0x7b: {  	_ =	shalt  }
0x7c: {  	_ =	shalt  }
0x7d: {  	_ =	shalt  }
0x7e: {  	_ =	shalt  }
0x7f: {  	_ =	shalt  }
0x80: {  	_ =	shalt  }
0x81: {  	_ =	shalt  }
0x82: {  	_ =	shalt  }
0x83: {  	_ =	shalt  }
0x84: {  	_ =	shalt  }
0x85: {  	_ =	shalt  }
0x86: {  	_ =	shalt  }
0x87: {  	_ =	shalt  }
.Lfunc_end0:
.L_simem_size_0:
called_computation.2_lowered:
.L_overlay_start_0:
0x88: {  	s2 =	sld [smem:$0x3FD9]  }
0x89: {  	s3 =	sld [smem:$0x3FFE];
	_ =	sdelay $0x1  }
0x8a: {  	s1 =	srdreg.scid  }
0x8b: {  	s0 =	sand.u32 $0x1, s1  }
0x8c: {  	s17 =	sshll.u32 s0, $0xA;
	s2 =	sadd.s32 s3, s2  }
0x8d: {  	s2 =	sadd.s32 s2, s17  }
0x8e: {  	[smem:$0x3FC2] =	sst s2  }
0x8f: {  	_ = 	snop  }
0x90: {  	s2 =	sld [smem:$0x3FD0];
	(tm) =	ssettm $0x1  }
0x91: {  	s18 =	sld [smem:$0x3FFB];
	_ =	sdelay $0x3  }
0x92: {  	_ =	strace s18  }
0x93: {  	s3 =	sld [smem:$0x3FFC];
	_ =	sdelay $0x3  }
0x94: {  	_ =	strace s3  }
0x95: {  	s3 =	sld [smem:$0x3FFD];
	_ =	sdelay $0x3  }
0x96: {  	_ =	strace s3  }
0x97: {  	_ =	strace $0x8FFFFFFF  }
0x98: {  	s19 =	sld [smem:$0x3FDB];
	_ =	sdelay $0x1  }
0x99: {  	s4 =	simm.s32 $_scs_section_size  }
0x9a: {  	s5 =	simm.s32 $_size__tile_overlayer_lowered;
	s6 =	simm.s32 $_tile_overlayer_lowered  }
0x9b: {  	s22 =	simm.s32 $0x1BFF;
	s21 =	sshll.u32 s6, $0x1;
	s3 =	sadd.s32 s4, s19  }
0x9c: {  	s7 =	simm.s32 $0x0;
	s20 =	sshll.u32 s5, $0x1;
	s5 =	sadd.s32 s21, s3  }
0x9d: {  	[timem:s7], [sflag:s22] =	dma.local [hbm:s5], s20  }
0x9e: {  	_ =	swait.ge [sflag:s22], s20  }
0x9f: {  	s4 =	ssub.s32 $0x0, s20;
	[sflag:s22] =	ssyncset.done $0x0  }
0xa0: {  	[sflag:s22] =	ssyncadd.s32 s4;
	_ =	sdelay $0x1  }
0xa1: {  	s23 =	simm.s32 $0x1B8B  }
0xa2: {  	_ =	swait.ge [sflag:s23], $0x1  }
0xa3: {  	[sflag:s23] =	ssyncset.done $0x0  }
0xa4: {  	s25 =	simm.s32 $0x1B8E;
	s24 =	sld [smem:$0x3FFE];
	[sflag:s23] =	ssyncadd.s32 $0xFFFFFFFF  }
0xa5: {  	s26 =	simm.s32 $execute0_lowered;
	[smem:$0x3FD2] =	sst s25  }
0xa6: {  	s5 =	sshll.u32 s26, $0x1;
	_ =	strace $0x8000004C;
	[dreg:$0x1] =	wrdreg $0xFFFFFFFF  }
0xa7: {  	s28 =	simm.s32 $_size_execute0_lowered;
	s3 =	sadd.s32 s3, s5;
	[dreg:$0x0] =	wrdreg $0x0  }
0xa8: {  	s5 =	sshll.u32 s28, $0x1;
	[dreg:$0x2] =	wrdreg s3  }
0xa9: {  	[dreg:$0x3] =	wrdreg s5  }
0xaa: {  	[dreg:$0x4] =	wrdreg $0xC0  }
0xab: {  	_ =	task [dreg:s7], $0x5FFFF  }
0xac: {  	[dreg:$0x1] =	wrdreg $0xFFFFFFFF  }
0xad: {  	[dreg:$0x0] =	wrdreg $0x60  }
0xae: {  	[dreg:$0x2] =	wrdreg s2  }
0xaf: {  	[dreg:$0x3] =	wrdreg s24  }
0xb0: {  	[dreg:$0x4] =	wrdreg $0xB7800  }
0xb1: {  	[dreg:$0x5] =	wrdreg $0x9  }
0xb2: {  	_ =	task.clear_ibuf [dreg:s7], $0x6FFFF;
	_ =	strace $0x9000004C  }
0xb3: {  	s29 =	simm.s32 $0x9;
	_ =	strace $0x8000004E  }
0xb4: {  	_ =	swait.ge [sflag:s29], $0x1  }
0xb5: {  	[sflag:s29] =	ssyncadd.s32 $0xFFFFFFFF  }
0xb6: {  	_ =	strace $0x9000004E  }
0xb7: {  	_ =	sfence  }
0xb8: {  	s30 =	sld [smem:$0x0];
	_ =	sdelay $0x2  }
0xb9: {  	s31 =	sshll.u32 s1, $0xD;
	s1 =	sshrl.u32 s1, $0x2  }
0xba: {  	s3 =	sand.u32 $0x4000, s31;
	s1 =	sadd.s32 s1, s30  }
0xbb: {  	s0 =	sor.u32 s3, s0;
	s1 =	sshll.u32 s1, $0x11  }
0xbc: {  	s0 =	sor.u32 s1, s0  }
0xbd: {  	s0 =	sadd.s32 $0x8F2B, s0  }
0xbe: {  	[sflag:s0] =	ssyncadd.remote.s32 $0x1  }
0xbf: {  	_ =	sfence.sel $0xFFFF  }
0xc0: {  	[dreg:$0x0] =	wrdreg $0xFFFFFFFF;
	(pc) =	sbr.abs _section_cstart, $3  }
0xc1: {  	[dreg:$0x1] =	wrdreg $0xFFFFFFFF  }
0xc2: {  	_ =	task.clear_ibuf [dreg:s7], $0x2FFFF;
	_ =	strace $0x9FFFFFFF  }
0xc3: {  	(tm) =	ssettm $0x7FFFFFFF  }
tec
execute0_lowered:
.L_overlay_start_1:
0x0: {  	(tag) =	ssettag $0x1  }
0x1: {  	s0 =	srdreg.scid;
	s1 =	rddreg [dreg:$0x0]  }
0x2: {  	s8 =	stileid.u32;
	s6 =	rddreg [dreg:$0x1]  }
0x3: {  	s3 =	rddreg [dreg:$0x2];
	s4 =	simm.s32 $0x0;
	s17 =	simm.s32 $0x6780  }
0x4: {  	s18 =	simm.s32 $0x5;
	s21 =	simm.s32 $0x2780;
	s22 =	simm.s32 $0x50  }
0x5: {  	s24 =	simm.s32 $0x1;
	s28 =	simm.s32 $0x0;
	s0 =	sand.u32 $0x1, s0  }
0x6: {  	s5 =	sshll.u32 s8, $0x7;
	[smem:$0x7FF] =	sst s4;
	s26 =	smul.u32 $0x2800, s8  }
0x7: {  	s7 =	smul.u32 $0x50000, s8;
	s2 =	sshll.u32 s0, $0x4;
	s5 =	sand.u32 $0x380, s5  }
0x8: {  	_ =	strace $0x8000004D;
	s9 =	smul.u32 $0x28000, s0;
	s0 =	ssub.s32 $0x2, s0  }
0x9: {  	s2 =	sor.u32 s8, s2;
	s8 =	sshll.u32 s8, $0xB;
	s7 =	sshrl.u32 s7, $0x2  }
0xa: {  	s30 =	sshrl.u32 s0, $0x1;
	s2 =	sshrl.u32 s2, $0x3;
	s14 =	sadd.s32 s8, s6  }
0xb: {  	s29 =	sadd.s32 s26, s9;
	s0 =	ssub.s32 s0, s30;
	s2 =	smul.u32 $0x13C00, s2  }
0xc: {  	s26 =	simm.s32 $0x4;
	s15 =	sadd.s32 s29, s6;
	s14 =	sadd.s32 $0x52A00, s14  }
0xd: {  	s16 =	smax.u32 s0, $0x1;
	s2 =	sor.u32 s5, s2;
	s5 =	sadd.s32 s7, s3  }
0xe: {  	s15 =	sadd.s32 $0x64800, s15;
	s2 =	sshrl.u32 s2, $0x3;
	s31 =	sadd.s32 $0x2800, s5  }
0xf: {  	s7 =	sadd.s32 $0x5000, s5;
	s8 =	sadd.s32 $0x7800, s5;
	s9 =	sadd.s32 $0xA000, s5  }
0x10: {  	s10 =	sadd.s32 $0xC800, s5;
	s11 =	sadd.s32 $0xF000, s5;
	s2 =	sadd.s32 s2, s6  }
0x11: {  	v0 =	vimm.f32 $0.0e+00;
	s12 =	sadd.s32 $0x11800, s5;
	[dreg:$0x4] =	wrdreg s31;
	s13 =	sadd.s32 $0x5AA00, s2  }
.LBB2_1:
0x12: {  	s2 =	simm.s32 $0x0;
	s0 =	simm.s32 $0x200  }
.LBB2_2:
0x13: {  	p0 =	sne.s32 s0, $0x9E00;
	[tilespmem:s2+$0x67F0] =	vst v0  }
0x14: {  	[tilespmem:s2+$0x6780] =	vst v0  }
0x15: {  	[tilespmem:s2+$0x6790] =	vst v0  }
.Ltmp0:
0x16: {  	[tilespmem:s2+$0x67A0] =	vst v0;
	(pc) =	sbr.rel @p0 .LBB2_2-.Ltmp0, $4  }
0x17: {  	[tilespmem:s2+$0x67B0] =	vst v0  }
0x18: {  	[tilespmem:s2+$0x67C0] =	vst v0  }
0x19: {  	[tilespmem:s2+$0x67D0] =	vst v0  }
0x1a: {  	[tilespmem:s2+$0x67E0] =	vst v0;
	s2 =	sshra.s32 s0, $0x2;
	s0 =	sadd.s32 $0x200, s0  }
0x1b: {  	[tilespmem:s2+$0x67F0] =	vst v0  }
0x1c: {  	[tilespmem:s2+$0x6780] =	vst v0  }
0x1d: {  	[tilespmem:s2+$0x6790] =	vst v0  }
0x1e: {  	[tilespmem:s2+$0x67A0] =	vst v0  }
0x1f: {  	[tilespmem:s2+$0x67B0] =	vst v0  }
0x20: {  	[tilespmem:s2+$0x67C0] =	vst v0  }
0x21: {  	[tilespmem:s2+$0x67D0] =	vst v0  }
0x22: {  	[tilespmem:s2+$0x67E0] =	vst v0  }
0x23: {  	[spmem:s5] =	stream.linear.scatter [tilespmem:s17], [sflag:$0x5], $0x2800, $0x38;
	[tilespmem:$0x1F780] =	vst v63  }
0x24: {  	_ =	swait.ge [sflag:s18], $0x2800  }
0x25: {  	[sflag:s18] =	ssyncset.done $0x0  }
0x26: {  	s0 =	rddreg [dreg:$0x4];
	[sflag:s18] =	ssyncadd.s32 $0xFFFFD800  }
0x27: {  	[spmem:s0] =	stream.linear.scatter [tilespmem:s17], [sflag:$0x5], $0x2800, $0x38;
	[tilespmem:$0x1F780] =	vst v63  }
0x28: {  	_ =	swait.ge [sflag:s18], $0x2800  }
0x29: {  	[sflag:s18] =	ssyncset.done $0x0  }
0x2a: {  	[sflag:s18] =	ssyncadd.s32 $0xFFFFD800  }
0x2b: {  	[spmem:s7] =	stream.linear.scatter [tilespmem:s17], [sflag:$0x5], $0x2800, $0x38;
	[tilespmem:$0x1F780] =	vst v63  }
0x2c: {  	_ =	swait.ge [sflag:s18], $0x2800  }
0x2d: {  	[sflag:s18] =	ssyncset.done $0x0  }
0x2e: {  	[sflag:s18] =	ssyncadd.s32 $0xFFFFD800  }
0x2f: {  	[spmem:s8] =	stream.linear.scatter [tilespmem:s17], [sflag:$0x5], $0x2800, $0x38;
	[tilespmem:$0x1F780] =	vst v63  }
0x30: {  	_ =	swait.ge [sflag:s18], $0x2800  }
0x31: {  	[sflag:s18] =	ssyncset.done $0x0  }
0x32: {  	[sflag:s18] =	ssyncadd.s32 $0xFFFFD800  }
0x33: {  	[spmem:s9] =	stream.linear.scatter [tilespmem:s17], [sflag:$0x5], $0x2800, $0x38;
	[tilespmem:$0x1F780] =	vst v63  }
0x34: {  	_ =	swait.ge [sflag:s18], $0x2800  }
0x35: {  	[sflag:s18] =	ssyncset.done $0x0  }
0x36: {  	[sflag:s18] =	ssyncadd.s32 $0xFFFFD800  }
0x37: {  	[spmem:s10] =	stream.linear.scatter [tilespmem:s17], [sflag:$0x5], $0x2800, $0x38;
	[tilespmem:$0x1F780] =	vst v63  }
0x38: {  	_ =	swait.ge [sflag:s18], $0x2800  }
0x39: {  	[sflag:s18] =	ssyncset.done $0x0  }
0x3a: {  	[sflag:s18] =	ssyncadd.s32 $0xFFFFD800  }
0x3b: {  	[spmem:s11] =	stream.linear.scatter [tilespmem:s17], [sflag:$0x5], $0x2800, $0x38;
	[tilespmem:$0x1F780] =	vst v63  }
0x3c: {  	_ =	swait.ge [sflag:s18], $0x2800  }
0x3d: {  	[sflag:s18] =	ssyncset.done $0x0  }
0x3e: {  	[sflag:s18] =	ssyncadd.s32 $0xFFFFD800  }
0x3f: {  	[spmem:s12] =	stream.linear.scatter [tilespmem:s17], [sflag:$0x5], $0x2800, $0x38;
	[tilespmem:$0x1F780] =	vst v63  }
0x40: {  	_ =	swait.ge [sflag:s18], $0x2800  }
0x41: {  	[sflag:s18] =	ssyncset.done $0x0  }
0x42: {  	s6 =	simm.s32 $0x80;
	s19 =	simm.s32 $0x400;
	[sflag:s18] =	ssyncadd.s32 $0xFFFFD800  }
0x43: {  	[tilespmem:s4], [sflag:$0x5] =	stream.strided.gather [hbm4b:s13+s6], $0x2780, s19, s6, $0x38;
	[tilespmem:$0x1F780] =	vst v63  }
0x44: {  	_ =	swait.ge [sflag:s18], $0x2780  }
0x45: {  	[sflag:s18] =	ssyncset.done $0x0  }
0x46: {  	[sflag:s18] =	ssyncadd.s32 $0xFFFFD880  }
0x47: {  	[tilespmem:s21], [sflag:$0x5] =	stream.linear.gather [hbm4b:s14+s4], $0x3E80, $0x38;
	[tilespmem:$0x1F780] =	vst v63  }
0x48: {  	_ =	swait.ge [sflag:s18], $0x3E80  }
0x49: {  	[sflag:s18] =	ssyncset.done $0x0  }
0x4a: {  	[sflag:s18] =	ssyncadd.s32 $0xFFFFC180  }
0x4b: {  	[bflag:$0x0] =	sbarrier.arrive $0xFFFF  }
0x4c: {  	[tilespmem:s17], [sflag:$0x1] =	stream.indirect.gather [hbm4b:s1+s22], $0x80, s4, s22, $0xb8;
	[tilespmem:$0x1F780] =	vst v63  }
0x4d: {  	s20 =	simm.s32 $0x8F80;
	s23 =	simm.s32 $0x2  }
0x4e: {  	[tilespmem:s20], [sflag:$0x2] =	stream.indirect.gather [hbm4b:s1+s22], $0x80, s22, s22, $0xb8;
	[tilespmem:$0x1F780] =	vst v63  }
0x4f: {  	s0 =	sand.u32 $0x1, s23;
	_ =	swait.ge [sflag:s24], $0x2800  }
0x50: {  	p0 =	seq.s32 s0, $0x1;
	[sflag:s24] =	ssyncset.done $0x0  }
0x51: {  	s0 =	simm.s32 @p0 $0x4;
	[sflag:s24] =	ssyncadd.s32 $0xFFFFD800  }
0x52: {  	[spmem:s3] =	stream.indirect.scatter.add.f32 [tilespmem:s17], [sflag:$0x3], $0x80, s21, s22, $0xb8;
	[tilespmem:$0x1F780] =	vst v63  }
0x53: {  	s2 =	simm.s32 $0xA0;
	_ =	swait.ge @p0 [sflag:s0], $0x2800  }
0x54: {  	s19 =	simm.s32 @p0 $0x1;
	[sflag:s0] =	ssyncset.done @p0 $0x0;
	p0 =	por p0, p0  }
0x55: {  	[sflag:s0] =	ssyncadd.s32 @p0 $0xFFFFD800;
	s0 =	simm.s32 @p0 $0x50;
	s20 =	simm.s32 @p0 $0x8F80  }
0x56: {  	[tilespmem:s20], [sflag:$0x2] =	stream.indirect.gather @p0 [hbm4b:s1+s0], $0x80, s2, s0, $0xb8;
	[tilespmem:$0x1F780] =	vst v63  }
0x57: {  	_ =	swait.ge @p0 [sflag:s19], $0x2800  }
0x58: {  	s31 =	simm.s32 $0x2800;
	[sflag:s19] =	ssyncset.done @p0 $0x0  }
0x59: {  	s20 =	simm.s32 @!p0 $0x3;
	[sflag:s19] =	ssyncadd.s32 @p0 $0xFFFFD800;
	s19 =	simm.s32 @p0 $0x6780  }
0x5a: {  	[spmem:s3] =	stream.indirect.scatter.add.f32 @p0 [tilespmem:s19], [sflag:$0x3], $0x80, s31, s0, $0xb8;
	[tilespmem:$0x1F780] =	vst v63  }
0x5b: {  	_ =	swait.ge @!p0 [sflag:s20], $0x2800  }
0x5c: {  	s29 =	simm.s32 $0x3;
	[sflag:s20] =	ssyncset.done @!p0 $0x0  }
0x5d: {  	s19 =	simm.s32 @!p0 $0x50;
	s0 =	simm.s32 @!p0 $0x6780;
	[sflag:s20] =	ssyncadd.s32 @!p0 $0xFFFFD800  }
0x5e: {  	[tilespmem:s0], [sflag:$0x1] =	stream.indirect.gather @!p0 [hbm4b:s1+s19], $0x80, s2, s19, $0xb8;
	[tilespmem:$0x1F780] =	vst v63  }
0x5f: {  	s30 =	simm.s32 $0xF0;
	s25 =	sand.u32 $0x1, s29;
	s0 =	simm.s32 @!p0 $0x2  }
0x60: {  	s29 =	simm.s32 $0x2880;
	p2 =	seq.s32 s25, $0x1;
	_ =	swait.ge @!p0 [sflag:s0], $0x2800  }
0x61: {  	s20 =	simm.s32 @!p0 $0x8F80;
	s2 =	simm.s32 $0x4;
	[sflag:s0] =	ssyncset.done @!p0 $0x0  }
.LBB2_4:
0x62: {  	s23 =	simm.s32 @p2 $0x4;
	[sflag:s0] =	ssyncadd.s32 @!p0 $0xFFFFD800  }
0x63: {  	s25 =	smov.u32 s2;
	s2 =	sadd.s32 $0x1, s2;
	s6 =	smov.u32 s30  }
0x64: {  	[spmem:s3] =	stream.indirect.scatter.add.f32 @!p0 [tilespmem:s20], [sflag:$0x4], $0x80, s31, s19, $0xb8;
	[tilespmem:$0x1F780] =	vst v63  }
0x65: {  	p1 =	sne.s32 s2, $0x7D;
	s31 =	smov.u32 s29;
	_ =	swait.ge @p2 [sflag:s23], $0x2800  }
0x66: {  	s0 =	simm.s32 @p2 $0x1;
	p0 =	por p2, p2;
	[sflag:s23] =	ssyncset.done @p2 $0x0  }
0x67: {  	s19 =	simm.s32 @p0 $0x50;
	s20 =	simm.s32 @p0 $0x8F80;
	[sflag:s23] =	ssyncadd.s32 @p0 $0xFFFFD800  }
0x68: {  	[tilespmem:s20], [sflag:$0x2] =	stream.indirect.gather @p0 [hbm4b:s1+s19], $0x80, s30, s19, $0xb8;
	[tilespmem:$0x1F780] =	vst v63  }
0x69: {  	_ =	swait.ge @p0 [sflag:s0], $0x2800  }
0x6a: {  	[sflag:s0] =	ssyncset.done @p0 $0x0  }
0x6b: {  	s20 =	simm.s32 @!p0 $0x3;
	[sflag:s0] =	ssyncadd.s32 @p0 $0xFFFFD800;
	s0 =	simm.s32 @p0 $0x6780  }
0x6c: {  	[spmem:s3] =	stream.indirect.scatter.add.f32 @p0 [tilespmem:s0], [sflag:$0x3], $0x80, s29, s19, $0xb8;
	[tilespmem:$0x1F780] =	vst v63  }
0x6d: {  	s30 =	sadd.s32 $0x50, s30;
	_ =	swait.ge @!p0 [sflag:s20], $0x2800  }
.Ltmp1:
0x6e: {  	s0 =	simm.s32 @!p0 $0x2;
	[sflag:s20] =	ssyncset.done @!p0 $0x0;
	(pc) =	sbr.rel @p1 .LBB2_4-.Ltmp1, $4  }
0x6f: {  	s19 =	simm.s32 @!p0 $0x50;
	[sflag:s20] =	ssyncadd.s32 @!p0 $0xFFFFD800;
	s20 =	simm.s32 @!p0 $0x6780  }
0x70: {  	[tilespmem:s20], [sflag:$0x1] =	stream.indirect.gather @!p0 [hbm4b:s1+s19], $0x80, s6, s19, $0xb8;
	[tilespmem:$0x1F780] =	vst v63  }
0x71: {  	s29 =	sadd.s32 $0x80, s29;
	s6 =	sand.u32 $0x1, s25;
	_ =	swait.ge @!p0 [sflag:s0], $0x2800  }
0x72: {  	s20 =	simm.s32 @!p0 $0x8F80;
	p2 =	seq.s32 s6, $0x1;
	[sflag:s0] =	ssyncset.done @!p0 $0x0  }
0x73: {  	s2 =	simm.s32 @p2 $0x4;
	[sflag:s0] =	ssyncadd.s32 @!p0 $0xFFFFD800  }
0x74: {  	[spmem:s3] =	stream.indirect.scatter.add.f32 @!p0 [tilespmem:s20], [sflag:$0x4], $0x80, s31, s19, $0xb8;
	[tilespmem:$0x1F780] =	vst v63  }
0x75: {  	_ =	swait.ge @p2 [sflag:s2], $0x2800  }
0x76: {  	s0 =	simm.s32 @p2 $0x1;
	p0 =	por p2, p2;
	[sflag:s2] =	ssyncset.done @p2 $0x0  }
0x77: {  	s6 =	simm.s32 @p0 $0x8F80;
	[sflag:s2] =	ssyncadd.s32 @p0 $0xFFFFD800;
	s2 =	simm.s32 @p0 $0x50  }
0x78: {  	[tilespmem:s6], [sflag:$0x2] =	stream.indirect.gather @p0 [hbm4b:s1+s2], $0x80, s30, s2, $0xb8;
	[tilespmem:$0x1F780] =	vst v63  }
0x79: {  	_ =	swait.ge @p0 [sflag:s0], $0x2800  }
0x7a: {  	[sflag:s0] =	ssyncset.done @p0 $0x0  }
0x7b: {  	s6 =	simm.s32 @!p0 $0x3;
	[sflag:s0] =	ssyncadd.s32 @p0 $0xFFFFD800;
	s0 =	simm.s32 @p0 $0x6780  }
0x7c: {  	[spmem:s3] =	stream.indirect.scatter.add.f32 @p0 [tilespmem:s0], [sflag:$0x3], $0x80, s29, s2, $0xb8;
	[tilespmem:$0x1F780] =	vst v63  }
0x7d: {  	_ =	swait.ge @!p0 [sflag:s6], $0x2800  }
0x7e: {  	s0 =	simm.s32 @!p0 $0x2;
	[sflag:s6] =	ssyncset.done @!p0 $0x0  }
0x7f: {  	s2 =	simm.s32 @!p0 $0x50;
	[sflag:s6] =	ssyncadd.s32 @!p0 $0xFFFFD800;
	s6 =	simm.s32 @!p0 $0x6780  }
0x80: {  	[tilespmem:s6], [sflag:$0x1] =	stream.indirect.gather @!p0 [hbm4b:s1+s2], $0x80, s30, s2, $0xb8;
	[tilespmem:$0x1F780] =	vst v63  }
0x81: {  	_ =	swait.ge @!p0 [sflag:s0], $0x2800  }
0x82: {  	[sflag:s0] =	ssyncset.done @!p0 $0x0  }
0x83: {  	s6 =	simm.s32 @!p0 $0x8F80;
	[sflag:s0] =	ssyncadd.s32 @!p0 $0xFFFFD800  }
0x84: {  	[spmem:s3] =	stream.indirect.scatter.add.f32 @!p0 [tilespmem:s6], [sflag:$0x4], $0x80, s29, s2, $0xb8;
	[tilespmem:$0x1F780] =	vst v63  }
0x85: {  	_ =	swait.ge [sflag:s24], $0x2800  }
0x86: {  	[sflag:s24] =	ssyncset.done $0x0  }
0x87: {  	s29 =	simm.s32 $0x6580;
	[sflag:s24] =	ssyncadd.s32 $0xFFFFD800  }
0x88: {  	[spmem:s3] =	stream.indirect.scatter.add.f32 [tilespmem:s17], [sflag:$0x5], $0x80, s29, s22, $0xb8;
	[tilespmem:$0x1F780] =	vst v63  }
0x89: {  	_ =	swait.ge [sflag:s18], $0x2800  }
0x8a: {  	[sflag:s18] =	ssyncset.done $0x0  }
0x8b: {  	[sflag:s18] =	ssyncadd.s32 $0xFFFFD800  }
0x8c: {  	s28 =	sadd.s32 $0x1, s28;
	_ =	swait.ge [sflag:s26], $0x2800  }
0x8d: {  	s31 =	sshrl.u32 s5, $0x3;
	s30 =	stileid.u32;
	[sflag:s26] =	ssyncset.done $0x0  }
0x8e: {  	s0 =	sshll.u32 s30, $0x6;
	p0 =	sne.s32 s28, s16;
	[sflag:s26] =	ssyncadd.s32 $0xFFFFD800  }
.Ltmp2:
0x8f: {  	s0 =	sor.u32 $0x1C05, s0;
	[bflag:$0x0] =	sbarrier.arrive $0xFFFF;
	(pc) =	sbr.rel @p0 .LBB2_1-.Ltmp2, $4  }
0x90: {  	[hbm:s15], [sflag:s0] =	dma.local [spmem:s31], $0x2800  }
0x91: {  	_ =	swait.ge [sflag:s18], $0x2800  }
0x92: {  	[sflag:s18] =	ssyncset.done $0x0  }
0x93: {  	[sflag:s18] =	ssyncadd.s32 $0xFFFFD800  }
0x94: {  	_ =	sfence.sel $0x180000  }
0x95: {  	[bflag:$0x0] =	sbarrier.arrive $0xFFFF  }
0x96: {  	_ =	strace $0x9000004D  }
0x97: {  	s0 =	stileid.u32;
	[bflag:$0x2] =	sbarrier.arrive $0xFFFF  }
0x98: {  	p0 =	sne.s32 s0, $0x0;
	s0 =	rddreg [dreg:$0x3]  }
0x99: {  	s0 =	sadd.s32 @!p0 $0x100000, s0  }
0x9a: {  	[sflag:s0] =	ssyncadd.tile.s32 @!p0 $0x1;
	_ =	shalt  }
.Lfunc_end2:
_tile_overlayer_lowered:
.L_overlay_start_2:
0x9b: {  	(tag) =	ssettag $0x2  }
0x9c: {  	s0 =	rddreg [dreg:$0x0];
	s2 =	stileid.u32  }
0x9d: {  	s1 =	rddreg [dreg:$0x1];
	p0 =	sne.s32 s2, $0x0  }
0x9e: {  	s3 =	rddreg [dreg:$0x2];
	[bflag:$0x3] =	sbarrier.arrive $0xFFFF;
	s2 =	simm.s32 @!p0 $0x1C05  }
0x9f: {  	[timem:s3], [sflag:s2] =	dma.local @!p0 [hbm:s0], s1  }
0xa0: {  	s0 =	simm.s32 @!p0 $0x5  }
0xa1: {  	_ =	swait.ge @!p0 [sflag:s0], s1  }
0xa2: {  	s1 =	ssub.s32 @!p0 $0x0, s1;
	[sflag:s0] =	ssyncset.done @!p0 $0x0  }
0xa3: {  	[sflag:s0] =	ssyncadd.s32 @!p0 s1  }
0xa4: {  	[bflag:$0x3] =	sbarrier.arrive $0xFFFF  }
0xa5: {  	_ =	shalt  }

// kernel: kernel.19.cloned.1.call-start
scs
__scs_entry_jumppad:
0x0: {  	(pc) =	sbr.rel $0x88, $3  }
0x1: {  	(tag) =	ssettag $0x0;
	lr =	simm.s32 $0x1  }
0x2: {  	[smem:$0x3F9B] =	sst lr;
	_ =	strace $0xD0000000  }
0x3: {  	_ = 	snop  }
0x4: {  	_ = 	snop  }
0x5: {  	_ = 	snop  }
0x6: {  	_ = 	snop  }
0x7: {  	_ = 	snop  }
__scs_overlays_trampoline_lowered:
0x8: {  	[smem:$0x3FAA] =	sst s0  }
0x9: {  	[smem:$0x3FAB] =	sst s1  }
0xa: {  	[smem:$0x3FAC] =	sst s2  }
0xb: {  	[smem:$0x3FAD] =	sst s3  }
0xc: {  	[smem:$0x3FAE] =	sst s4  }
0xd: {  	[smem:$0x3FAF] =	sst s5  }
0xe: {  	[smem:$0x3FB0] =	sst s6  }
0xf: {  	[smem:$0x3FB1] =	sst s7  }
0x10: {  	[smem:$0x3FB2] =	sst s8  }
0x11: {  	[smem:$0x3FB3] =	sst s9;
	s0 =	simm.s32 @!p0 $0x0  }
0x12: {  	s1 =	sld [smem:$0x3F99];
	s0 =	simm.s32 @p0 $0x1  }
0x13: {  	[smem:$0x3FB4] =	sst s0;
	s0 =	simm.s32 @!p1 $0x0  }
0x14: {  	s2 =	sld [smem:$0x3F98];
	s0 =	simm.s32 @p1 $0x1  }
0x15: {  	[smem:$0x3FB5] =	sst s0;
	s0 =	simm.s32 @!p2 $0x0  }
0x16: {  	s3 =	sld [smem:$0x3FDB];
	s0 =	simm.s32 @p2 $0x1  }
0x17: {  	s4 =	simm.s32 $0x1BF5;
	[smem:$0x3FB7] =	sst s0  }
0x18: {  	s0 =	sld [smem:$0x3F9A];
	_ =	swait.ge [sflag:s4], $0x0  }
0x19: {  	s7 =	sld [smem:$0x3F9B]  }
0x1a: {  	s8 =	sadd.s32 $0xFFFFE003, lr  }
0x1b: {  	s9 =	sadd.s32 $0xFFFFFEF7, lr;
	s5 =	simm.s32 $0xFFFFFFFF;
	p2 =	slt.u32 s8, $0xFFFFF086  }
0x1c: {  	p1 =	slt.u32 s9, $0xF7A;
	s5 =	simm.s32 @!p2 $0x0  }
0x1d: {  	s5 =	simm.s32 @p1 $0x1;
	p0 =	seq.s32 s7, s2  }
0x1e: {  	s7 =	smul.u32 @!p0 $0xF7A, s2;
	p2 =	seq.s32 @!p0 s5, $0x0  }
0x1f: {  	s9 =	smul.u32 $0xF7A, s1;
	s8 =	simm.s32 @!p0 $0x1BF5;
	p2 =	por !p2, p0  }
0x20: {  	[sflag:s8] =	ssyncset.s32 @!p0 $0xFFFFF086;
	s6 =	sadd.s32 @!p0 s3, s7;
	s7 =	simm.s32 @!p0 $0x108  }
0x21: {  	s3 =	sadd.s32 s3, s9;
	s6 =	sadd.s32 @!p0 $0x88, s6;
	s7 =	simm.s32 @p2 $0x1082  }
0x22: {  	[simem:s7], [sflag:s8] =	dma.local @!p0 [hbm:s6], $0xF7A  }
0x23: {  	s9 =	sor.u32 $0xD0000000, s2;
	s6 =	simm.s32 $0x108;
	_ =	swait.ge @!p0 [sflag:s8], $0x0  }
0x24: {  	s3 =	sadd.s32 $0x88, s3;
	s6 =	simm.s32 @!p1 $0x1082;
	[sflag:s4] =	ssyncset.s32 $0xFFFFF086  }
0x25: {  	[simem:s6], [sflag:s4] =	dma.local [hbm:s3], $0xF7A  }
0x26: {  	[smem:$0x3F9B] =	sst s1;
	(tag) =	ssettag s2;
	_ =	strace s9  }
0x27: {  	s1 =	sld [smem:$0x3FAB]  }
0x28: {  	s2 =	sld [smem:$0x3FAC]  }
0x29: {  	s4 =	sld [smem:$0x3FAE]  }
0x2a: {  	p0 =	seq.s32 s5, $0x0;
	s5 =	sld [smem:$0x3FAF]  }
0x2b: {  	s6 =	sld [smem:$0x3FB0]  }
0x2c: {  	s7 =	sld [smem:$0x3FB1]  }
0x2d: {  	s3 =	simm.s32 $0x108;
	s8 =	sld [smem:$0x3FB2]  }
0x2e: {  	s3 =	simm.s32 @!p0 $0x1082;
	s9 =	sld [smem:$0x3FB3]  }
0x2f: {  	lr =	sadd.s32 s0, s3;
	s0 =	sld [smem:$0x3FAA]  }
0x30: {  	s3 =	sld [smem:$0x3FAD]  }
0x31: {  	[smem:$0x3FB6] =	sst s10  }
0x32: {  	s10 =	sld [smem:$0x3FB4];
	_ =	sdelay $0x3  }
0x33: {  	p0 =	seq.s32 s10, $0x1;
	s10 =	sld [smem:$0x3FB6];
	_ =	sdelay $0x3  }
0x34: {  	[smem:$0x3FB6] =	sst s10  }
0x35: {  	s10 =	sld [smem:$0x3FB5];
	_ =	sdelay $0x3  }
0x36: {  	p1 =	seq.s32 s10, $0x1;
	s10 =	sld [smem:$0x3FB6];
	_ =	sdelay $0x3  }
0x37: {  	[smem:$0x3FB6] =	sst s10  }
0x38: {  	s10 =	sld [smem:$0x3FB7]  }
0x39: {  	_ = 	snop;
	(pc) =	sbr.ind lr, $3  }
0x3a: {  	_ = 	snop  }
0x3b: {  	_ = 	snop  }
0x3c: {  	p2 =	seq.s32 s10, $0x1;
	s10 =	sld [smem:$0x3FB6]  }
0x3d: {  	_ =	shalt  }
0x3e: {  	_ =	shalt  }
0x3f: {  	_ =	shalt  }
0x40: {  	_ =	shalt  }
0x41: {  	_ =	shalt  }
0x42: {  	_ =	shalt  }
0x43: {  	_ =	shalt  }
0x44: {  	_ =	shalt  }
0x45: {  	_ =	shalt  }
0x46: {  	_ =	shalt  }
0x47: {  	_ =	shalt  }
0x48: {  	_ =	shalt  }
0x49: {  	_ =	shalt  }
0x4a: {  	_ =	shalt  }
0x4b: {  	_ =	shalt  }
0x4c: {  	_ =	shalt  }
0x4d: {  	_ =	shalt  }
0x4e: {  	_ =	shalt  }
0x4f: {  	_ =	shalt  }
0x50: {  	_ =	shalt  }
0x51: {  	_ =	shalt  }
0x52: {  	_ =	shalt  }
0x53: {  	_ =	shalt  }
0x54: {  	_ =	shalt  }
0x55: {  	_ =	shalt  }
0x56: {  	_ =	shalt  }
0x57: {  	_ =	shalt  }
0x58: {  	_ =	shalt  }
0x59: {  	_ =	shalt  }
0x5a: {  	_ =	shalt  }
0x5b: {  	_ =	shalt  }
0x5c: {  	_ =	shalt  }
0x5d: {  	_ =	shalt  }
0x5e: {  	_ =	shalt  }
0x5f: {  	_ =	shalt  }
0x60: {  	_ =	shalt  }
0x61: {  	_ =	shalt  }
0x62: {  	_ =	shalt  }
0x63: {  	_ =	shalt  }
0x64: {  	_ =	shalt  }
0x65: {  	_ =	shalt  }
0x66: {  	_ =	shalt  }
0x67: {  	_ =	shalt  }
0x68: {  	_ =	shalt  }
0x69: {  	_ =	shalt  }
0x6a: {  	_ =	shalt  }
0x6b: {  	_ =	shalt  }
0x6c: {  	_ =	shalt  }
0x6d: {  	_ =	shalt  }
0x6e: {  	_ =	shalt  }
0x6f: {  	_ =	shalt  }
0x70: {  	_ =	shalt  }
0x71: {  	_ =	shalt  }
0x72: {  	_ =	shalt  }
0x73: {  	_ =	shalt  }
0x74: {  	_ =	shalt  }
0x75: {  	_ =	shalt  }
0x76: {  	_ =	shalt  }
0x77: {  	_ =	shalt  }
0x78: {  	_ =	shalt  }
0x79: {  	_ =	shalt  }
0x7a: {  	_ =	shalt  }
0x7b: {  	_ =	shalt  }
0x7c: {  	_ =	shalt  }
0x7d: {  	_ =	shalt  }
0x7e: {  	_ =	shalt  }
0x7f: {  	_ =	shalt  }
0x80: {  	_ =	shalt  }
0x81: {  	_ =	shalt  }
0x82: {  	_ =	shalt  }
0x83: {  	_ =	shalt  }
0x84: {  	_ =	shalt  }
0x85: {  	_ =	shalt  }
0x86: {  	_ =	shalt  }
0x87: {  	_ =	shalt  }
.Lfunc_end0:
.L_simem_size_0:
called_computation.3_lowered:
.L_overlay_start_0:
0x88: {  	s2 =	sld [smem:$0x3FD9]  }
0x89: {  	s3 =	sld [smem:$0x3FFE];
	_ =	sdelay $0x1  }
0x8a: {  	s1 =	srdreg.scid  }
0x8b: {  	s0 =	sand.u32 $0x1, s1  }
0x8c: {  	s17 =	sshll.u32 s0, $0xA;
	s2 =	sadd.s32 s3, s2  }
0x8d: {  	s2 =	sadd.s32 s2, s17  }
0x8e: {  	[smem:$0x3FC2] =	sst s2  }
0x8f: {  	_ = 	snop  }
0x90: {  	s2 =	sld [smem:$0x3FD0];
	(tm) =	ssettm $0x1  }
0x91: {  	s18 =	sld [smem:$0x3FFB];
	_ =	sdelay $0x3  }
0x92: {  	_ =	strace s18  }
0x93: {  	s3 =	sld [smem:$0x3FFC];
	_ =	sdelay $0x3  }
0x94: {  	_ =	strace s3  }
0x95: {  	s3 =	sld [smem:$0x3FFD];
	_ =	sdelay $0x3  }
0x96: {  	_ =	strace s3  }
0x97: {  	_ =	strace $0x8FFFFFFF  }
0x98: {  	s19 =	sld [smem:$0x3FDB];
	_ =	sdelay $0x1  }
0x99: {  	s4 =	simm.s32 $_scs_section_size  }
0x9a: {  	s5 =	simm.s32 $_size__tile_overlayer_lowered;
	s6 =	simm.s32 $_tile_overlayer_lowered  }
0x9b: {  	s22 =	simm.s32 $0x1BFF;
	s21 =	sshll.u32 s6, $0x1;
	s3 =	sadd.s32 s4, s19  }
0x9c: {  	s7 =	simm.s32 $0x0;
	s20 =	sshll.u32 s5, $0x1;
	s5 =	sadd.s32 s21, s3  }
0x9d: {  	[timem:s7], [sflag:s22] =	dma.local [hbm:s5], s20  }
0x9e: {  	_ =	swait.ge [sflag:s22], s20  }
0x9f: {  	s4 =	ssub.s32 $0x0, s20;
	[sflag:s22] =	ssyncset.done $0x0  }
0xa0: {  	[sflag:s22] =	ssyncadd.s32 s4;
	_ =	sdelay $0x1  }
0xa1: {  	s23 =	simm.s32 $0x1B8B  }
0xa2: {  	_ =	swait.ge [sflag:s23], $0x1  }
0xa3: {  	[sflag:s23] =	ssyncset.done $0x0  }
0xa4: {  	s25 =	simm.s32 $0x1B8E;
	s24 =	sld [smem:$0x3FFE];
	[sflag:s23] =	ssyncadd.s32 $0xFFFFFFFF  }
0xa5: {  	s26 =	simm.s32 $execute0_lowered;
	[smem:$0x3FD2] =	sst s25  }
0xa6: {  	s5 =	sshll.u32 s26, $0x1;
	_ =	strace $0x8000004F;
	[dreg:$0x1] =	wrdreg $0xFFFFFFFF  }
0xa7: {  	s28 =	simm.s32 $_size_execute0_lowered;
	s3 =	sadd.s32 s3, s5;
	[dreg:$0x0] =	wrdreg $0x0  }
0xa8: {  	s5 =	sshll.u32 s28, $0x1;
	[dreg:$0x2] =	wrdreg s3  }
0xa9: {  	[dreg:$0x3] =	wrdreg s5  }
0xaa: {  	[dreg:$0x4] =	wrdreg $0xC0  }
0xab: {  	_ =	task [dreg:s7], $0x5FFFF  }
0xac: {  	[dreg:$0x1] =	wrdreg $0xFFFFFFFF  }
0xad: {  	[dreg:$0x0] =	wrdreg $0x60  }
0xae: {  	[dreg:$0x2] =	wrdreg s24  }
0xaf: {  	[dreg:$0x3] =	wrdreg s2  }
0xb0: {  	[dreg:$0x4] =	wrdreg $0x9  }
0xb1: {  	_ =	task.clear_ibuf [dreg:s7], $0x5FFFF;
	_ =	strace $0x9000004F  }
0xb2: {  	s29 =	simm.s32 $0x9;
	_ =	strace $0x80000051  }
0xb3: {  	_ =	swait.ge [sflag:s29], $0x1  }
0xb4: {  	[sflag:s29] =	ssyncadd.s32 $0xFFFFFFFF  }
0xb5: {  	_ =	strace $0x90000051  }
0xb6: {  	_ =	sfence  }
0xb7: {  	s30 =	sld [smem:$0x0];
	_ =	sdelay $0x2  }
0xb8: {  	s31 =	sshll.u32 s1, $0xD;
	s1 =	sshrl.u32 s1, $0x2  }
0xb9: {  	s3 =	sand.u32 $0x4000, s31;
	s1 =	sadd.s32 s1, s30  }
0xba: {  	s0 =	sor.u32 s3, s0;
	s1 =	sshll.u32 s1, $0x11  }
0xbb: {  	s0 =	sor.u32 s1, s0  }
0xbc: {  	s0 =	sadd.s32 $0x8F2B, s0  }
0xbd: {  	[sflag:s0] =	ssyncadd.remote.s32 $0x1  }
0xbe: {  	_ =	sfence.sel $0xFFFF  }
0xbf: {  	[dreg:$0x0] =	wrdreg $0xFFFFFFFF;
	(pc) =	sbr.abs _section_cstart, $3  }
0xc0: {  	[dreg:$0x1] =	wrdreg $0xFFFFFFFF  }
0xc1: {  	_ =	task.clear_ibuf [dreg:s7], $0x2FFFF;
	_ =	strace $0x9FFFFFFF  }
0xc2: {  	(tm) =	ssettm $0x7FFFFFFF  }
0xc3: {  	_ =	shalt  }
tec
execute0_lowered:
.L_overlay_start_1:
0x0: {  	(tag) =	ssettag $0x1  }
0x1: {  	s4 =	rddreg [dreg:$0x0]  }
0x2: {  	s6 =	rddreg [dreg:$0x1]  }
0x3: {  	s0 =	rddreg [dreg:$0x2];
	s3 =	srdreg.scid  }
0x4: {  	s2 =	simm.s32 $0x0;
	s1 =	stileid.u32;
	s12 =	simm.s32 $0x2  }
0x5: {  	s13 =	simm.s32 $0xA800;
	s14 =	simm.s32 $0x3;
	s15 =	simm.s32 $0x400  }
0x6: {  	s16 =	simm.s32 $0x800;
	s17 =	simm.s32 $0x1;
	s18 =	simm.s32 $0x7E00  }
0x7: {  	s19 =	simm.s32 $0x4;
	s20 =	simm.s32 $0x0;
	s5 =	sand.u32 $0x1, s3  }
0x8: {  	[smem:$0x7FF] =	sst s2;
	s7 =	sshll.u32 s1, $0xB;
	s10 =	smul.u32 $0x4E200, s1  }
0x9: {  	s3 =	sshll.u32 s5, $0xF;
	_ =	strace $0x80000050;
	s30 =	ssub.s32 $0x2, s5  }
0xa: {  	s9 =	sshll.u32 s5, $0x7;
	s7 =	sor.u32 s7, s3;
	s3 =	sadd.s32 $0x2A00, s4  }
.Ltmp0:
0xb: {  	s8 =	sshrl.u32 s30, $0x1;
	s11 =	sadd.s32 s6, s9;
	(pc) =	sbr.rel .LBB2_1-.Ltmp0, $4  }
0xc: {  	s7 =	sadd.s32 s7, s4;
	s8 =	ssub.s32 s30, s8;
	s31 =	sadd.s32 s11, s10  }
0xd: {  	s10 =	sadd.s32 s10, s6;
	s11 =	simm.s32 $0x8000;
	s4 =	sadd.s32 $0xB4800, s7  }
0xe: {  	s5 =	sadd.s32 $0xC4800, s7;
	s6 =	smax.u32 s8, $0x1;
	s7 =	sadd.s32 $0x4D800, s31  }
0xf: {  	s8 =	sadd.s32 s9, s10;
	s9 =	simm.s32 $0x5;
	s10 =	simm.s32 $0x50  }
.LBB2_10:
0x10: {  	_ =	swait.ge [sflag:s17], $0x2800  }
0x11: {  	[sflag:s17] =	ssyncset.done $0x0  }
0x12: {  	[sflag:s17] =	ssyncadd.s32 $0xFFFFD800  }
0x13: {  	[tilespmem:s11], [sflag:$0x1] =	stream.indirect.gather.add.f32 [hbm:s3], $0x80, s18, s10, $0xb8;
	[tilespmem:$0xD000] =	vst v63  }
0x14: {  	_ =	swait.ge [sflag:s17], $0x2800  }
0x15: {  	[sflag:s17] =	ssyncset.done $0x0  }
0x16: {  	s20 =	sadd.s32 $0x1, s20;
	[sflag:s17] =	ssyncadd.s32 $0xFFFFD800  }
0x17: {  	[hbm4b:s7+s15] =	stream.strided.scatter [tilespmem:s11], [sflag:$0x3], $0x2800, s16, s15, $0x38;
	[tilespmem:$0xD000] =	vst v63  }
0x18: {  	p0 =	sne.s32 s20, s6;
	_ =	swait.ge [sflag:s14], $0x2800  }
.Ltmp1:
0x19: {  	[sflag:s14] =	ssyncset.done $0x0;
	(pc) =	sbr.rel @!p0 .LBB2_11-.Ltmp1, $4  }
0x1a: {  	[sflag:s14] =	ssyncadd.s32 $0xFFFFD800  }
0x1b: {  	_ =	swait.ge [sflag:s19], $0x2800  }
0x1c: {  	[sflag:s19] =	ssyncset.done $0x0  }
0x1d: {  	[sflag:s19] =	ssyncadd.s32 $0xFFFFD800  }
.LBB2_1:
0x1e: {  	[tilespmem:s2], [sflag:$0x5] =	stream.linear.gather [hbm4b:s4+s2], $0x3E80, $0x38;
	[tilespmem:$0xD000] =	vst v63  }
0x1f: {  	_ =	swait.ge [sflag:s9], $0x3E80  }
0x20: {  	[sflag:s9] =	ssyncset.done $0x0  }
0x21: {  	s21 =	simm.s32 $0x4000;
	[sflag:s9] =	ssyncadd.s32 $0xFFFFC180  }
0x22: {  	[tilespmem:s21], [sflag:$0x5] =	stream.linear.gather [hbm4b:s5+s2], $0x3E80, $0x38;
	[tilespmem:$0xD000] =	vst v63  }
.Ltmp2:
0x23: {  	_ = 	snop;
	(pc) =	sbr.rel .LBB2_2-.Ltmp2, $4  }
0x24: {  	_ =	swait.ge [sflag:s9], $0x3E80  }
0x25: {  	s22 =	simm.s32 $0x80;
	[sflag:s9] =	ssyncset.done $0x0  }
0x26: {  	s23 =	smov.u32 s8;
	s24 =	simm.s32 $0x0;
	[sflag:s9] =	ssyncadd.s32 $0xFFFFC180  }
0x27: {  	[tilespmem:s11], [sflag:$0x1] =	stream.indirect.gather [hbm4b:s3+s10], $0x80, s2, s10, $0xb8;
	[tilespmem:$0xD000] =	vst v63  }
.LBB2_8:
0x28: {  	_ =	swait.ge [sflag:s12], $0x2800  }
0x29: {  	[sflag:s12] =	ssyncset.done $0x0  }
0x2a: {  	[sflag:s12] =	ssyncadd.s32 $0xFFFFD800  }
0x2b: {  	[tilespmem:s13], [sflag:$0x2] =	stream.indirect.gather.add.f32 [hbm:s3], $0x80, s21, s10, $0xb8;
	[tilespmem:$0xD000] =	vst v63  }
0x2c: {  	_ =	swait.ge [sflag:s14], $0x2800  }
0x2d: {  	[sflag:s14] =	ssyncset.done $0x0  }
0x2e: {  	[sflag:s14] =	ssyncadd.s32 $0xFFFFD800  }
0x2f: {  	[tilespmem:s11], [sflag:$0x1] =	stream.indirect.gather [hbm4b:s3+s10], $0x80, s22, s10, $0xb8;
	[tilespmem:$0xD000] =	vst v63  }
0x30: {  	_ =	swait.ge [sflag:s12], $0x2800  }
0x31: {  	[sflag:s12] =	ssyncset.done $0x0  }
0x32: {  	[sflag:s12] =	ssyncadd.s32 $0xFFFFD800  }
0x33: {  	[hbm4b:s23+s15] =	stream.strided.scatter [tilespmem:s13], [sflag:$0x4], $0x2800, s16, s15, $0x38;
	[tilespmem:$0xD000] =	vst v63  }
.LBB2_9:
0x34: {  	s24 =	sadd.s32 $0x1, s24  }
0x35: {  	p0 =	sne.s32 s24, $0x7C  }
.Ltmp3:
0x36: {  	_ = 	snop;
	(pc) =	sbr.rel @!p0 .LBB2_10-.Ltmp3, $2  }
0x37: {  	_ =	sdelay $0x2  }
0x38: {  	s21 =	sadd.s32 $0x80, s21;
	s22 =	sadd.s32 $0x80, s22;
	s23 =	sadd.s32 $0xA00, s23  }
.LBB2_2:
0x39: {  	s25 =	sand.u32 $0x1, s24  }
0x3a: {  	p0 =	seq.s32 s25, $0x1  }
.Ltmp4:
0x3b: {  	_ = 	snop;
	(pc) =	sbr.rel @p0 .LBB2_8-.Ltmp4, $1  }
0x3c: {  	_ =	sdelay $0x3  }
0x3d: {  	p0 =	seq.s32 s24, $0x0  }
.Ltmp5:
0x3e: {  	_ = 	snop;
	(pc) =	sbr.rel @p0 .LBB2_6-.Ltmp5, $4  }
0x3f: {  	_ =	swait.ge [sflag:s17], $0x2800  }
0x40: {  	[sflag:s17] =	ssyncset.done $0x0  }
0x41: {  	[sflag:s17] =	ssyncadd.s32 $0xFFFFD800  }
0x42: {  	[tilespmem:s11], [sflag:$0x1] =	stream.indirect.gather.add.f32 [hbm:s3], $0x80, s21, s10, $0xb8;
	[tilespmem:$0xD000] =	vst v63  }
0x43: {  	p0 =	seq.s32 s24, $0x7C  }
.Ltmp6:
0x44: {  	_ = 	snop;
	(pc) =	sbr.rel @p0 .LBB2_7-.Ltmp6, $1  }
0x45: {  	_ =	sdelay $0x3  }
0x46: {  	_ =	swait.ge [sflag:s19], $0x2800  }
0x47: {  	[sflag:s19] =	ssyncset.done $0x0  }
0x48: {  	[sflag:s19] =	ssyncadd.s32 $0xFFFFD800  }
.LBB2_6:
0x49: {  	[tilespmem:s13], [sflag:$0x2] =	stream.indirect.gather [hbm4b:s3+s10], $0x80, s22, s10, $0xb8;
	[tilespmem:$0xD000] =	vst v63  }
.LBB2_7:
0x4a: {  	p0 =	seq.s32 s25, $0x0  }
.Ltmp7:
0x4b: {  	_ = 	snop;
	(pc) =	sbr.rel @p0 .LBB2_9-.Ltmp7, $4  }
.Ltmp8:
0x4c: {  	_ =	swait.ge [sflag:s17], $0x2800;
	(pc) =	sbr.rel @!p0 .LBB2_8-.Ltmp8, $4  }
0x4d: {  	[sflag:s17] =	ssyncset.done $0x0  }
0x4e: {  	[sflag:s17] =	ssyncadd.s32 $0xFFFFD800  }
0x4f: {  	[hbm4b:s23+s15] =	stream.strided.scatter [tilespmem:s11], [sflag:$0x3], $0x2800, s16, s15, $0x38;
	[tilespmem:$0xD000] =	vst v63  }
0x50: {  	_ = 	snop  }
.LBB2_11:
0x51: {  	_ =	sfence.sel $0x180000  }
0x52: {  	[bflag:$0x0] =	sbarrier.arrive $0xFFFF  }
0x53: {  	p0 =	sne.s32 s1, $0x0;
	_ =	strace $0x90000050  }
0x54: {  	s0 =	sadd.s32 @!p0 $0x100000, s0;
	[bflag:$0x2] =	sbarrier.arrive $0xFFFF  }
0x55: {  	[sflag:s0] =	ssyncadd.tile.s32 @!p0 $0x1;
	_ =	shalt  }
.Lfunc_end2:
_tile_overlayer_lowered:
.L_overlay_start_2:
0x56: {  	(tag) =	ssettag $0x2  }
0x57: {  	s0 =	rddreg [dreg:$0x0];
	s2 =	stileid.u32  }
0x58: {  	s1 =	rddreg [dreg:$0x1];
	p0 =	sne.s32 s2, $0x0  }
0x59: {  	s3 =	rddreg [dreg:$0x2];
	[bflag:$0x3] =	sbarrier.arrive $0xFFFF;
	s2 =	simm.s32 @!p0 $0x1C05  }
0x5a: {  	[timem:s3], [sflag:s2] =	dma.local @!p0 [hbm:s0], s1  }
0x5b: {  	s0 =	simm.s32 @!p0 $0x5  }
0x5c: {  	_ =	swait.ge @!p0 [sflag:s0], s1  }
0x5d: {  	s1 =	ssub.s32 @!p0 $0x0, s1;
	[sflag:s0] =	ssyncset.done @!p0 $0x0  }
0x5e: {  	[sflag:s0] =	ssyncadd.s32 @!p0 s1  }
0x5f: {  	[bflag:$0x3] =	sbarrier.arrive $0xFFFF  }
0x60: {  	_ =	shalt  }

</sc_bundles>
